<compile_context>
chip_gen: v7x
topology: tpu7x:2x2x1
jax: 0.10.2.dev20260603
libtpu: 0.0.44.dev20260713+nightly
codegen_flags: <defaults>
</compile_context>

<pallas_src>
import functools

import jax
import jax.numpy as jnp
from jax import lax
from jax.experimental import pallas as pl
from jax.experimental.pallas import tpu as pltpu
from jax.experimental.pallas import tpu_sc as plsc

N_NODES = 10000
N_EDGES = 320000
D_IN = 128
D_H = 256
N_CLASSES = 32
N_GRAPHS = 128

NUM_CORES = 2
NUM_SUBCORES = 16
CHUNK = 128

DH = 128

KB1, OB1 = 20, 4
KB2, OB2 = 20, 8
E_PAD = 327680

N_PAD = 10112
ROWS_PER_TILE = N_PAD // NUM_SUBCORES


def _make_aggregate(nblocks, kb, dtype, tail):
    mesh = plsc.VectorSubcoreMesh(core_axis_name="c", subcore_axis_name="s")

    @functools.partial(
        pl.kernel,
        out_type=jax.ShapeDtypeStruct((NUM_CORES, N_PAD) + tail, dtype),
        mesh=mesh,
        scratch_types=[
            pltpu.VMEM((kb, CHUNK), jnp.int32),
            pltpu.VMEM((kb, CHUNK), jnp.int32),
            pltpu.VMEM((kb, CHUNK), jnp.int32),
            pltpu.VMEM((kb, CHUNK), jnp.int32),
            pltpu.VMEM((CHUNK,) + tail, dtype),
            pltpu.VMEM((CHUNK,) + tail, dtype),
            pltpu.VMEM_SHARED((N_PAD,) + tail, dtype),
            pltpu.SemaphoreType.DMA,
            pltpu.SemaphoreType.DMA,
            pltpu.SemaphoreType.DMA,
        ],
    )
    def agg(table, src5, dst5, zeros, out, sv0, dv0, sv1, dv1, r0, r1, acc,
            semA, semB, semI):
        c = lax.axis_index("c")
        s = lax.axis_index("s")
        rbase = s * ROWS_PER_TILE
        pltpu.sync_copy(zeros.at[pl.ds(rbase, ROWS_PER_TILE)],
                        acc.at[pl.ds(rbase, ROWS_PER_TILE)])
        plsc.subcore_barrier()
        pltpu.sync_copy(src5.at[c, s, 0], sv0)
        pltpu.sync_copy(dst5.at[c, s, 0], dv0)

        def process_block(ob, src_v, dst_v, nsv, ndv):
            @pl.when(ob + 1 < nblocks)
            def _pf():
                pltpu.async_copy(src5.at[c, s, ob + 1], nsv, semI)
                pltpu.async_copy(dst5.at[c, s, ob + 1], ndv, semI)

            pltpu.async_copy(table.at[src_v.at[0]], r0, semA)
            pltpu.async_copy(table.at[src_v.at[1]], r1, semB)

            def inner(p, carry2):
                j0 = 2 * p
                pltpu.make_async_copy(table.at[src_v.at[j0]], r0, semA).wait()
                pltpu.sync_copy(r0, acc.at[dst_v.at[j0]], add=True)
                pltpu.async_copy(table.at[src_v.at[j0 + 2]], r0, semA)
                pltpu.make_async_copy(table.at[src_v.at[j0 + 1]], r1, semB).wait()
                pltpu.sync_copy(r1, acc.at[dst_v.at[j0 + 1]], add=True)
                pltpu.async_copy(table.at[src_v.at[j0 + 3]], r1, semB)
                return carry2

            lax.fori_loop(0, kb // 2 - 1, inner, 0)
            j0 = kb - 2
            pltpu.make_async_copy(table.at[src_v.at[j0]], r0, semA).wait()
            pltpu.sync_copy(r0, acc.at[dst_v.at[j0]], add=True)
            pltpu.make_async_copy(table.at[src_v.at[j0 + 1]], r1, semB).wait()
            pltpu.sync_copy(r1, acc.at[dst_v.at[j0 + 1]], add=True)

            @pl.when(ob + 1 < nblocks)
            def _pfw():
                pltpu.make_async_copy(src5.at[c, s, ob + 1], nsv, semI).wait()
                pltpu.make_async_copy(dst5.at[c, s, ob + 1], ndv, semI).wait()

        def outer(q, carry):
            ob = 2 * q
            process_block(ob, sv0, dv0, sv1, dv1)
            process_block(ob + 1, sv1, dv1, sv0, dv0)
            return carry

        lax.fori_loop(0, nblocks // 2, outer, 0)
        plsc.subcore_barrier()
        pltpu.sync_copy(acc.at[pl.ds(rbase, ROWS_PER_TILE)],
                        out.at[c, pl.ds(rbase, ROWS_PER_TILE)])

    return agg


_agg1 = _make_aggregate(OB1, KB1, jnp.float32, (DH,))
_agg2 = _make_aggregate(OB2, KB2, jnp.float32, (DH,))


def _mlp_body(a0_ref, a1_ref, h_ref, wa_ref, ba_ref, wb_ref, bb_ref,
              o_ref, o2_ref):
    z = h_ref[...] + a0_ref[...] + a1_ref[...]
    t = jnp.dot(z, wa_ref[...], preferred_element_type=jnp.float32) + ba_ref[...]
    t = jnp.maximum(t, 0.0)
    h1 = jnp.dot(t, wb_ref[...], preferred_element_type=jnp.float32) + bb_ref[...]
    o_ref[...] = h1
    dh2 = h1.shape[1] // 2
    o2_ref[...] = h1.reshape(h1.shape[0], 2, dh2).transpose(1, 0, 2)


def _mlp(a0, a1, h, wa, ba, wb, bb):
    n, d = h.shape
    dh = a0.shape[1]
    dmid = wa.shape[1]
    dout = wb.shape[1]
    blk = 2000
    grid = n // blk
    return pl.pallas_call(
        _mlp_body,
        grid=(grid,),
        in_specs=[
            pl.BlockSpec((blk, dh), lambda i: (i, 0)),
            pl.BlockSpec((blk, dh), lambda i: (i, 0)),
            pl.BlockSpec((blk, d), lambda i: (i, 0)),
            pl.BlockSpec((d, dmid), lambda i: (0, 0)),
            pl.BlockSpec((1, dmid), lambda i: (0, 0)),
            pl.BlockSpec((dmid, dout), lambda i: (0, 0)),
            pl.BlockSpec((1, dout), lambda i: (0, 0)),
        ],
        out_specs=[
            pl.BlockSpec((blk, dout), lambda i: (i, 0)),
            pl.BlockSpec((2, blk, dout // 2), lambda i: (0, i, 0)),
        ],
        out_shape=[
            jax.ShapeDtypeStruct((n, dout), jnp.float32),
            jax.ShapeDtypeStruct((2, n, dout // 2), jnp.float32),
        ],
    )(a0, a1, h, wa, ba.reshape(1, -1), wb, bb.reshape(1, -1))


def _mlp_pool_body(a0_ref, a1_ref, h_ref, wa_ref, ba_ref, wb_ref, bb_ref,
                   b_ref, w3_ref, b3_ref, o_ref, acc_ref):
    i = pl.program_id(0)
    z = h_ref[...] + jnp.concatenate([a0_ref[...], a1_ref[...]], axis=1)
    t = jnp.dot(z, wa_ref[...], preferred_element_type=jnp.float32) + ba_ref[...]
    t = jnp.maximum(t, 0.0)
    h2 = jnp.dot(t, wb_ref[...], preferred_element_type=jnp.float32) + bb_ref[...]

    @pl.when(i == 0)
    def _init():
        acc_ref[...] = jnp.zeros_like(acc_ref)

    blk = b_ref.shape[2]
    seg = lax.broadcasted_iota(jnp.int32, (N_GRAPHS, blk), 0)
    mask = (seg == b_ref[...].reshape(1, blk)).astype(jnp.float32)
    acc_ref[...] += jnp.dot(mask, h2, preferred_element_type=jnp.float32)

    @pl.when(i == pl.num_programs(0) - 1)
    def _fin():
        o_ref[...] = (jnp.dot(acc_ref[...], w3_ref[...],
                              preferred_element_type=jnp.float32) + b3_ref[...])


def _mlp_pool(a0, a1, h, wa, ba, wb, bb, batch3d, w3, b3):
    n, d = h.shape
    dh = a0.shape[1]
    dmid = wa.shape[1]
    dout = wb.shape[1]
    dcls = w3.shape[1]
    blk = 2000
    grid = n // blk
    return pl.pallas_call(
        _mlp_pool_body,
        grid=(grid,),
        in_specs=[
            pl.BlockSpec((blk, dh), lambda i: (i, 0)),
            pl.BlockSpec((blk, dh), lambda i: (i, 0)),
            pl.BlockSpec((blk, d), lambda i: (i, 0)),
            pl.BlockSpec((d, dmid), lambda i: (0, 0)),
            pl.BlockSpec((1, dmid), lambda i: (0, 0)),
            pl.BlockSpec((dmid, dout), lambda i: (0, 0)),
            pl.BlockSpec((1, dout), lambda i: (0, 0)),
            pl.BlockSpec((1, 1, blk), lambda i: (i, 0, 0)),
            pl.BlockSpec((dout, dcls), lambda i: (0, 0)),
            pl.BlockSpec((1, dcls), lambda i: (0, 0)),
        ],
        out_specs=pl.BlockSpec((N_GRAPHS, dcls), lambda i: (0, 0)),
        out_shape=jax.ShapeDtypeStruct((N_GRAPHS, dcls), jnp.float32),
        scratch_shapes=[pltpu.VMEM((N_GRAPHS, dout), jnp.float32)],
    )(a0, a1, h, wa, ba.reshape(1, -1), wb, bb.reshape(1, -1),
      batch3d, w3, b3.reshape(1, -1))


def kernel(x, edge_index, batch, W1a, b1a, W1b, b1b, W2a, b2a, W2b, b2b, W3, b3):
    src = edge_index[0].astype(jnp.int32)
    dst = edge_index[1].astype(jnp.int32)
    zeros = jnp.zeros((N_PAD, DH), jnp.float32)
    batch3d = batch.astype(jnp.int32).reshape(N_NODES // 2000, 1, 2000)

    pad = E_PAD - N_EDGES
    src_p = jnp.concatenate([src, jnp.zeros((pad,), jnp.int32)])
    dst_p = jnp.concatenate([dst, jnp.full((pad,), N_NODES, jnp.int32)])

    src4 = src_p.reshape(NUM_CORES, NUM_SUBCORES, OB1, KB1, CHUNK)
    dst4 = dst_p.reshape(NUM_CORES, NUM_SUBCORES, OB1, KB1, CHUNK)

    sbase = src_p.reshape(NUM_SUBCORES, OB2, KB2, CHUNK)
    src3 = jnp.stack([sbase, sbase + N_NODES])
    dbase = dst_p.reshape(NUM_SUBCORES, OB2, KB2, CHUNK)
    dst3 = jnp.stack([dbase, dbase])

    a = _agg1(x, src4, dst4, zeros)
    h1, h1split = _mlp(a[0, :N_NODES], a[1, :N_NODES], x, W1a, b1a, W1b, b1b)
    a2 = _agg2(h1split.reshape(2 * N_NODES, DH), src3, dst3, zeros)
    return _mlp_pool(a2[0, :N_NODES], a2[1, :N_NODES], h1, W2a, b2a, W2b, b2b,
                     batch3d, W3, b3)

# --- scband reference (transcript-rebuilt; emitter-appended) ---
"""Pipeline reference for scband-gin-45603962749573 (READ-ONLY COPY).

The authoritative reference and input builder live on the scoring server;
editing this copy changes nothing except your own understanding.
"""

import jax, jax.numpy as jnp
import numpy as np

N_NODES = 10000
N_EDGES = 320000
D_IN = 128
D_H = 256
N_CLASSES = 32
N_GRAPHS = 128


def setup_inputs(seed: int = 0) -> dict:
    key = jax.random.key(seed)
    ks = jax.random.split(key, 12)
    x = jax.random.normal(ks[0], (N_NODES, D_IN), dtype=jnp.float32)
    edge_index = jax.random.randint(ks[1], (2, N_EDGES), 0, N_NODES, dtype=jnp.int64)
    batch = jnp.sort(jax.random.randint(ks[2], (N_NODES,), 0, N_GRAPHS, dtype=jnp.int64))
    def lin(k, fan_in, fan_out):
        return jax.random.normal(k, (fan_in, fan_out), dtype=jnp.float32) / jnp.sqrt(fan_in)
    W1a = lin(ks[3], D_IN, D_H); b1a = jnp.zeros((D_H,), jnp.float32)
    W1b = lin(ks[4], D_H, D_H); b1b = jnp.zeros((D_H,), jnp.float32)
    W2a = lin(ks[5], D_H, D_H); b2a = jnp.zeros((D_H,), jnp.float32)
    W2b = lin(ks[6], D_H, D_H); b2b = jnp.zeros((D_H,), jnp.float32)
    W3 = lin(ks[7], D_H, N_CLASSES); b3 = jnp.zeros((N_CLASSES,), jnp.float32)
    return {"x": x, "edge_index": edge_index, "batch": batch,
            "W1a": W1a, "b1a": b1a, "W1b": W1b, "b1b": b1b,
            "W2a": W2a, "b2a": b2a, "W2b": W2b, "b2b": b2b,
            "W3": W3, "b3": b3}


def reference(x, edge_index, batch, W1a, b1a, W1b, b1b, W2a, b2a, W2b, b2b, W3, b3):
    src = edge_index[0]
    dst = edge_index[1]

    def gin_conv(h, Wa, ba, Wb, bb):
        # GINConv with eps=0: nn((1+eps)*x + sum_{j in N(i)} x_j)
        msgs = jnp.take(h, src, axis=0)
        aggr = jax.ops.segment_sum(msgs, dst, num_segments=h.shape[0])
        z = h + aggr
        z = jnp.maximum(z @ Wa + ba, 0.0)
        return z @ Wb + bb

    h = gin_conv(x, W1a, b1a, W1b, b1b)
    h = gin_conv(h, W2a, b2a, W2b, b2b)
    pooled = jax.ops.segment_sum(h, batch, num_segments=N_GRAPHS)
    return pooled @ W3 + b3

if __name__ == "__main__":
    import jax
    _d = setup_inputs()
    print(jax.jit(kernel)(*tuple(_d.values())))

</pallas_src>

<mosaic_0001>
#map = affine_map<(d0, d1) -> (0, 0)>
#map1 = affine_map<(d0, d1) -> (0, 0, 0, 0, 0)>
#map2 = affine_map<(d0, d1) -> (0, 0, 0)>
module attributes {stable_mosaic.version = 14 : i64} {
  func.func @agg(%arg0: i32, %arg1: i32, %arg2: memref<10000x128xf32, #tpu.memory_space<hbm>>, %arg3: memref<2x16x4x20x128xi32, #tpu.memory_space<hbm>>, %arg4: memref<2x16x4x20x128xi32, #tpu.memory_space<hbm>>, %arg5: memref<10112x128xf32, #tpu.memory_space<hbm>>, %arg6: memref<2x10112x128xf32, #tpu.memory_space<hbm>>, %arg7: memref<20x128xi32, #tpu.memory_space<vmem>>, %arg8: memref<20x128xi32, #tpu.memory_space<vmem>>, %arg9: memref<20x128xi32, #tpu.memory_space<vmem>>, %arg10: memref<20x128xi32, #tpu.memory_space<vmem>>, %arg11: memref<128x128xf32, #tpu.memory_space<vmem>>, %arg12: memref<128x128xf32, #tpu.memory_space<vmem>>, %arg13: memref<10112x128xf32, #tpu.memory_space<vmem_shared>>, %arg14: memref<!tpu.dma_semaphore, #tpu.memory_space<semaphore_mem>>, %arg15: memref<!tpu.dma_semaphore, #tpu.memory_space<semaphore_mem>>, %arg16: memref<!tpu.dma_semaphore, #tpu.memory_space<semaphore_mem>>) attributes {dimension_semantics = [#tpu.dimension_semantics<core_parallel>, #tpu.dimension_semantics<subcore_parallel>], iteration_bounds = array<i64: 2, 16>, scalar_prefetch = 0 : i64, scratch_operands = 10 : i64, tpu.core_type = #tpu.core_type<sc_vector_subcore>, window_params = [{transform_indices = #map}, {transform_indices = #map1}, {transform_indices = #map1}, {transform_indices = #map}, {transform_indices = #map2}]} {
    %mul3A = arith.constant 632 : i32
    %mul3A_0 = arith.muli %arg1, %mul3A : i32
    "tpu.region"() ({
      %run_scoped3A_8 = tpu.sem_alloc : memref<!tpu.dma_semaphore, #tpu.memory_space<semaphore_mem>>
      %dma_start3A = arith.constant 0 : i32
      %dma_start3A_9 = tpu.memref_slice %arg13[%mul3A_0, %dma_start3A] : memref<10112x128xf32, #tpu.memory_space<vmem_shared>> -> memref<632x128xf32, #tpu.memory_space<vmem_shared>>
      %dma_start3A_10 = arith.constant 0 : i32
      %dma_start3A_11 = tpu.memref_slice %arg5[%mul3A_0, %dma_start3A_10] : memref<10112x128xf32, #tpu.memory_space<hbm>> -> memref<632x128xf32, #tpu.memory_space<hbm>>
      tpu.enqueue_dma source(%dma_start3A_11 : memref<632x128xf32, #tpu.memory_space<hbm>>) target(%dma_start3A_9 : memref<632x128xf32, #tpu.memory_space<vmem_shared>>) target_semaphore(%run_scoped3A_8 : memref<!tpu.dma_semaphore, #tpu.memory_space<semaphore_mem>>)
      %dma_wait3A = arith.constant 0 : i32
      %dma_wait3A_12 = tpu.memref_slice %arg13[%mul3A_0, %dma_wait3A] : memref<10112x128xf32, #tpu.memory_space<vmem_shared>> -> memref<632x128xf32, #tpu.memory_space<vmem_shared>>
      %dma_wait3A_13 = arith.constant 0 : i32
      %dma_wait3A_14 = tpu.memref_slice %arg5[%mul3A_0, %dma_wait3A_13] : memref<10112x128xf32, #tpu.memory_space<hbm>> -> memref<632x128xf32, #tpu.memory_space<hbm>>
      tpu.wait_dma2 semaphore(%run_scoped3A_8 : memref<!tpu.dma_semaphore, #tpu.memory_space<semaphore_mem>>) src(%dma_wait3A_14 : memref<632x128xf32, #tpu.memory_space<hbm>>) dst(%dma_wait3A_12 : memref<632x128xf32, #tpu.memory_space<vmem_shared>>)
      tpu.yield
    }) : () -> ()
    %barrier3A = arith.constant 0 : index
    tpu.barrier barrier_id(%barrier3A)
    %run_scoped3A = arith.constant 0 : i32
    "tpu.region"() ({
      %run_scoped3A_8 = tpu.sem_alloc : memref<!tpu.dma_semaphore, #tpu.memory_space<semaphore_mem>>
      %dma_start3A = arith.constant 0 : i32
      %dma_start3A_9 = arith.constant 0 : i32
      %dma_start3A_10 = tpu.memref_slice %arg3[%arg0, %arg1, %run_scoped3A, %dma_start3A, %dma_start3A_9] : memref<2x16x4x20x128xi32, #tpu.memory_space<hbm>> -> memref<1x1x1x20x128xi32, #tpu.memory_space<hbm>>
      %dma_start3A_11 = tpu.memref_squeeze %dma_start3A_10 : memref<1x1x1x20x128xi32, #tpu.memory_space<hbm>> -> memref<20x128xi32, #tpu.memory_space<hbm>>
      %dma_start3A_12 = arith.constant 0 : i32
      %dma_start3A_13 = arith.constant 0 : i32
      %dma_start3A_14 = tpu.memref_slice %arg3[%arg0, %arg1, %run_scoped3A, %dma_start3A_12, %dma_start3A_13] : memref<2x16x4x20x128xi32, #tpu.memory_space<hbm>> -> memref<1x1x1x20x128xi32, #tpu.memory_space<hbm>>
      %dma_start3A_15 = tpu.memref_squeeze %dma_start3A_14 : memref<1x1x1x20x128xi32, #tpu.memory_space<hbm>> -> memref<20x128xi32, #tpu.memory_space<hbm>>
      tpu.enqueue_dma source(%dma_start3A_15 : memref<20x128xi32, #tpu.memory_space<hbm>>) target(%arg7 : memref<20x128xi32, #tpu.memory_space<vmem>>) target_semaphore(%run_scoped3A_8 : memref<!tpu.dma_semaphore, #tpu.memory_space<semaphore_mem>>)
      %dma_wait3A = arith.constant 0 : i32
      %dma_wait3A_16 = arith.constant 0 : i32
      %dma_wait3A_17 = tpu.memref_slice %arg3[%arg0, %arg1, %run_scoped3A, %dma_wait3A, %dma_wait3A_16] : memref<2x16x4x20x128xi32, #tpu.memory_space<hbm>> -> memref<1x1x1x20x128xi32, #tpu.memory_space<hbm>>
      %dma_wait3A_18 = tpu.memref_squeeze %dma_wait3A_17 : memref<1x1x1x20x128xi32, #tpu.memory_space<hbm>> -> memref<20x128xi32, #tpu.memory_space<hbm>>
      %dma_wait3A_19 = arith.constant 0 : i32
      %dma_wait3A_20 = arith.constant 0 : i32
      %dma_wait3A_21 = tpu.memref_slice %arg3[%arg0, %arg1, %run_scoped3A, %dma_wait3A_19, %dma_wait3A_20] : memref<2x16x4x20x128xi32, #tpu.memory_space<hbm>> -> memref<1x1x1x20x128xi32, #tpu.memory_space<hbm>>
      %dma_wait3A_22 = tpu.memref_squeeze %dma_wait3A_21 : memref<1x1x1x20x128xi32, #tpu.memory_space<hbm>> -> memref<20x128xi32, #tpu.memory_space<hbm>>
      tpu.wait_dma2 semaphore(%run_scoped3A_8 : memref<!tpu.dma_semaphore, #tpu.memory_space<semaphore_mem>>) src(%dma_wait3A_22 : memref<20x128xi32, #tpu.memory_space<hbm>>) dst(%arg7 : memref<20x128xi32, #tpu.memory_space<vmem>>)
      tpu.yield
    }) : () -> ()
    %run_scoped3A_1 = arith.constant 0 : i32
    "tpu.region"() ({
      %run_scoped3A_8 = tpu.sem_alloc : memref<!tpu.dma_semaphore, #tpu.memory_space<semaphore_mem>>
      %dma_start3A = arith.constant 0 : i32
      %dma_start3A_9 = arith.constant 0 : i32
      %dma_start3A_10 = tpu.memref_slice %arg4[%arg0, %arg1, %run_scoped3A_1, %dma_start3A, %dma_start3A_9] : memref<2x16x4x20x128xi32, #tpu.memory_space<hbm>> -> memref<1x1x1x20x128xi32, #tpu.memory_space<hbm>>
      %dma_start3A_11 = tpu.memref_squeeze %dma_start3A_10 : memref<1x1x1x20x128xi32, #tpu.memory_space<hbm>> -> memref<20x128xi32, #tpu.memory_space<hbm>>
      %dma_start3A_12 = arith.constant 0 : i32
      %dma_start3A_13 = arith.constant 0 : i32
      %dma_start3A_14 = tpu.memref_slice %arg4[%arg0, %arg1, %run_scoped3A_1, %dma_start3A_12, %dma_start3A_13] : memref<2x16x4x20x128xi32, #tpu.memory_space<hbm>> -> memref<1x1x1x20x128xi32, #tpu.memory_space<hbm>>
      %dma_start3A_15 = tpu.memref_squeeze %dma_start3A_14 : memref<1x1x1x20x128xi32, #tpu.memory_space<hbm>> -> memref<20x128xi32, #tpu.memory_space<hbm>>
      tpu.enqueue_dma source(%dma_start3A_15 : memref<20x128xi32, #tpu.memory_space<hbm>>) target(%arg8 : memref<20x128xi32, #tpu.memory_space<vmem>>) target_semaphore(%run_scoped3A_8 : memref<!tpu.dma_semaphore, #tpu.memory_space<semaphore_mem>>)
      %dma_wait3A = arith.constant 0 : i32
      %dma_wait3A_16 = arith.constant 0 : i32
      %dma_wait3A_17 = tpu.memref_slice %arg4[%arg0, %arg1, %run_scoped3A_1, %dma_wait3A, %dma_wait3A_16] : memref<2x16x4x20x128xi32, #tpu.memory_space<hbm>> -> memref<1x1x1x20x128xi32, #tpu.memory_space<hbm>>
      %dma_wait3A_18 = tpu.memref_squeeze %dma_wait3A_17 : memref<1x1x1x20x128xi32, #tpu.memory_space<hbm>> -> memref<20x128xi32, #tpu.memory_space<hbm>>
      %dma_wait3A_19 = arith.constant 0 : i32
      %dma_wait3A_20 = arith.constant 0 : i32
      %dma_wait3A_21 = tpu.memref_slice %arg4[%arg0, %arg1, %run_scoped3A_1, %dma_wait3A_19, %dma_wait3A_20] : memref<2x16x4x20x128xi32, #tpu.memory_space<hbm>> -> memref<1x1x1x20x128xi32, #tpu.memory_space<hbm>>
      %dma_wait3A_22 = tpu.memref_squeeze %dma_wait3A_21 : memref<1x1x1x20x128xi32, #tpu.memory_space<hbm>> -> memref<20x128xi32, #tpu.memory_space<hbm>>
      tpu.wait_dma2 semaphore(%run_scoped3A_8 : memref<!tpu.dma_semaphore, #tpu.memory_space<semaphore_mem>>) src(%dma_wait3A_22 : memref<20x128xi32, #tpu.memory_space<hbm>>) dst(%arg8 : memref<20x128xi32, #tpu.memory_space<vmem>>)
      tpu.yield
    }) : () -> ()
    %scan3A = arith.constant 0 : i32
    %scan3A_2 = arith.constant 0 : i32
    %scan3A_3 = arith.constant 2 : i32
    %scan3A_4 = arith.addi %scan3A_2, %scan3A_3 : i32
    %scan3A_5 = arith.constant 1 : i32
    scf.for %scan3A_8 = %scan3A_2 to %scan3A_4 step %scan3A_5  : i32 {
      %mul3A_9 = arith.constant 2 : i32
      %mul3A_10 = arith.muli %mul3A_9, %scan3A_8 : i32
      %add3A = arith.constant 1 : i32
      %add3A_11 = arith.addi %mul3A_10, %add3A : i32
      %lt3A = arith.constant 4 : i32
      %lt3A_12 = arith.cmpi slt, %add3A_11, %lt3A : i32
      %convert_element_type3A = arith.extui %lt3A_12 : i1 to i32
      %cond3A = arith.constant 0 : i32
      %cond3A_13 = arith.cmpi ne, %convert_element_type3A, %cond3A : i32
      scf.if %cond3A_13 {
        %add3A_107 = arith.constant 1 : i32
        %add3A_108 = arith.addi %mul3A_10, %add3A_107 : i32
        %dma_start3A_109 = arith.constant 0 : i32
        %dma_start3A_110 = arith.constant 0 : i32
        %dma_start3A_111 = tpu.memref_slice %arg3[%arg0, %arg1, %add3A_108, %dma_start3A_109, %dma_start3A_110] : memref<2x16x4x20x128xi32, #tpu.memory_space<hbm>> -> memref<1x1x1x20x128xi32, #tpu.memory_space<hbm>>
        %dma_start3A_112 = tpu.memref_squeeze %dma_start3A_111 : memref<1x1x1x20x128xi32, #tpu.memory_space<hbm>> -> memref<20x128xi32, #tpu.memory_space<hbm>>
        %dma_start3A_113 = arith.constant 0 : i32
        %dma_start3A_114 = arith.constant 0 : i32
        %dma_start3A_115 = tpu.memref_slice %arg3[%arg0, %arg1, %add3A_108, %dma_start3A_113, %dma_start3A_114] : memref<2x16x4x20x128xi32, #tpu.memory_space<hbm>> -> memref<1x1x1x20x128xi32, #tpu.memory_space<hbm>>
        %dma_start3A_116 = tpu.memref_squeeze %dma_start3A_115 : memref<1x1x1x20x128xi32, #tpu.memory_space<hbm>> -> memref<20x128xi32, #tpu.memory_space<hbm>>
        tpu.enqueue_dma source(%dma_start3A_116 : memref<20x128xi32, #tpu.memory_space<hbm>>) target(%arg9 : memref<20x128xi32, #tpu.memory_space<vmem>>) target_semaphore(%arg16 : memref<!tpu.dma_semaphore, #tpu.memory_space<semaphore_mem>>)
        %add3A_117 = arith.constant 1 : i32
        %add3A_118 = arith.addi %mul3A_10, %add3A_117 : i32
        %dma_start3A_119 = arith.constant 0 : i32
        %dma_start3A_120 = arith.constant 0 : i32
        %dma_start3A_121 = tpu.memref_slice %arg4[%arg0, %arg1, %add3A_118, %dma_start3A_119, %dma_start3A_120] : memref<2x16x4x20x128xi32, #tpu.memory_space<hbm>> -> memref<1x1x1x20x128xi32, #tpu.memory_space<hbm>>
        %dma_start3A_122 = tpu.memref_squeeze %dma_start3A_121 : memref<1x1x1x20x128xi32, #tpu.memory_space<hbm>> -> memref<20x128xi32, #tpu.memory_space<hbm>>
        %dma_start3A_123 = arith.constant 0 : i32
        %dma_start3A_124 = arith.constant 0 : i32
        %dma_start3A_125 = tpu.memref_slice %arg4[%arg0, %arg1, %add3A_118, %dma_start3A_123, %dma_start3A_124] : memref<2x16x4x20x128xi32, #tpu.memory_space<hbm>> -> memref<1x1x1x20x128xi32, #tpu.memory_space<hbm>>
        %dma_start3A_126 = tpu.memref_squeeze %dma_start3A_125 : memref<1x1x1x20x128xi32, #tpu.memory_space<hbm>> -> memref<20x128xi32, #tpu.memory_space<hbm>>
        tpu.enqueue_dma source(%dma_start3A_126 : memref<20x128xi32, #tpu.memory_space<hbm>>) target(%arg10 : memref<20x128xi32, #tpu.memory_space<vmem>>) target_semaphore(%arg16 : memref<!tpu.dma_semaphore, #tpu.memory_space<semaphore_mem>>)
      } else {
      }
      %dma_start3A = arith.constant 0 : i32
      %dma_start3A_14 = arith.constant 0 : i32
      %dma_start3A_15 = tpu.memref_slice %arg7[%dma_start3A, %dma_start3A_14] : memref<20x128xi32, #tpu.memory_space<vmem>> -> memref<1x128xi32, #tpu.memory_space<vmem>>
      %dma_start3A_16 = tpu.memref_squeeze %dma_start3A_15 : memref<1x128xi32, #tpu.memory_space<vmem>> -> memref<128xi32, #tpu.memory_space<vmem>>
      %dma_start3A_17 = arith.constant 0 : i32
      %dma_start3A_18 = arith.constant 0 : i32
      %dma_start3A_19 = tpu.memref_slice %arg2[%dma_start3A_17, %dma_start3A_18] : memref<10000x128xf32, #tpu.memory_space<hbm>> -> memref<10000x128xf32, #tpu.memory_space<hbm>>
      tpu.enqueue_indirect_dma source(%dma_start3A_19 : memref<10000x128xf32, #tpu.memory_space<hbm>>) target(%arg11 : memref<128x128xf32, #tpu.memory_space<vmem>>) offsets(%dma_start3A_16 : memref<128xi32, #tpu.memory_space<vmem>>) semaphore(%arg14 : memref<!tpu.dma_semaphore, #tpu.memory_space<semaphore_mem>>)
      %dma_start3A_20 = arith.constant 1 : i32
      %dma_start3A_21 = arith.constant 0 : i32
      %dma_start3A_22 = tpu.memref_slice %arg7[%dma_start3A_20, %dma_start3A_21] : memref<20x128xi32, #tpu.memory_space<vmem>> -> memref<1x128xi32, #tpu.memory_space<vmem>>
      %dma_start3A_23 = tpu.memref_squeeze %dma_start3A_22 : memref<1x128xi32, #tpu.memory_space<vmem>> -> memref<128xi32, #tpu.memory_space<vmem>>
      %dma_start3A_24 = arith.constant 0 : i32
      %dma_start3A_25 = arith.constant 0 : i32
      %dma_start3A_26 = tpu.memref_slice %arg2[%dma_start3A_24, %dma_start3A_25] : memref<10000x128xf32, #tpu.memory_space<hbm>> -> memref<10000x128xf32, #tpu.memory_space<hbm>>
      tpu.enqueue_indirect_dma source(%dma_start3A_26 : memref<10000x128xf32, #tpu.memory_space<hbm>>) target(%arg12 : memref<128x128xf32, #tpu.memory_space<vmem>>) offsets(%dma_start3A_23 : memref<128xi32, #tpu.memory_space<vmem>>) semaphore(%arg15 : memref<!tpu.dma_semaphore, #tpu.memory_space<semaphore_mem>>)
      %scan3A_27 = arith.constant 0 : i32
      %scan3A_28 = arith.constant 0 : i32
      %scan3A_29 = arith.constant 9 : i32
      %scan3A_30 = arith.addi %scan3A_28, %scan3A_29 : i32
      %scan3A_31 = arith.constant 1 : i32
      scf.for %scan3A_107 = %scan3A_28 to %scan3A_30 step %scan3A_31  : i32 {
        %mul3A_108 = arith.constant 2 : i32
        %mul3A_109 = arith.muli %mul3A_108, %scan3A_107 : i32
        %dma_wait3A_110 = arith.constant 0 : i32
        %dma_wait3A_111 = tpu.memref_slice %arg7[%mul3A_109, %dma_wait3A_110] : memref<20x128xi32, #tpu.memory_space<vmem>> -> memref<1x128xi32, #tpu.memory_space<vmem>>
        %dma_wait3A_112 = tpu.memref_squeeze %dma_wait3A_111 : memref<1x128xi32, #tpu.memory_space<vmem>> -> memref<128xi32, #tpu.memory_space<vmem>>
        %dma_wait3A_113 = arith.constant 0 : i32
        %dma_wait3A_114 = arith.constant 0 : i32
        %dma_wait3A_115 = tpu.memref_slice %arg2[%dma_wait3A_113, %dma_wait3A_114] : memref<10000x128xf32, #tpu.memory_space<hbm>> -> memref<10000x128xf32, #tpu.memory_space<hbm>>
        tpu.wait_indirect_dma semaphore(%arg14 : memref<!tpu.dma_semaphore, #tpu.memory_space<semaphore_mem>>) src(%dma_wait3A_115 : memref<10000x128xf32, #tpu.memory_space<hbm>>) dst(%arg11 : memref<128x128xf32, #tpu.memory_space<vmem>>)
        "tpu.region"() ({
          %run_scoped3A_142 = tpu.sem_alloc : memref<!tpu.dma_semaphore, #tpu.memory_space<semaphore_mem>>
          %dma_start3A_143 = arith.constant 0 : i32
          %dma_start3A_144 = tpu.memref_slice %arg8[%mul3A_109, %dma_start3A_143] : memref<20x128xi32, #tpu.memory_space<vmem>> -> memref<1x128xi32, #tpu.memory_space<vmem>>
          %dma_start3A_145 = tpu.memref_squeeze %dma_start3A_144 : memref<1x128xi32, #tpu.memory_space<vmem>> -> memref<128xi32, #tpu.memory_space<vmem>>
          %dma_start3A_146 = arith.constant 0 : i32
          %dma_start3A_147 = arith.constant 0 : i32
          %dma_start3A_148 = tpu.memref_slice %arg13[%dma_start3A_146, %dma_start3A_147] : memref<10112x128xf32, #tpu.memory_space<vmem_shared>> -> memref<10112x128xf32, #tpu.memory_space<vmem_shared>>
          tpu.enqueue_indirect_dma source(%arg11 : memref<128x128xf32, #tpu.memory_space<vmem>>) target(%dma_start3A_148 : memref<10112x128xf32, #tpu.memory_space<vmem_shared>>) offsets(%dma_start3A_145 : memref<128xi32, #tpu.memory_space<vmem>>) semaphore(%run_scoped3A_142 : memref<!tpu.dma_semaphore, #tpu.memory_space<semaphore_mem>>) {add = true}
          %dma_wait3A_149 = arith.constant 0 : i32
          %dma_wait3A_150 = tpu.memref_slice %arg8[%mul3A_109, %dma_wait3A_149] : memref<20x128xi32, #tpu.memory_space<vmem>> -> memref<1x128xi32, #tpu.memory_space<vmem>>
          %dma_wait3A_151 = tpu.memref_squeeze %dma_wait3A_150 : memref<1x128xi32, #tpu.memory_space<vmem>> -> memref<128xi32, #tpu.memory_space<vmem>>
          %dma_wait3A_152 = arith.constant 0 : i32
          %dma_wait3A_153 = arith.constant 0 : i32
          %dma_wait3A_154 = tpu.memref_slice %arg13[%dma_wait3A_152, %dma_wait3A_153] : memref<10112x128xf32, #tpu.memory_space<vmem_shared>> -> memref<10112x128xf32, #tpu.memory_space<vmem_shared>>
          tpu.wait_indirect_dma semaphore(%run_scoped3A_142 : memref<!tpu.dma_semaphore, #tpu.memory_space<semaphore_mem>>) src(%arg11 : memref<128x128xf32, #tpu.memory_space<vmem>>) dst(%dma_wait3A_154 : memref<10112x128xf32, #tpu.memory_space<vmem_shared>>)
          tpu.yield
        }) : () -> ()
        %add3A_116 = arith.constant 2 : i32
        %add3A_117 = arith.addi %mul3A_109, %add3A_116 : i32
        %dma_start3A_118 = arith.constant 0 : i32
        %dma_start3A_119 = tpu.memref_slice %arg7[%add3A_117, %dma_start3A_118] : memref<20x128xi32, #tpu.memory_space<vmem>> -> memref<1x128xi32, #tpu.memory_space<vmem>>
        %dma_start3A_120 = tpu.memref_squeeze %dma_start3A_119 : memref<1x128xi32, #tpu.memory_space<vmem>> -> memref<128xi32, #tpu.memory_space<vmem>>
        %dma_start3A_121 = arith.constant 0 : i32
        %dma_start3A_122 = arith.constant 0 : i32
        %dma_start3A_123 = tpu.memref_slice %arg2[%dma_start3A_121, %dma_start3A_122] : memref<10000x128xf32, #tpu.memory_space<hbm>> -> memref<10000x128xf32, #tpu.memory_space<hbm>>
        tpu.enqueue_indirect_dma source(%dma_start3A_123 : memref<10000x128xf32, #tpu.memory_space<hbm>>) target(%arg11 : memref<128x128xf32, #tpu.memory_space<vmem>>) offsets(%dma_start3A_120 : memref<128xi32, #tpu.memory_space<vmem>>) semaphore(%arg14 : memref<!tpu.dma_semaphore, #tpu.memory_space<semaphore_mem>>)
        %add3A_124 = arith.constant 1 : i32
        %add3A_125 = arith.addi %mul3A_109, %add3A_124 : i32
        %dma_wait3A_126 = arith.constant 0 : i32
        %dma_wait3A_127 = tpu.memref_slice %arg7[%add3A_125, %dma_wait3A_126] : memref<20x128xi32, #tpu.memory_space<vmem>> -> memref<1x128xi32, #tpu.memory_space<vmem>>
        %dma_wait3A_128 = tpu.memref_squeeze %dma_wait3A_127 : memref<1x128xi32, #tpu.memory_space<vmem>> -> memref<128xi32, #tpu.memory_space<vmem>>
        %dma_wait3A_129 = arith.constant 0 : i32
        %dma_wait3A_130 = arith.constant 0 : i32
        %dma_wait3A_131 = tpu.memref_slice %arg2[%dma_wait3A_129, %dma_wait3A_130] : memref<10000x128xf32, #tpu.memory_space<hbm>> -> memref<10000x128xf32, #tpu.memory_space<hbm>>
        tpu.wait_indirect_dma semaphore(%arg15 : memref<!tpu.dma_semaphore, #tpu.memory_space<semaphore_mem>>) src(%dma_wait3A_131 : memref<10000x128xf32, #tpu.memory_space<hbm>>) dst(%arg12 : memref<128x128xf32, #tpu.memory_space<vmem>>)
        %add3A_132 = arith.constant 1 : i32
        %add3A_133 = arith.addi %mul3A_109, %add3A_132 : i32
        "tpu.region"() ({
          %run_scoped3A_142 = tpu.sem_alloc : memref<!tpu.dma_semaphore, #tpu.memory_space<semaphore_mem>>
          %dma_start3A_143 = arith.constant 0 : i32
          %dma_start3A_144 = tpu.memref_slice %arg8[%add3A_133, %dma_start3A_143] : memref<20x128xi32, #tpu.memory_space<vmem>> -> memref<1x128xi32, #tpu.memory_space<vmem>>
          %dma_start3A_145 = tpu.memref_squeeze %dma_start3A_144 : memref<1x128xi32, #tpu.memory_space<vmem>> -> memref<128xi32, #tpu.memory_space<vmem>>
          %dma_start3A_146 = arith.constant 0 : i32
          %dma_start3A_147 = arith.constant 0 : i32
          %dma_start3A_148 = tpu.memref_slice %arg13[%dma_start3A_146, %dma_start3A_147] : memref<10112x128xf32, #tpu.memory_space<vmem_shared>> -> memref<10112x128xf32, #tpu.memory_space<vmem_shared>>
          tpu.enqueue_indirect_dma source(%arg12 : memref<128x128xf32, #tpu.memory_space<vmem>>) target(%dma_start3A_148 : memref<10112x128xf32, #tpu.memory_space<vmem_shared>>) offsets(%dma_start3A_145 : memref<128xi32, #tpu.memory_space<vmem>>) semaphore(%run_scoped3A_142 : memref<!tpu.dma_semaphore, #tpu.memory_space<semaphore_mem>>) {add = true}
          %dma_wait3A_149 = arith.constant 0 : i32
          %dma_wait3A_150 = tpu.memref_slice %arg8[%add3A_133, %dma_wait3A_149] : memref<20x128xi32, #tpu.memory_space<vmem>> -> memref<1x128xi32, #tpu.memory_space<vmem>>
          %dma_wait3A_151 = tpu.memref_squeeze %dma_wait3A_150 : memref<1x128xi32, #tpu.memory_space<vmem>> -> memref<128xi32, #tpu.memory_space<vmem>>
          %dma_wait3A_152 = arith.constant 0 : i32
          %dma_wait3A_153 = arith.constant 0 : i32
          %dma_wait3A_154 = tpu.memref_slice %arg13[%dma_wait3A_152, %dma_wait3A_153] : memref<10112x128xf32, #tpu.memory_space<vmem_shared>> -> memref<10112x128xf32, #tpu.memory_space<vmem_shared>>
          tpu.wait_indirect_dma semaphore(%run_scoped3A_142 : memref<!tpu.dma_semaphore, #tpu.memory_space<semaphore_mem>>) src(%arg12 : memref<128x128xf32, #tpu.memory_space<vmem>>) dst(%dma_wait3A_154 : memref<10112x128xf32, #tpu.memory_space<vmem_shared>>)
          tpu.yield
        }) : () -> ()
        %add3A_134 = arith.constant 3 : i32
        %add3A_135 = arith.addi %mul3A_109, %add3A_134 : i32
        %dma_start3A_136 = arith.constant 0 : i32
        %dma_start3A_137 = tpu.memref_slice %arg7[%add3A_135, %dma_start3A_136] : memref<20x128xi32, #tpu.memory_space<vmem>> -> memref<1x128xi32, #tpu.memory_space<vmem>>
        %dma_start3A_138 = tpu.memref_squeeze %dma_start3A_137 : memref<1x128xi32, #tpu.memory_space<vmem>> -> memref<128xi32, #tpu.memory_space<vmem>>
        %dma_start3A_139 = arith.constant 0 : i32
        %dma_start3A_140 = arith.constant 0 : i32
        %dma_start3A_141 = tpu.memref_slice %arg2[%dma_start3A_139, %dma_start3A_140] : memref<10000x128xf32, #tpu.memory_space<hbm>> -> memref<10000x128xf32, #tpu.memory_space<hbm>>
        tpu.enqueue_indirect_dma source(%dma_start3A_141 : memref<10000x128xf32, #tpu.memory_space<hbm>>) target(%arg12 : memref<128x128xf32, #tpu.memory_space<vmem>>) offsets(%dma_start3A_138 : memref<128xi32, #tpu.memory_space<vmem>>) semaphore(%arg15 : memref<!tpu.dma_semaphore, #tpu.memory_space<semaphore_mem>>)
      }
      %scan3A_32 = arith.constant 9 : i32
      %dma_wait3A = arith.constant 18 : i32
      %dma_wait3A_33 = arith.constant 0 : i32
      %dma_wait3A_34 = tpu.memref_slice %arg7[%dma_wait3A, %dma_wait3A_33] : memref<20x128xi32, #tpu.memory_space<vmem>> -> memref<1x128xi32, #tpu.memory_space<vmem>>
      %dma_wait3A_35 = tpu.memref_squeeze %dma_wait3A_34 : memref<1x128xi32, #tpu.memory_space<vmem>> -> memref<128xi32, #tpu.memory_space<vmem>>
      %dma_wait3A_36 = arith.constant 0 : i32
      %dma_wait3A_37 = arith.constant 0 : i32
      %dma_wait3A_38 = tpu.memref_slice %arg2[%dma_wait3A_36, %dma_wait3A_37] : memref<10000x128xf32, #tpu.memory_space<hbm>> -> memref<10000x128xf32, #tpu.memory_space<hbm>>
      tpu.wait_indirect_dma semaphore(%arg14 : memref<!tpu.dma_semaphore, #tpu.memory_space<semaphore_mem>>) src(%dma_wait3A_38 : memref<10000x128xf32, #tpu.memory_space<hbm>>) dst(%arg11 : memref<128x128xf32, #tpu.memory_space<vmem>>)
      %run_scoped3A_39 = arith.constant 18 : i32
      "tpu.region"() ({
        %run_scoped3A_107 = tpu.sem_alloc : memref<!tpu.dma_semaphore, #tpu.memory_space<semaphore_mem>>
        %dma_start3A_108 = arith.constant 0 : i32
        %dma_start3A_109 = tpu.memref_slice %arg8[%run_scoped3A_39, %dma_start3A_108] : memref<20x128xi32, #tpu.memory_space<vmem>> -> memref<1x128xi32, #tpu.memory_space<vmem>>
        %dma_start3A_110 = tpu.memref_squeeze %dma_start3A_109 : memref<1x128xi32, #tpu.memory_space<vmem>> -> memref<128xi32, #tpu.memory_space<vmem>>
        %dma_start3A_111 = arith.constant 0 : i32
        %dma_start3A_112 = arith.constant 0 : i32
        %dma_start3A_113 = tpu.memref_slice %arg13[%dma_start3A_111, %dma_start3A_112] : memref<10112x128xf32, #tpu.memory_space<vmem_shared>> -> memref<10112x128xf32, #tpu.memory_space<vmem_shared>>
        tpu.enqueue_indirect_dma source(%arg11 : memref<128x128xf32, #tpu.memory_space<vmem>>) target(%dma_start3A_113 : memref<10112x128xf32, #tpu.memory_space<vmem_shared>>) offsets(%dma_start3A_110 : memref<128xi32, #tpu.memory_space<vmem>>) semaphore(%run_scoped3A_107 : memref<!tpu.dma_semaphore, #tpu.memory_space<semaphore_mem>>) {add = true}
        %dma_wait3A_114 = arith.constant 0 : i32
        %dma_wait3A_115 = tpu.memref_slice %arg8[%run_scoped3A_39, %dma_wait3A_114] : memref<20x128xi32, #tpu.memory_space<vmem>> -> memref<1x128xi32, #tpu.memory_space<vmem>>
        %dma_wait3A_116 = tpu.memref_squeeze %dma_wait3A_115 : memref<1x128xi32, #tpu.memory_space<vmem>> -> memref<128xi32, #tpu.memory_space<vmem>>
        %dma_wait3A_117 = arith.constant 0 : i32
        %dma_wait3A_118 = arith.constant 0 : i32
        %dma_wait3A_119 = tpu.memref_slice %arg13[%dma_wait3A_117, %dma_wait3A_118] : memref<10112x128xf32, #tpu.memory_space<vmem_shared>> -> memref<10112x128xf32, #tpu.memory_space<vmem_shared>>
        tpu.wait_indirect_dma semaphore(%run_scoped3A_107 : memref<!tpu.dma_semaphore, #tpu.memory_space<semaphore_mem>>) src(%arg11 : memref<128x128xf32, #tpu.memory_space<vmem>>) dst(%dma_wait3A_119 : memref<10112x128xf32, #tpu.memory_space<vmem_shared>>)
        tpu.yield
      }) : () -> ()
      %dma_wait3A_40 = arith.constant 19 : i32
      %dma_wait3A_41 = arith.constant 0 : i32
      %dma_wait3A_42 = tpu.memref_slice %arg7[%dma_wait3A_40, %dma_wait3A_41] : memref<20x128xi32, #tpu.memory_space<vmem>> -> memref<1x128xi32, #tpu.memory_space<vmem>>
      %dma_wait3A_43 = tpu.memref_squeeze %dma_wait3A_42 : memref<1x128xi32, #tpu.memory_space<vmem>> -> memref<128xi32, #tpu.memory_space<vmem>>
      %dma_wait3A_44 = arith.constant 0 : i32
      %dma_wait3A_45 = arith.constant 0 : i32
      %dma_wait3A_46 = tpu.memref_slice %arg2[%dma_wait3A_44, %dma_wait3A_45] : memref<10000x128xf32, #tpu.memory_space<hbm>> -> memref<10000x128xf32, #tpu.memory_space<hbm>>
      tpu.wait_indirect_dma semaphore(%arg15 : memref<!tpu.dma_semaphore, #tpu.memory_space<semaphore_mem>>) src(%dma_wait3A_46 : memref<10000x128xf32, #tpu.memory_space<hbm>>) dst(%arg12 : memref<128x128xf32, #tpu.memory_space<vmem>>)
      %run_scoped3A_47 = arith.constant 19 : i32
      "tpu.region"() ({
        %run_scoped3A_107 = tpu.sem_alloc : memref<!tpu.dma_semaphore, #tpu.memory_space<semaphore_mem>>
        %dma_start3A_108 = arith.constant 0 : i32
        %dma_start3A_109 = tpu.memref_slice %arg8[%run_scoped3A_47, %dma_start3A_108] : memref<20x128xi32, #tpu.memory_space<vmem>> -> memref<1x128xi32, #tpu.memory_space<vmem>>
        %dma_start3A_110 = tpu.memref_squeeze %dma_start3A_109 : memref<1x128xi32, #tpu.memory_space<vmem>> -> memref<128xi32, #tpu.memory_space<vmem>>
        %dma_start3A_111 = arith.constant 0 : i32
        %dma_start3A_112 = arith.constant 0 : i32
        %dma_start3A_113 = tpu.memref_slice %arg13[%dma_start3A_111, %dma_start3A_112] : memref<10112x128xf32, #tpu.memory_space<vmem_shared>> -> memref<10112x128xf32, #tpu.memory_space<vmem_shared>>
        tpu.enqueue_indirect_dma source(%arg12 : memref<128x128xf32, #tpu.memory_space<vmem>>) target(%dma_start3A_113 : memref<10112x128xf32, #tpu.memory_space<vmem_shared>>) offsets(%dma_start3A_110 : memref<128xi32, #tpu.memory_space<vmem>>) semaphore(%run_scoped3A_107 : memref<!tpu.dma_semaphore, #tpu.memory_space<semaphore_mem>>) {add = true}
        %dma_wait3A_114 = arith.constant 0 : i32
        %dma_wait3A_115 = tpu.memref_slice %arg8[%run_scoped3A_47, %dma_wait3A_114] : memref<20x128xi32, #tpu.memory_space<vmem>> -> memref<1x128xi32, #tpu.memory_space<vmem>>
        %dma_wait3A_116 = tpu.memref_squeeze %dma_wait3A_115 : memref<1x128xi32, #tpu.memory_space<vmem>> -> memref<128xi32, #tpu.memory_space<vmem>>
        %dma_wait3A_117 = arith.constant 0 : i32
        %dma_wait3A_118 = arith.constant 0 : i32
        %dma_wait3A_119 = tpu.memref_slice %arg13[%dma_wait3A_117, %dma_wait3A_118] : memref<10112x128xf32, #tpu.memory_space<vmem_shared>> -> memref<10112x128xf32, #tpu.memory_space<vmem_shared>>
        tpu.wait_indirect_dma semaphore(%run_scoped3A_107 : memref<!tpu.dma_semaphore, #tpu.memory_space<semaphore_mem>>) src(%arg12 : memref<128x128xf32, #tpu.memory_space<vmem>>) dst(%dma_wait3A_119 : memref<10112x128xf32, #tpu.memory_space<vmem_shared>>)
        tpu.yield
      }) : () -> ()
      %add3A_48 = arith.constant 1 : i32
      %add3A_49 = arith.addi %mul3A_10, %add3A_48 : i32
      %lt3A_50 = arith.constant 4 : i32
      %lt3A_51 = arith.cmpi slt, %add3A_49, %lt3A_50 : i32
      %convert_element_type3A_52 = arith.extui %lt3A_51 : i1 to i32
      %cond3A_53 = arith.constant 0 : i32
      %cond3A_54 = arith.cmpi ne, %convert_element_type3A_52, %cond3A_53 : i32
      scf.if %cond3A_54 {
        %add3A_107 = arith.constant 1 : i32
        %add3A_108 = arith.addi %mul3A_10, %add3A_107 : i32
        %dma_wait3A_109 = arith.constant 0 : i32
        %dma_wait3A_110 = arith.constant 0 : i32
        %dma_wait3A_111 = tpu.memref_slice %arg3[%arg0, %arg1, %add3A_108, %dma_wait3A_109, %dma_wait3A_110] : memref<2x16x4x20x128xi32, #tpu.memory_space<hbm>> -> memref<1x1x1x20x128xi32, #tpu.memory_space<hbm>>
        %dma_wait3A_112 = tpu.memref_squeeze %dma_wait3A_111 : memref<1x1x1x20x128xi32, #tpu.memory_space<hbm>> -> memref<20x128xi32, #tpu.memory_space<hbm>>
        %dma_wait3A_113 = arith.constant 0 : i32
        %dma_wait3A_114 = arith.constant 0 : i32
        %dma_wait3A_115 = tpu.memref_slice %arg3[%arg0, %arg1, %add3A_108, %dma_wait3A_113, %dma_wait3A_114] : memref<2x16x4x20x128xi32, #tpu.memory_space<hbm>> -> memref<1x1x1x20x128xi32, #tpu.memory_space<hbm>>
        %dma_wait3A_116 = tpu.memref_squeeze %dma_wait3A_115 : memref<1x1x1x20x128xi32, #tpu.memory_space<hbm>> -> memref<20x128xi32, #tpu.memory_space<hbm>>
        tpu.wait_dma2 semaphore(%arg16 : memref<!tpu.dma_semaphore, #tpu.memory_space<semaphore_mem>>) src(%dma_wait3A_116 : memref<20x128xi32, #tpu.memory_space<hbm>>) dst(%arg9 : memref<20x128xi32, #tpu.memory_space<vmem>>)
        %add3A_117 = arith.constant 1 : i32
        %add3A_118 = arith.addi %mul3A_10, %add3A_117 : i32
        %dma_wait3A_119 = arith.constant 0 : i32
        %dma_wait3A_120 = arith.constant 0 : i32
        %dma_wait3A_121 = tpu.memref_slice %arg4[%arg0, %arg1, %add3A_118, %dma_wait3A_119, %dma_wait3A_120] : memref<2x16x4x20x128xi32, #tpu.memory_space<hbm>> -> memref<1x1x1x20x128xi32, #tpu.memory_space<hbm>>
        %dma_wait3A_122 = tpu.memref_squeeze %dma_wait3A_121 : memref<1x1x1x20x128xi32, #tpu.memory_space<hbm>> -> memref<20x128xi32, #tpu.memory_space<hbm>>
        %dma_wait3A_123 = arith.constant 0 : i32
        %dma_wait3A_124 = arith.constant 0 : i32
        %dma_wait3A_125 = tpu.memref_slice %arg4[%arg0, %arg1, %add3A_118, %dma_wait3A_123, %dma_wait3A_124] : memref<2x16x4x20x128xi32, #tpu.memory_space<hbm>> -> memref<1x1x1x20x128xi32, #tpu.memory_space<hbm>>
        %dma_wait3A_126 = tpu.memref_squeeze %dma_wait3A_125 : memref<1x1x1x20x128xi32, #tpu.memory_space<hbm>> -> memref<20x128xi32, #tpu.memory_space<hbm>>
        tpu.wait_dma2 semaphore(%arg16 : memref<!tpu.dma_semaphore, #tpu.memory_space<semaphore_mem>>) src(%dma_wait3A_126 : memref<20x128xi32, #tpu.memory_space<hbm>>) dst(%arg10 : memref<20x128xi32, #tpu.memory_space<vmem>>)
      } else {
      }
      %add3A_55 = arith.constant 1 : i32
      %add3A_56 = arith.addi %mul3A_10, %add3A_55 : i32
      %add3A_57 = arith.constant 1 : i32
      %add3A_58 = arith.addi %add3A_56, %add3A_57 : i32
      %lt3A_59 = arith.constant 4 : i32
      %lt3A_60 = arith.cmpi slt, %add3A_58, %lt3A_59 : i32
      %convert_element_type3A_61 = arith.extui %lt3A_60 : i1 to i32
      %cond3A_62 = arith.constant 0 : i32
      %cond3A_63 = arith.cmpi ne, %convert_element_type3A_61, %cond3A_62 : i32
      scf.if %cond3A_63 {
        %add3A_107 = arith.constant 1 : i32
        %add3A_108 = arith.addi %add3A_56, %add3A_107 : i32
        %dma_start3A_109 = arith.constant 0 : i32
        %dma_start3A_110 = arith.constant 0 : i32
        %dma_start3A_111 = tpu.memref_slice %arg3[%arg0, %arg1, %add3A_108, %dma_start3A_109, %dma_start3A_110] : memref<2x16x4x20x128xi32, #tpu.memory_space<hbm>> -> memref<1x1x1x20x128xi32, #tpu.memory_space<hbm>>
        %dma_start3A_112 = tpu.memref_squeeze %dma_start3A_111 : memref<1x1x1x20x128xi32, #tpu.memory_space<hbm>> -> memref<20x128xi32, #tpu.memory_space<hbm>>
        %dma_start3A_113 = arith.constant 0 : i32
        %dma_start3A_114 = arith.constant 0 : i32
        %dma_start3A_115 = tpu.memref_slice %arg3[%arg0, %arg1, %add3A_108, %dma_start3A_113, %dma_start3A_114] : memref<2x16x4x20x128xi32, #tpu.memory_space<hbm>> -> memref<1x1x1x20x128xi32, #tpu.memory_space<hbm>>
        %dma_start3A_116 = tpu.memref_squeeze %dma_start3A_115 : memref<1x1x1x20x128xi32, #tpu.memory_space<hbm>> -> memref<20x128xi32, #tpu.memory_space<hbm>>
        tpu.enqueue_dma source(%dma_start3A_116 : memref<20x128xi32, #tpu.memory_space<hbm>>) target(%arg7 : memref<20x128xi32, #tpu.memory_space<vmem>>) target_semaphore(%arg16 : memref<!tpu.dma_semaphore, #tpu.memory_space<semaphore_mem>>)
        %add3A_117 = arith.constant 1 : i32
        %add3A_118 = arith.addi %add3A_56, %add3A_117 : i32
        %dma_start3A_119 = arith.constant 0 : i32
        %dma_start3A_120 = arith.constant 0 : i32
        %dma_start3A_121 = tpu.memref_slice %arg4[%arg0, %arg1, %add3A_118, %dma_start3A_119, %dma_start3A_120] : memref<2x16x4x20x128xi32, #tpu.memory_space<hbm>> -> memref<1x1x1x20x128xi32, #tpu.memory_space<hbm>>
        %dma_start3A_122 = tpu.memref_squeeze %dma_start3A_121 : memref<1x1x1x20x128xi32, #tpu.memory_space<hbm>> -> memref<20x128xi32, #tpu.memory_space<hbm>>
        %dma_start3A_123 = arith.constant 0 : i32
        %dma_start3A_124 = arith.constant 0 : i32
        %dma_start3A_125 = tpu.memref_slice %arg4[%arg0, %arg1, %add3A_118, %dma_start3A_123, %dma_start3A_124] : memref<2x16x4x20x128xi32, #tpu.memory_space<hbm>> -> memref<1x1x1x20x128xi32, #tpu.memory_space<hbm>>
        %dma_start3A_126 = tpu.memref_squeeze %dma_start3A_125 : memref<1x1x1x20x128xi32, #tpu.memory_space<hbm>> -> memref<20x128xi32, #tpu.memory_space<hbm>>
        tpu.enqueue_dma source(%dma_start3A_126 : memref<20x128xi32, #tpu.memory_space<hbm>>) target(%arg8 : memref<20x128xi32, #tpu.memory_space<vmem>>) target_semaphore(%arg16 : memref<!tpu.dma_semaphore, #tpu.memory_space<semaphore_mem>>)
      } else {
      }
      %dma_start3A_64 = arith.constant 0 : i32
      %dma_start3A_65 = arith.constant 0 : i32
      %dma_start3A_66 = tpu.memref_slice %arg9[%dma_start3A_64, %dma_start3A_65] : memref<20x128xi32, #tpu.memory_space<vmem>> -> memref<1x128xi32, #tpu.memory_space<vmem>>
      %dma_start3A_67 = tpu.memref_squeeze %dma_start3A_66 : memref<1x128xi32, #tpu.memory_space<vmem>> -> memref<128xi32, #tpu.memory_space<vmem>>
      %dma_start3A_68 = arith.constant 0 : i32
      %dma_start3A_69 = arith.constant 0 : i32
      %dma_start3A_70 = tpu.memref_slice %arg2[%dma_start3A_68, %dma_start3A_69] : memref<10000x128xf32, #tpu.memory_space<hbm>> -> memref<10000x128xf32, #tpu.memory_space<hbm>>
      tpu.enqueue_indirect_dma source(%dma_start3A_70 : memref<10000x128xf32, #tpu.memory_space<hbm>>) target(%arg11 : memref<128x128xf32, #tpu.memory_space<vmem>>) offsets(%dma_start3A_67 : memref<128xi32, #tpu.memory_space<vmem>>) semaphore(%arg14 : memref<!tpu.dma_semaphore, #tpu.memory_space<semaphore_mem>>)
      %dma_start3A_71 = arith.constant 1 : i32
      %dma_start3A_72 = arith.constant 0 : i32
      %dma_start3A_73 = tpu.memref_slice %arg9[%dma_start3A_71, %dma_start3A_72] : memref<20x128xi32, #tpu.memory_space<vmem>> -> memref<1x128xi32, #tpu.memory_space<vmem>>
      %dma_start3A_74 = tpu.memref_squeeze %dma_start3A_73 : memref<1x128xi32, #tpu.memory_space<vmem>> -> memref<128xi32, #tpu.memory_space<vmem>>
      %dma_start3A_75 = arith.constant 0 : i32
      %dma_start3A_76 = arith.constant 0 : i32
      %dma_start3A_77 = tpu.memref_slice %arg2[%dma_start3A_75, %dma_start3A_76] : memref<10000x128xf32, #tpu.memory_space<hbm>> -> memref<10000x128xf32, #tpu.memory_space<hbm>>
      tpu.enqueue_indirect_dma source(%dma_start3A_77 : memref<10000x128xf32, #tpu.memory_space<hbm>>) target(%arg12 : memref<128x128xf32, #tpu.memory_space<vmem>>) offsets(%dma_start3A_74 : memref<128xi32, #tpu.memory_space<vmem>>) semaphore(%arg15 : memref<!tpu.dma_semaphore, #tpu.memory_space<semaphore_mem>>)
      %scan3A_78 = arith.constant 0 : i32
      %scan3A_79 = arith.constant 0 : i32
      %scan3A_80 = arith.constant 9 : i32
      %scan3A_81 = arith.addi %scan3A_79, %scan3A_80 : i32
      %scan3A_82 = arith.constant 1 : i32
      scf.for %scan3A_107 = %scan3A_79 to %scan3A_81 step %scan3A_82  : i32 {
        %mul3A_108 = arith.constant 2 : i32
        %mul3A_109 = arith.muli %mul3A_108, %scan3A_107 : i32
        %dma_wait3A_110 = arith.constant 0 : i32
        %dma_wait3A_111 = tpu.memref_slice %arg9[%mul3A_109, %dma_wait3A_110] : memref<20x128xi32, #tpu.memory_space<vmem>> -> memref<1x128xi32, #tpu.memory_space<vmem>>
        %dma_wait3A_112 = tpu.memref_squeeze %dma_wait3A_111 : memref<1x128xi32, #tpu.memory_space<vmem>> -> memref<128xi32, #tpu.memory_space<vmem>>
        %dma_wait3A_113 = arith.constant 0 : i32
        %dma_wait3A_114 = arith.constant 0 : i32
        %dma_wait3A_115 = tpu.memref_slice %arg2[%dma_wait3A_113, %dma_wait3A_114] : memref<10000x128xf32, #tpu.memory_space<hbm>> -> memref<10000x128xf32, #tpu.memory_space<hbm>>
        tpu.wait_indirect_dma semaphore(%arg14 : memref<!tpu.dma_semaphore, #tpu.memory_space<semaphore_mem>>) src(%dma_wait3A_115 : memref<10000x128xf32, #tpu.memory_space<hbm>>) dst(%arg11 : memref<128x128xf32, #tpu.memory_space<vmem>>)
        "tpu.region"() ({
          %run_scoped3A_142 = tpu.sem_alloc : memref<!tpu.dma_semaphore, #tpu.memory_space<semaphore_mem>>
          %dma_start3A_143 = arith.constant 0 : i32
          %dma_start3A_144 = tpu.memref_slice %arg10[%mul3A_109, %dma_start3A_143] : memref<20x128xi32, #tpu.memory_space<vmem>> -> memref<1x128xi32, #tpu.memory_space<vmem>>
          %dma_start3A_145 = tpu.memref_squeeze %dma_start3A_144 : memref<1x128xi32, #tpu.memory_space<vmem>> -> memref<128xi32, #tpu.memory_space<vmem>>
          %dma_start3A_146 = arith.constant 0 : i32
          %dma_start3A_147 = arith.constant 0 : i32
          %dma_start3A_148 = tpu.memref_slice %arg13[%dma_start3A_146, %dma_start3A_147] : memref<10112x128xf32, #tpu.memory_space<vmem_shared>> -> memref<10112x128xf32, #tpu.memory_space<vmem_shared>>
          tpu.enqueue_indirect_dma source(%arg11 : memref<128x128xf32, #tpu.memory_space<vmem>>) target(%dma_start3A_148 : memref<10112x128xf32, #tpu.memory_space<vmem_shared>>) offsets(%dma_start3A_145 : memref<128xi32, #tpu.memory_space<vmem>>) semaphore(%run_scoped3A_142 : memref<!tpu.dma_semaphore, #tpu.memory_space<semaphore_mem>>) {add = true}
          %dma_wait3A_149 = arith.constant 0 : i32
          %dma_wait3A_150 = tpu.memref_slice %arg10[%mul3A_109, %dma_wait3A_149] : memref<20x128xi32, #tpu.memory_space<vmem>> -> memref<1x128xi32, #tpu.memory_space<vmem>>
          %dma_wait3A_151 = tpu.memref_squeeze %dma_wait3A_150 : memref<1x128xi32, #tpu.memory_space<vmem>> -> memref<128xi32, #tpu.memory_space<vmem>>
          %dma_wait3A_152 = arith.constant 0 : i32
          %dma_wait3A_153 = arith.constant 0 : i32
          %dma_wait3A_154 = tpu.memref_slice %arg13[%dma_wait3A_152, %dma_wait3A_153] : memref<10112x128xf32, #tpu.memory_space<vmem_shared>> -> memref<10112x128xf32, #tpu.memory_space<vmem_shared>>
          tpu.wait_indirect_dma semaphore(%run_scoped3A_142 : memref<!tpu.dma_semaphore, #tpu.memory_space<semaphore_mem>>) src(%arg11 : memref<128x128xf32, #tpu.memory_space<vmem>>) dst(%dma_wait3A_154 : memref<10112x128xf32, #tpu.memory_space<vmem_shared>>)
          tpu.yield
        }) : () -> ()
        %add3A_116 = arith.constant 2 : i32
        %add3A_117 = arith.addi %mul3A_109, %add3A_116 : i32
        %dma_start3A_118 = arith.constant 0 : i32
        %dma_start3A_119 = tpu.memref_slice %arg9[%add3A_117, %dma_start3A_118] : memref<20x128xi32, #tpu.memory_space<vmem>> -> memref<1x128xi32, #tpu.memory_space<vmem>>
        %dma_start3A_120 = tpu.memref_squeeze %dma_start3A_119 : memref<1x128xi32, #tpu.memory_space<vmem>> -> memref<128xi32, #tpu.memory_space<vmem>>
        %dma_start3A_121 = arith.constant 0 : i32
        %dma_start3A_122 = arith.constant 0 : i32
        %dma_start3A_123 = tpu.memref_slice %arg2[%dma_start3A_121, %dma_start3A_122] : memref<10000x128xf32, #tpu.memory_space<hbm>> -> memref<10000x128xf32, #tpu.memory_space<hbm>>
        tpu.enqueue_indirect_dma source(%dma_start3A_123 : memref<10000x128xf32, #tpu.memory_space<hbm>>) target(%arg11 : memref<128x128xf32, #tpu.memory_space<vmem>>) offsets(%dma_start3A_120 : memref<128xi32, #tpu.memory_space<vmem>>) semaphore(%arg14 : memref<!tpu.dma_semaphore, #tpu.memory_space<semaphore_mem>>)
        %add3A_124 = arith.constant 1 : i32
        %add3A_125 = arith.addi %mul3A_109, %add3A_124 : i32
        %dma_wait3A_126 = arith.constant 0 : i32
        %dma_wait3A_127 = tpu.memref_slice %arg9[%add3A_125, %dma_wait3A_126] : memref<20x128xi32, #tpu.memory_space<vmem>> -> memref<1x128xi32, #tpu.memory_space<vmem>>
        %dma_wait3A_128 = tpu.memref_squeeze %dma_wait3A_127 : memref<1x128xi32, #tpu.memory_space<vmem>> -> memref<128xi32, #tpu.memory_space<vmem>>
        %dma_wait3A_129 = arith.constant 0 : i32
        %dma_wait3A_130 = arith.constant 0 : i32
        %dma_wait3A_131 = tpu.memref_slice %arg2[%dma_wait3A_129, %dma_wait3A_130] : memref<10000x128xf32, #tpu.memory_space<hbm>> -> memref<10000x128xf32, #tpu.memory_space<hbm>>
        tpu.wait_indirect_dma semaphore(%arg15 : memref<!tpu.dma_semaphore, #tpu.memory_space<semaphore_mem>>) src(%dma_wait3A_131 : memref<10000x128xf32, #tpu.memory_space<hbm>>) dst(%arg12 : memref<128x128xf32, #tpu.memory_space<vmem>>)
        %add3A_132 = arith.constant 1 : i32
        %add3A_133 = arith.addi %mul3A_109, %add3A_132 : i32
        "tpu.region"() ({
          %run_scoped3A_142 = tpu.sem_alloc : memref<!tpu.dma_semaphore, #tpu.memory_space<semaphore_mem>>
          %dma_start3A_143 = arith.constant 0 : i32
          %dma_start3A_144 = tpu.memref_slice %arg10[%add3A_133, %dma_start3A_143] : memref<20x128xi32, #tpu.memory_space<vmem>> -> memref<1x128xi32, #tpu.memory_space<vmem>>
          %dma_start3A_145 = tpu.memref_squeeze %dma_start3A_144 : memref<1x128xi32, #tpu.memory_space<vmem>> -> memref<128xi32, #tpu.memory_space<vmem>>
          %dma_start3A_146 = arith.constant 0 : i32
          %dma_start3A_147 = arith.constant 0 : i32
          %dma_start3A_148 = tpu.memref_slice %arg13[%dma_start3A_146, %dma_start3A_147] : memref<10112x128xf32, #tpu.memory_space<vmem_shared>> -> memref<10112x128xf32, #tpu.memory_space<vmem_shared>>
          tpu.enqueue_indirect_dma source(%arg12 : memref<128x128xf32, #tpu.memory_space<vmem>>) target(%dma_start3A_148 : memref<10112x128xf32, #tpu.memory_space<vmem_shared>>) offsets(%dma_start3A_145 : memref<128xi32, #tpu.memory_space<vmem>>) semaphore(%run_scoped3A_142 : memref<!tpu.dma_semaphore, #tpu.memory_space<semaphore_mem>>) {add = true}
          %dma_wait3A_149 = arith.constant 0 : i32
          %dma_wait3A_150 = tpu.memref_slice %arg10[%add3A_133, %dma_wait3A_149] : memref<20x128xi32, #tpu.memory_space<vmem>> -> memref<1x128xi32, #tpu.memory_space<vmem>>
          %dma_wait3A_151 = tpu.memref_squeeze %dma_wait3A_150 : memref<1x128xi32, #tpu.memory_space<vmem>> -> memref<128xi32, #tpu.memory_space<vmem>>
          %dma_wait3A_152 = arith.constant 0 : i32
          %dma_wait3A_153 = arith.constant 0 : i32
          %dma_wait3A_154 = tpu.memref_slice %arg13[%dma_wait3A_152, %dma_wait3A_153] : memref<10112x128xf32, #tpu.memory_space<vmem_shared>> -> memref<10112x128xf32, #tpu.memory_space<vmem_shared>>
          tpu.wait_indirect_dma semaphore(%run_scoped3A_142 : memref<!tpu.dma_semaphore, #tpu.memory_space<semaphore_mem>>) src(%arg12 : memref<128x128xf32, #tpu.memory_space<vmem>>) dst(%dma_wait3A_154 : memref<10112x128xf32, #tpu.memory_space<vmem_shared>>)
          tpu.yield
        }) : () -> ()
        %add3A_134 = arith.constant 3 : i32
        %add3A_135 = arith.addi %mul3A_109, %add3A_134 : i32
        %dma_start3A_136 = arith.constant 0 : i32
        %dma_start3A_137 = tpu.memref_slice %arg9[%add3A_135, %dma_start3A_136] : memref<20x128xi32, #tpu.memory_space<vmem>> -> memref<1x128xi32, #tpu.memory_space<vmem>>
        %dma_start3A_138 = tpu.memref_squeeze %dma_start3A_137 : memref<1x128xi32, #tpu.memory_space<vmem>> -> memref<128xi32, #tpu.memory_space<vmem>>
        %dma_start3A_139 = arith.constant 0 : i32
        %dma_start3A_140 = arith.constant 0 : i32
        %dma_start3A_141 = tpu.memref_slice %arg2[%dma_start3A_139, %dma_start3A_140] : memref<10000x128xf32, #tpu.memory_space<hbm>> -> memref<10000x128xf32, #tpu.memory_space<hbm>>
        tpu.enqueue_indirect_dma source(%dma_start3A_141 : memref<10000x128xf32, #tpu.memory_space<hbm>>) target(%arg12 : memref<128x128xf32, #tpu.memory_space<vmem>>) offsets(%dma_start3A_138 : memref<128xi32, #tpu.memory_space<vmem>>) semaphore(%arg15 : memref<!tpu.dma_semaphore, #tpu.memory_space<semaphore_mem>>)
      }
      %scan3A_83 = arith.constant 9 : i32
      %dma_wait3A_84 = arith.constant 18 : i32
      %dma_wait3A_85 = arith.constant 0 : i32
      %dma_wait3A_86 = tpu.memref_slice %arg9[%dma_wait3A_84, %dma_wait3A_85] : memref<20x128xi32, #tpu.memory_space<vmem>> -> memref<1x128xi32, #tpu.memory_space<vmem>>
      %dma_wait3A_87 = tpu.memref_squeeze %dma_wait3A_86 : memref<1x128xi32, #tpu.memory_space<vmem>> -> memref<128xi32, #tpu.memory_space<vmem>>
      %dma_wait3A_88 = arith.constant 0 : i32
      %dma_wait3A_89 = arith.constant 0 : i32
      %dma_wait3A_90 = tpu.memref_slice %arg2[%dma_wait3A_88, %dma_wait3A_89] : memref<10000x128xf32, #tpu.memory_space<hbm>> -> memref<10000x128xf32, #tpu.memory_space<hbm>>
      tpu.wait_indirect_dma semaphore(%arg14 : memref<!tpu.dma_semaphore, #tpu.memory_space<semaphore_mem>>) src(%dma_wait3A_90 : memref<10000x128xf32, #tpu.memory_space<hbm>>) dst(%arg11 : memref<128x128xf32, #tpu.memory_space<vmem>>)
      %run_scoped3A_91 = arith.constant 18 : i32
      "tpu.region"() ({
        %run_scoped3A_107 = tpu.sem_alloc : memref<!tpu.dma_semaphore, #tpu.memory_space<semaphore_mem>>
        %dma_start3A_108 = arith.constant 0 : i32
        %dma_start3A_109 = tpu.memref_slice %arg10[%run_scoped3A_91, %dma_start3A_108] : memref<20x128xi32, #tpu.memory_space<vmem>> -> memref<1x128xi32, #tpu.memory_space<vmem>>
        %dma_start3A_110 = tpu.memref_squeeze %dma_start3A_109 : memref<1x128xi32, #tpu.memory_space<vmem>> -> memref<128xi32, #tpu.memory_space<vmem>>
        %dma_start3A_111 = arith.constant 0 : i32
        %dma_start3A_112 = arith.constant 0 : i32
        %dma_start3A_113 = tpu.memref_slice %arg13[%dma_start3A_111, %dma_start3A_112] : memref<10112x128xf32, #tpu.memory_space<vmem_shared>> -> memref<10112x128xf32, #tpu.memory_space<vmem_shared>>
        tpu.enqueue_indirect_dma source(%arg11 : memref<128x128xf32, #tpu.memory_space<vmem>>) target(%dma_start3A_113 : memref<10112x128xf32, #tpu.memory_space<vmem_shared>>) offsets(%dma_start3A_110 : memref<128xi32, #tpu.memory_space<vmem>>) semaphore(%run_scoped3A_107 : memref<!tpu.dma_semaphore, #tpu.memory_space<semaphore_mem>>) {add = true}
        %dma_wait3A_114 = arith.constant 0 : i32
        %dma_wait3A_115 = tpu.memref_slice %arg10[%run_scoped3A_91, %dma_wait3A_114] : memref<20x128xi32, #tpu.memory_space<vmem>> -> memref<1x128xi32, #tpu.memory_space<vmem>>
        %dma_wait3A_116 = tpu.memref_squeeze %dma_wait3A_115 : memref<1x128xi32, #tpu.memory_space<vmem>> -> memref<128xi32, #tpu.memory_space<vmem>>
        %dma_wait3A_117 = arith.constant 0 : i32
        %dma_wait3A_118 = arith.constant 0 : i32
        %dma_wait3A_119 = tpu.memref_slice %arg13[%dma_wait3A_117, %dma_wait3A_118] : memref<10112x128xf32, #tpu.memory_space<vmem_shared>> -> memref<10112x128xf32, #tpu.memory_space<vmem_shared>>
        tpu.wait_indirect_dma semaphore(%run_scoped3A_107 : memref<!tpu.dma_semaphore, #tpu.memory_space<semaphore_mem>>) src(%arg11 : memref<128x128xf32, #tpu.memory_space<vmem>>) dst(%dma_wait3A_119 : memref<10112x128xf32, #tpu.memory_space<vmem_shared>>)
        tpu.yield
      }) : () -> ()
      %dma_wait3A_92 = arith.constant 19 : i32
      %dma_wait3A_93 = arith.constant 0 : i32
      %dma_wait3A_94 = tpu.memref_slice %arg9[%dma_wait3A_92, %dma_wait3A_93] : memref<20x128xi32, #tpu.memory_space<vmem>> -> memref<1x128xi32, #tpu.memory_space<vmem>>
      %dma_wait3A_95 = tpu.memref_squeeze %dma_wait3A_94 : memref<1x128xi32, #tpu.memory_space<vmem>> -> memref<128xi32, #tpu.memory_space<vmem>>
      %dma_wait3A_96 = arith.constant 0 : i32
      %dma_wait3A_97 = arith.constant 0 : i32
      %dma_wait3A_98 = tpu.memref_slice %arg2[%dma_wait3A_96, %dma_wait3A_97] : memref<10000x128xf32, #tpu.memory_space<hbm>> -> memref<10000x128xf32, #tpu.memory_space<hbm>>
      tpu.wait_indirect_dma semaphore(%arg15 : memref<!tpu.dma_semaphore, #tpu.memory_space<semaphore_mem>>) src(%dma_wait3A_98 : memref<10000x128xf32, #tpu.memory_space<hbm>>) dst(%arg12 : memref<128x128xf32, #tpu.memory_space<vmem>>)
      %run_scoped3A_99 = arith.constant 19 : i32
      "tpu.region"() ({
        %run_scoped3A_107 = tpu.sem_alloc : memref<!tpu.dma_semaphore, #tpu.memory_space<semaphore_mem>>
        %dma_start3A_108 = arith.constant 0 : i32
        %dma_start3A_109 = tpu.memref_slice %arg10[%run_scoped3A_99, %dma_start3A_108] : memref<20x128xi32, #tpu.memory_space<vmem>> -> memref<1x128xi32, #tpu.memory_space<vmem>>
        %dma_start3A_110 = tpu.memref_squeeze %dma_start3A_109 : memref<1x128xi32, #tpu.memory_space<vmem>> -> memref<128xi32, #tpu.memory_space<vmem>>
        %dma_start3A_111 = arith.constant 0 : i32
        %dma_start3A_112 = arith.constant 0 : i32
        %dma_start3A_113 = tpu.memref_slice %arg13[%dma_start3A_111, %dma_start3A_112] : memref<10112x128xf32, #tpu.memory_space<vmem_shared>> -> memref<10112x128xf32, #tpu.memory_space<vmem_shared>>
        tpu.enqueue_indirect_dma source(%arg12 : memref<128x128xf32, #tpu.memory_space<vmem>>) target(%dma_start3A_113 : memref<10112x128xf32, #tpu.memory_space<vmem_shared>>) offsets(%dma_start3A_110 : memref<128xi32, #tpu.memory_space<vmem>>) semaphore(%run_scoped3A_107 : memref<!tpu.dma_semaphore, #tpu.memory_space<semaphore_mem>>) {add = true}
        %dma_wait3A_114 = arith.constant 0 : i32
        %dma_wait3A_115 = tpu.memref_slice %arg10[%run_scoped3A_99, %dma_wait3A_114] : memref<20x128xi32, #tpu.memory_space<vmem>> -> memref<1x128xi32, #tpu.memory_space<vmem>>
        %dma_wait3A_116 = tpu.memref_squeeze %dma_wait3A_115 : memref<1x128xi32, #tpu.memory_space<vmem>> -> memref<128xi32, #tpu.memory_space<vmem>>
        %dma_wait3A_117 = arith.constant 0 : i32
        %dma_wait3A_118 = arith.constant 0 : i32
        %dma_wait3A_119 = tpu.memref_slice %arg13[%dma_wait3A_117, %dma_wait3A_118] : memref<10112x128xf32, #tpu.memory_space<vmem_shared>> -> memref<10112x128xf32, #tpu.memory_space<vmem_shared>>
        tpu.wait_indirect_dma semaphore(%run_scoped3A_107 : memref<!tpu.dma_semaphore, #tpu.memory_space<semaphore_mem>>) src(%arg12 : memref<128x128xf32, #tpu.memory_space<vmem>>) dst(%dma_wait3A_119 : memref<10112x128xf32, #tpu.memory_space<vmem_shared>>)
        tpu.yield
      }) : () -> ()
      %add3A_100 = arith.constant 1 : i32
      %add3A_101 = arith.addi %add3A_56, %add3A_100 : i32
      %lt3A_102 = arith.constant 4 : i32
      %lt3A_103 = arith.cmpi slt, %add3A_101, %lt3A_102 : i32
      %convert_element_type3A_104 = arith.extui %lt3A_103 : i1 to i32
      %cond3A_105 = arith.constant 0 : i32
      %cond3A_106 = arith.cmpi ne, %convert_element_type3A_104, %cond3A_105 : i32
      scf.if %cond3A_106 {
        %add3A_107 = arith.constant 1 : i32
        %add3A_108 = arith.addi %add3A_56, %add3A_107 : i32
        %dma_wait3A_109 = arith.constant 0 : i32
        %dma_wait3A_110 = arith.constant 0 : i32
        %dma_wait3A_111 = tpu.memref_slice %arg3[%arg0, %arg1, %add3A_108, %dma_wait3A_109, %dma_wait3A_110] : memref<2x16x4x20x128xi32, #tpu.memory_space<hbm>> -> memref<1x1x1x20x128xi32, #tpu.memory_space<hbm>>
        %dma_wait3A_112 = tpu.memref_squeeze %dma_wait3A_111 : memref<1x1x1x20x128xi32, #tpu.memory_space<hbm>> -> memref<20x128xi32, #tpu.memory_space<hbm>>
        %dma_wait3A_113 = arith.constant 0 : i32
        %dma_wait3A_114 = arith.constant 0 : i32
        %dma_wait3A_115 = tpu.memref_slice %arg3[%arg0, %arg1, %add3A_108, %dma_wait3A_113, %dma_wait3A_114] : memref<2x16x4x20x128xi32, #tpu.memory_space<hbm>> -> memref<1x1x1x20x128xi32, #tpu.memory_space<hbm>>
        %dma_wait3A_116 = tpu.memref_squeeze %dma_wait3A_115 : memref<1x1x1x20x128xi32, #tpu.memory_space<hbm>> -> memref<20x128xi32, #tpu.memory_space<hbm>>
        tpu.wait_dma2 semaphore(%arg16 : memref<!tpu.dma_semaphore, #tpu.memory_space<semaphore_mem>>) src(%dma_wait3A_116 : memref<20x128xi32, #tpu.memory_space<hbm>>) dst(%arg7 : memref<20x128xi32, #tpu.memory_space<vmem>>)
        %add3A_117 = arith.constant 1 : i32
        %add3A_118 = arith.addi %add3A_56, %add3A_117 : i32
        %dma_wait3A_119 = arith.constant 0 : i32
        %dma_wait3A_120 = arith.constant 0 : i32
        %dma_wait3A_121 = tpu.memref_slice %arg4[%arg0, %arg1, %add3A_118, %dma_wait3A_119, %dma_wait3A_120] : memref<2x16x4x20x128xi32, #tpu.memory_space<hbm>> -> memref<1x1x1x20x128xi32, #tpu.memory_space<hbm>>
        %dma_wait3A_122 = tpu.memref_squeeze %dma_wait3A_121 : memref<1x1x1x20x128xi32, #tpu.memory_space<hbm>> -> memref<20x128xi32, #tpu.memory_space<hbm>>
        %dma_wait3A_123 = arith.constant 0 : i32
        %dma_wait3A_124 = arith.constant 0 : i32
        %dma_wait3A_125 = tpu.memref_slice %arg4[%arg0, %arg1, %add3A_118, %dma_wait3A_123, %dma_wait3A_124] : memref<2x16x4x20x128xi32, #tpu.memory_space<hbm>> -> memref<1x1x1x20x128xi32, #tpu.memory_space<hbm>>
        %dma_wait3A_126 = tpu.memref_squeeze %dma_wait3A_125 : memref<1x1x1x20x128xi32, #tpu.memory_space<hbm>> -> memref<20x128xi32, #tpu.memory_space<hbm>>
        tpu.wait_dma2 semaphore(%arg16 : memref<!tpu.dma_semaphore, #tpu.memory_space<semaphore_mem>>) src(%dma_wait3A_126 : memref<20x128xi32, #tpu.memory_space<hbm>>) dst(%arg8 : memref<20x128xi32, #tpu.memory_space<vmem>>)
      } else {
      }
    }
    %scan3A_6 = arith.constant 2 : i32
    %barrier3A_7 = arith.constant 0 : index
    tpu.barrier barrier_id(%barrier3A_7)
    "tpu.region"() ({
      %run_scoped3A_8 = tpu.sem_alloc : memref<!tpu.dma_semaphore, #tpu.memory_space<semaphore_mem>>
      %dma_start3A = arith.constant 0 : i32
      %dma_start3A_9 = tpu.memref_slice %arg6[%arg0, %mul3A_0, %dma_start3A] : memref<2x10112x128xf32, #tpu.memory_space<hbm>> -> memref<1x632x128xf32, #tpu.memory_space<hbm>>
      %dma_start3A_10 = tpu.memref_squeeze %dma_start3A_9 : memref<1x632x128xf32, #tpu.memory_space<hbm>> -> memref<632x128xf32, #tpu.memory_space<hbm>>
      %dma_start3A_11 = arith.constant 0 : i32
      %dma_start3A_12 = tpu.memref_slice %arg13[%mul3A_0, %dma_start3A_11] : memref<10112x128xf32, #tpu.memory_space<vmem_shared>> -> memref<632x128xf32, #tpu.memory_space<vmem_shared>>
      tpu.enqueue_dma source(%dma_start3A_12 : memref<632x128xf32, #tpu.memory_space<vmem_shared>>) target(%dma_start3A_10 : memref<632x128xf32, #tpu.memory_space<hbm>>) target_semaphore(%run_scoped3A_8 : memref<!tpu.dma_semaphore, #tpu.memory_space<semaphore_mem>>)
      %dma_wait3A = arith.constant 0 : i32
      %dma_wait3A_13 = tpu.memref_slice %arg6[%arg0, %mul3A_0, %dma_wait3A] : memref<2x10112x128xf32, #tpu.memory_space<hbm>> -> memref<1x632x128xf32, #tpu.memory_space<hbm>>
      %dma_wait3A_14 = tpu.memref_squeeze %dma_wait3A_13 : memref<1x632x128xf32, #tpu.memory_space<hbm>> -> memref<632x128xf32, #tpu.memory_space<hbm>>
      %dma_wait3A_15 = arith.constant 0 : i32
      %dma_wait3A_16 = tpu.memref_slice %arg13[%mul3A_0, %dma_wait3A_15] : memref<10112x128xf32, #tpu.memory_space<vmem_shared>> -> memref<632x128xf32, #tpu.memory_space<vmem_shared>>
      tpu.wait_dma2 semaphore(%run_scoped3A_8 : memref<!tpu.dma_semaphore, #tpu.memory_space<semaphore_mem>>) src(%dma_wait3A_16 : memref<632x128xf32, #tpu.memory_space<vmem_shared>>) dst(%dma_wait3A_14 : memref<632x128xf32, #tpu.memory_space<hbm>>)
      tpu.yield
    }) : () -> ()
    return
  }
}

#map = affine_map<(d0, d1) -> (0, 0)>
#map1 = affine_map<(d0, d1) -> (0, 0, 0, 0, 0)>
#map2 = affine_map<(d0, d1) -> (0, 0, 0)>
module attributes {stable_mosaic.version = 14 : i64} {
  func.func @agg(%arg0: i32, %arg1: i32, %arg2: memref<20000x128xf32, #tpu.memory_space<hbm>>, %arg3: memref<2x16x8x20x128xi32, #tpu.memory_space<hbm>>, %arg4: memref<2x16x8x20x128xi32, #tpu.memory_space<hbm>>, %arg5: memref<10112x128xf32, #tpu.memory_space<hbm>>, %arg6: memref<2x10112x128xf32, #tpu.memory_space<hbm>>, %arg7: memref<20x128xi32, #tpu.memory_space<vmem>>, %arg8: memref<20x128xi32, #tpu.memory_space<vmem>>, %arg9: memref<20x128xi32, #tpu.memory_space<vmem>>, %arg10: memref<20x128xi32, #tpu.memory_space<vmem>>, %arg11: memref<128x128xf32, #tpu.memory_space<vmem>>, %arg12: memref<128x128xf32, #tpu.memory_space<vmem>>, %arg13: memref<10112x128xf32, #tpu.memory_space<vmem_shared>>, %arg14: memref<!tpu.dma_semaphore, #tpu.memory_space<semaphore_mem>>, %arg15: memref<!tpu.dma_semaphore, #tpu.memory_space<semaphore_mem>>, %arg16: memref<!tpu.dma_semaphore, #tpu.memory_space<semaphore_mem>>) attributes {dimension_semantics = [#tpu.dimension_semantics<core_parallel>, #tpu.dimension_semantics<subcore_parallel>], iteration_bounds = array<i64: 2, 16>, scalar_prefetch = 0 : i64, scratch_operands = 10 : i64, tpu.core_type = #tpu.core_type<sc_vector_subcore>, window_params = [{transform_indices = #map}, {transform_indices = #map1}, {transform_indices = #map1}, {transform_indices = #map}, {transform_indices = #map2}]} {
    %mul3A = arith.constant 632 : i32
    %mul3A_0 = arith.muli %arg1, %mul3A : i32
    "tpu.region"() ({
      %run_scoped3A_8 = tpu.sem_alloc : memref<!tpu.dma_semaphore, #tpu.memory_space<semaphore_mem>>
      %dma_start3A = arith.constant 0 : i32
      %dma_start3A_9 = tpu.memref_slice %arg13[%mul3A_0, %dma_start3A] : memref<10112x128xf32, #tpu.memory_space<vmem_shared>> -> memref<632x128xf32, #tpu.memory_space<vmem_shared>>
      %dma_start3A_10 = arith.constant 0 : i32
      %dma_start3A_11 = tpu.memref_slice %arg5[%mul3A_0, %dma_start3A_10] : memref<10112x128xf32, #tpu.memory_space<hbm>> -> memref<632x128xf32, #tpu.memory_space<hbm>>
      tpu.enqueue_dma source(%dma_start3A_11 : memref<632x128xf32, #tpu.memory_space<hbm>>) target(%dma_start3A_9 : memref<632x128xf32, #tpu.memory_space<vmem_shared>>) target_semaphore(%run_scoped3A_8 : memref<!tpu.dma_semaphore, #tpu.memory_space<semaphore_mem>>)
      %dma_wait3A = arith.constant 0 : i32
      %dma_wait3A_12 = tpu.memref_slice %arg13[%mul3A_0, %dma_wait3A] : memref<10112x128xf32, #tpu.memory_space<vmem_shared>> -> memref<632x128xf32, #tpu.memory_space<vmem_shared>>
      %dma_wait3A_13 = arith.constant 0 : i32
      %dma_wait3A_14 = tpu.memref_slice %arg5[%mul3A_0, %dma_wait3A_13] : memref<10112x128xf32, #tpu.memory_space<hbm>> -> memref<632x128xf32, #tpu.memory_space<hbm>>
      tpu.wait_dma2 semaphore(%run_scoped3A_8 : memref<!tpu.dma_semaphore, #tpu.memory_space<semaphore_mem>>) src(%dma_wait3A_14 : memref<632x128xf32, #tpu.memory_space<hbm>>) dst(%dma_wait3A_12 : memref<632x128xf32, #tpu.memory_space<vmem_shared>>)
      tpu.yield
    }) : () -> ()
    %barrier3A = arith.constant 0 : index
    tpu.barrier barrier_id(%barrier3A)
    %run_scoped3A = arith.constant 0 : i32
    "tpu.region"() ({
      %run_scoped3A_8 = tpu.sem_alloc : memref<!tpu.dma_semaphore, #tpu.memory_space<semaphore_mem>>
      %dma_start3A = arith.constant 0 : i32
      %dma_start3A_9 = arith.constant 0 : i32
      %dma_start3A_10 = tpu.memref_slice %arg3[%arg0, %arg1, %run_scoped3A, %dma_start3A, %dma_start3A_9] : memref<2x16x8x20x128xi32, #tpu.memory_space<hbm>> -> memref<1x1x1x20x128xi32, #tpu.memory_space<hbm>>
      %dma_start3A_11 = tpu.memref_squeeze %dma_start3A_10 : memref<1x1x1x20x128xi32, #tpu.memory_space<hbm>> -> memref<20x128xi32, #tpu.memory_space<hbm>>
      %dma_start3A_12 = arith.constant 0 : i32
      %dma_start3A_13 = arith.constant 0 : i32
      %dma_start3A_14 = tpu.memref_slice %arg3[%arg0, %arg1, %run_scoped3A, %dma_start3A_12, %dma_start3A_13] : memref<2x16x8x20x128xi32, #tpu.memory_space<hbm>> -> memref<1x1x1x20x128xi32, #tpu.memory_space<hbm>>
      %dma_start3A_15 = tpu.memref_squeeze %dma_start3A_14 : memref<1x1x1x20x128xi32, #tpu.memory_space<hbm>> -> memref<20x128xi32, #tpu.memory_space<hbm>>
      tpu.enqueue_dma source(%dma_start3A_15 : memref<20x128xi32, #tpu.memory_space<hbm>>) target(%arg7 : memref<20x128xi32, #tpu.memory_space<vmem>>) target_semaphore(%run_scoped3A_8 : memref<!tpu.dma_semaphore, #tpu.memory_space<semaphore_mem>>)
      %dma_wait3A = arith.constant 0 : i32
      %dma_wait3A_16 = arith.constant 0 : i32
      %dma_wait3A_17 = tpu.memref_slice %arg3[%arg0, %arg1, %run_scoped3A, %dma_wait3A, %dma_wait3A_16] : memref<2x16x8x20x128xi32, #tpu.memory_space<hbm>> -> memref<1x1x1x20x128xi32, #tpu.memory_space<hbm>>
      %dma_wait3A_18 = tpu.memref_squeeze %dma_wait3A_17 : memref<1x1x1x20x128xi32, #tpu.memory_space<hbm>> -> memref<20x128xi32, #tpu.memory_space<hbm>>
      %dma_wait3A_19 = arith.constant 0 : i32
      %dma_wait3A_20 = arith.constant 0 : i32
      %dma_wait3A_21 = tpu.memref_slice %arg3[%arg0, %arg1, %run_scoped3A, %dma_wait3A_19, %dma_wait3A_20] : memref<2x16x8x20x128xi32, #tpu.memory_space<hbm>> -> memref<1x1x1x20x128xi32, #tpu.memory_space<hbm>>
      %dma_wait3A_22 = tpu.memref_squeeze %dma_wait3A_21 : memref<1x1x1x20x128xi32, #tpu.memory_space<hbm>> -> memref<20x128xi32, #tpu.memory_space<hbm>>
      tpu.wait_dma2 semaphore(%run_scoped3A_8 : memref<!tpu.dma_semaphore, #tpu.memory_space<semaphore_mem>>) src(%dma_wait3A_22 : memref<20x128xi32, #tpu.memory_space<hbm>>) dst(%arg7 : memref<20x128xi32, #tpu.memory_space<vmem>>)
      tpu.yield
    }) : () -> ()
    %run_scoped3A_1 = arith.constant 0 : i32
    "tpu.region"() ({
      %run_scoped3A_8 = tpu.sem_alloc : memref<!tpu.dma_semaphore, #tpu.memory_space<semaphore_mem>>
      %dma_start3A = arith.constant 0 : i32
      %dma_start3A_9 = arith.constant 0 : i32
      %dma_start3A_10 = tpu.memref_slice %arg4[%arg0, %arg1, %run_scoped3A_1, %dma_start3A, %dma_start3A_9] : memref<2x16x8x20x128xi32, #tpu.memory_space<hbm>> -> memref<1x1x1x20x128xi32, #tpu.memory_space<hbm>>
      %dma_start3A_11 = tpu.memref_squeeze %dma_start3A_10 : memref<1x1x1x20x128xi32, #tpu.memory_space<hbm>> -> memref<20x128xi32, #tpu.memory_space<hbm>>
      %dma_start3A_12 = arith.constant 0 : i32
      %dma_start3A_13 = arith.constant 0 : i32
      %dma_start3A_14 = tpu.memref_slice %arg4[%arg0, %arg1, %run_scoped3A_1, %dma_start3A_12, %dma_start3A_13] : memref<2x16x8x20x128xi32, #tpu.memory_space<hbm>> -> memref<1x1x1x20x128xi32, #tpu.memory_space<hbm>>
      %dma_start3A_15 = tpu.memref_squeeze %dma_start3A_14 : memref<1x1x1x20x128xi32, #tpu.memory_space<hbm>> -> memref<20x128xi32, #tpu.memory_space<hbm>>
      tpu.enqueue_dma source(%dma_start3A_15 : memref<20x128xi32, #tpu.memory_space<hbm>>) target(%arg8 : memref<20x128xi32, #tpu.memory_space<vmem>>) target_semaphore(%run_scoped3A_8 : memref<!tpu.dma_semaphore, #tpu.memory_space<semaphore_mem>>)
      %dma_wait3A = arith.constant 0 : i32
      %dma_wait3A_16 = arith.constant 0 : i32
      %dma_wait3A_17 = tpu.memref_slice %arg4[%arg0, %arg1, %run_scoped3A_1, %dma_wait3A, %dma_wait3A_16] : memref<2x16x8x20x128xi32, #tpu.memory_space<hbm>> -> memref<1x1x1x20x128xi32, #tpu.memory_space<hbm>>
      %dma_wait3A_18 = tpu.memref_squeeze %dma_wait3A_17 : memref<1x1x1x20x128xi32, #tpu.memory_space<hbm>> -> memref<20x128xi32, #tpu.memory_space<hbm>>
      %dma_wait3A_19 = arith.constant 0 : i32
      %dma_wait3A_20 = arith.constant 0 : i32
      %dma_wait3A_21 = tpu.memref_slice %arg4[%arg0, %arg1, %run_scoped3A_1, %dma_wait3A_19, %dma_wait3A_20] : memref<2x16x8x20x128xi32, #tpu.memory_space<hbm>> -> memref<1x1x1x20x128xi32, #tpu.memory_space<hbm>>
      %dma_wait3A_22 = tpu.memref_squeeze %dma_wait3A_21 : memref<1x1x1x20x128xi32, #tpu.memory_space<hbm>> -> memref<20x128xi32, #tpu.memory_space<hbm>>
      tpu.wait_dma2 semaphore(%run_scoped3A_8 : memref<!tpu.dma_semaphore, #tpu.memory_space<semaphore_mem>>) src(%dma_wait3A_22 : memref<20x128xi32, #tpu.memory_space<hbm>>) dst(%arg8 : memref<20x128xi32, #tpu.memory_space<vmem>>)
      tpu.yield
    }) : () -> ()
    %scan3A = arith.constant 0 : i32
    %scan3A_2 = arith.constant 0 : i32
    %scan3A_3 = arith.constant 4 : i32
    %scan3A_4 = arith.addi %scan3A_2, %scan3A_3 : i32
    %scan3A_5 = arith.constant 1 : i32
    scf.for %scan3A_8 = %scan3A_2 to %scan3A_4 step %scan3A_5  : i32 {
      %mul3A_9 = arith.constant 2 : i32
      %mul3A_10 = arith.muli %mul3A_9, %scan3A_8 : i32
      %add3A = arith.constant 1 : i32
      %add3A_11 = arith.addi %mul3A_10, %add3A : i32
      %lt3A = arith.constant 8 : i32
      %lt3A_12 = arith.cmpi slt, %add3A_11, %lt3A : i32
      %convert_element_type3A = arith.extui %lt3A_12 : i1 to i32
      %cond3A = arith.constant 0 : i32
      %cond3A_13 = arith.cmpi ne, %convert_element_type3A, %cond3A : i32
      scf.if %cond3A_13 {
        %add3A_107 = arith.constant 1 : i32
        %add3A_108 = arith.addi %mul3A_10, %add3A_107 : i32
        %dma_start3A_109 = arith.constant 0 : i32
        %dma_start3A_110 = arith.constant 0 : i32
        %dma_start3A_111 = tpu.memref_slice %arg3[%arg0, %arg1, %add3A_108, %dma_start3A_109, %dma_start3A_110] : memref<2x16x8x20x128xi32, #tpu.memory_space<hbm>> -> memref<1x1x1x20x128xi32, #tpu.memory_space<hbm>>
        %dma_start3A_112 = tpu.memref_squeeze %dma_start3A_111 : memref<1x1x1x20x128xi32, #tpu.memory_space<hbm>> -> memref<20x128xi32, #tpu.memory_space<hbm>>
        %dma_start3A_113 = arith.constant 0 : i32
        %dma_start3A_114 = arith.constant 0 : i32
        %dma_start3A_115 = tpu.memref_slice %arg3[%arg0, %arg1, %add3A_108, %dma_start3A_113, %dma_start3A_114] : memref<2x16x8x20x128xi32, #tpu.memory_space<hbm>> -> memref<1x1x1x20x128xi32, #tpu.memory_space<hbm>>
        %dma_start3A_116 = tpu.memref_squeeze %dma_start3A_115 : memref<1x1x1x20x128xi32, #tpu.memory_space<hbm>> -> memref<20x128xi32, #tpu.memory_space<hbm>>
        tpu.enqueue_dma source(%dma_start3A_116 : memref<20x128xi32, #tpu.memory_space<hbm>>) target(%arg9 : memref<20x128xi32, #tpu.memory_space<vmem>>) target_semaphore(%arg16 : memref<!tpu.dma_semaphore, #tpu.memory_space<semaphore_mem>>)
        %add3A_117 = arith.constant 1 : i32
        %add3A_118 = arith.addi %mul3A_10, %add3A_117 : i32
        %dma_start3A_119 = arith.constant 0 : i32
        %dma_start3A_120 = arith.constant 0 : i32
        %dma_start3A_121 = tpu.memref_slice %arg4[%arg0, %arg1, %add3A_118, %dma_start3A_119, %dma_start3A_120] : memref<2x16x8x20x128xi32, #tpu.memory_space<hbm>> -> memref<1x1x1x20x128xi32, #tpu.memory_space<hbm>>
        %dma_start3A_122 = tpu.memref_squeeze %dma_start3A_121 : memref<1x1x1x20x128xi32, #tpu.memory_space<hbm>> -> memref<20x128xi32, #tpu.memory_space<hbm>>
        %dma_start3A_123 = arith.constant 0 : i32
        %dma_start3A_124 = arith.constant 0 : i32
        %dma_start3A_125 = tpu.memref_slice %arg4[%arg0, %arg1, %add3A_118, %dma_start3A_123, %dma_start3A_124] : memref<2x16x8x20x128xi32, #tpu.memory_space<hbm>> -> memref<1x1x1x20x128xi32, #tpu.memory_space<hbm>>
        %dma_start3A_126 = tpu.memref_squeeze %dma_start3A_125 : memref<1x1x1x20x128xi32, #tpu.memory_space<hbm>> -> memref<20x128xi32, #tpu.memory_space<hbm>>
        tpu.enqueue_dma source(%dma_start3A_126 : memref<20x128xi32, #tpu.memory_space<hbm>>) target(%arg10 : memref<20x128xi32, #tpu.memory_space<vmem>>) target_semaphore(%arg16 : memref<!tpu.dma_semaphore, #tpu.memory_space<semaphore_mem>>)
      } else {
      }
      %dma_start3A = arith.constant 0 : i32
      %dma_start3A_14 = arith.constant 0 : i32
      %dma_start3A_15 = tpu.memref_slice %arg7[%dma_start3A, %dma_start3A_14] : memref<20x128xi32, #tpu.memory_space<vmem>> -> memref<1x128xi32, #tpu.memory_space<vmem>>
      %dma_start3A_16 = tpu.memref_squeeze %dma_start3A_15 : memref<1x128xi32, #tpu.memory_space<vmem>> -> memref<128xi32, #tpu.memory_space<vmem>>
      %dma_start3A_17 = arith.constant 0 : i32
      %dma_start3A_18 = arith.constant 0 : i32
      %dma_start3A_19 = tpu.memref_slice %arg2[%dma_start3A_17, %dma_start3A_18] : memref<20000x128xf32, #tpu.memory_space<hbm>> -> memref<20000x128xf32, #tpu.memory_space<hbm>>
      tpu.enqueue_indirect_dma source(%dma_start3A_19 : memref<20000x128xf32, #tpu.memory_space<hbm>>) target(%arg11 : memref<128x128xf32, #tpu.memory_space<vmem>>) offsets(%dma_start3A_16 : memref<128xi32, #tpu.memory_space<vmem>>) semaphore(%arg14 : memref<!tpu.dma_semaphore, #tpu.memory_space<semaphore_mem>>)
      %dma_start3A_20 = arith.constant 1 : i32
      %dma_start3A_21 = arith.constant 0 : i32
      %dma_start3A_22 = tpu.memref_slice %arg7[%dma_start3A_20, %dma_start3A_21] : memref<20x128xi32, #tpu.memory_space<vmem>> -> memref<1x128xi32, #tpu.memory_space<vmem>>
      %dma_start3A_23 = tpu.memref_squeeze %dma_start3A_22 : memref<1x128xi32, #tpu.memory_space<vmem>> -> memref<128xi32, #tpu.memory_space<vmem>>
      %dma_start3A_24 = arith.constant 0 : i32
      %dma_start3A_25 = arith.constant 0 : i32
      %dma_start3A_26 = tpu.memref_slice %arg2[%dma_start3A_24, %dma_start3A_25] : memref<20000x128xf32, #tpu.memory_space<hbm>> -> memref<20000x128xf32, #tpu.memory_space<hbm>>
      tpu.enqueue_indirect_dma source(%dma_start3A_26 : memref<20000x128xf32, #tpu.memory_space<hbm>>) target(%arg12 : memref<128x128xf32, #tpu.memory_space<vmem>>) offsets(%dma_start3A_23 : memref<128xi32, #tpu.memory_space<vmem>>) semaphore(%arg15 : memref<!tpu.dma_semaphore, #tpu.memory_space<semaphore_mem>>)
      %scan3A_27 = arith.constant 0 : i32
      %scan3A_28 = arith.constant 0 : i32
      %scan3A_29 = arith.constant 9 : i32
      %scan3A_30 = arith.addi %scan3A_28, %scan3A_29 : i32
      %scan3A_31 = arith.constant 1 : i32
      scf.for %scan3A_107 = %scan3A_28 to %scan3A_30 step %scan3A_31  : i32 {
        %mul3A_108 = arith.constant 2 : i32
        %mul3A_109 = arith.muli %mul3A_108, %scan3A_107 : i32
        %dma_wait3A_110 = arith.constant 0 : i32
        %dma_wait3A_111 = tpu.memref_slice %arg7[%mul3A_109, %dma_wait3A_110] : memref<20x128xi32, #tpu.memory_space<vmem>> -> memref<1x128xi32, #tpu.memory_space<vmem>>
        %dma_wait3A_112 = tpu.memref_squeeze %dma_wait3A_111 : memref<1x128xi32, #tpu.memory_space<vmem>> -> memref<128xi32, #tpu.memory_space<vmem>>
        %dma_wait3A_113 = arith.constant 0 : i32
        %dma_wait3A_114 = arith.constant 0 : i32
        %dma_wait3A_115 = tpu.memref_slice %arg2[%dma_wait3A_113, %dma_wait3A_114] : memref<20000x128xf32, #tpu.memory_space<hbm>> -> memref<20000x128xf32, #tpu.memory_space<hbm>>
        tpu.wait_indirect_dma semaphore(%arg14 : memref<!tpu.dma_semaphore, #tpu.memory_space<semaphore_mem>>) src(%dma_wait3A_115 : memref<20000x128xf32, #tpu.memory_space<hbm>>) dst(%arg11 : memref<128x128xf32, #tpu.memory_space<vmem>>)
        "tpu.region"() ({
          %run_scoped3A_142 = tpu.sem_alloc : memref<!tpu.dma_semaphore, #tpu.memory_space<semaphore_mem>>
          %dma_start3A_143 = arith.constant 0 : i32
          %dma_start3A_144 = tpu.memref_slice %arg8[%mul3A_109, %dma_start3A_143] : memref<20x128xi32, #tpu.memory_space<vmem>> -> memref<1x128xi32, #tpu.memory_space<vmem>>
          %dma_start3A_145 = tpu.memref_squeeze %dma_start3A_144 : memref<1x128xi32, #tpu.memory_space<vmem>> -> memref<128xi32, #tpu.memory_space<vmem>>
          %dma_start3A_146 = arith.constant 0 : i32
          %dma_start3A_147 = arith.constant 0 : i32
          %dma_start3A_148 = tpu.memref_slice %arg13[%dma_start3A_146, %dma_start3A_147] : memref<10112x128xf32, #tpu.memory_space<vmem_shared>> -> memref<10112x128xf32, #tpu.memory_space<vmem_shared>>
          tpu.enqueue_indirect_dma source(%arg11 : memref<128x128xf32, #tpu.memory_space<vmem>>) target(%dma_start3A_148 : memref<10112x128xf32, #tpu.memory_space<vmem_shared>>) offsets(%dma_start3A_145 : memref<128xi32, #tpu.memory_space<vmem>>) semaphore(%run_scoped3A_142 : memref<!tpu.dma_semaphore, #tpu.memory_space<semaphore_mem>>) {add = true}
          %dma_wait3A_149 = arith.constant 0 : i32
          %dma_wait3A_150 = tpu.memref_slice %arg8[%mul3A_109, %dma_wait3A_149] : memref<20x128xi32, #tpu.memory_space<vmem>> -> memref<1x128xi32, #tpu.memory_space<vmem>>
          %dma_wait3A_151 = tpu.memref_squeeze %dma_wait3A_150 : memref<1x128xi32, #tpu.memory_space<vmem>> -> memref<128xi32, #tpu.memory_space<vmem>>
          %dma_wait3A_152 = arith.constant 0 : i32
          %dma_wait3A_153 = arith.constant 0 : i32
          %dma_wait3A_154 = tpu.memref_slice %arg13[%dma_wait3A_152, %dma_wait3A_153] : memref<10112x128xf32, #tpu.memory_space<vmem_shared>> -> memref<10112x128xf32, #tpu.memory_space<vmem_shared>>
          tpu.wait_indirect_dma semaphore(%run_scoped3A_142 : memref<!tpu.dma_semaphore, #tpu.memory_space<semaphore_mem>>) src(%arg11 : memref<128x128xf32, #tpu.memory_space<vmem>>) dst(%dma_wait3A_154 : memref<10112x128xf32, #tpu.memory_space<vmem_shared>>)
          tpu.yield
        }) : () -> ()
        %add3A_116 = arith.constant 2 : i32
        %add3A_117 = arith.addi %mul3A_109, %add3A_116 : i32
        %dma_start3A_118 = arith.constant 0 : i32
        %dma_start3A_119 = tpu.memref_slice %arg7[%add3A_117, %dma_start3A_118] : memref<20x128xi32, #tpu.memory_space<vmem>> -> memref<1x128xi32, #tpu.memory_space<vmem>>
        %dma_start3A_120 = tpu.memref_squeeze %dma_start3A_119 : memref<1x128xi32, #tpu.memory_space<vmem>> -> memref<128xi32, #tpu.memory_space<vmem>>
        %dma_start3A_121 = arith.constant 0 : i32
        %dma_start3A_122 = arith.constant 0 : i32
        %dma_start3A_123 = tpu.memref_slice %arg2[%dma_start3A_121, %dma_start3A_122] : memref<20000x128xf32, #tpu.memory_space<hbm>> -> memref<20000x128xf32, #tpu.memory_space<hbm>>
        tpu.enqueue_indirect_dma source(%dma_start3A_123 : memref<20000x128xf32, #tpu.memory_space<hbm>>) target(%arg11 : memref<128x128xf32, #tpu.memory_space<vmem>>) offsets(%dma_start3A_120 : memref<128xi32, #tpu.memory_space<vmem>>) semaphore(%arg14 : memref<!tpu.dma_semaphore, #tpu.memory_space<semaphore_mem>>)
        %add3A_124 = arith.constant 1 : i32
        %add3A_125 = arith.addi %mul3A_109, %add3A_124 : i32
        %dma_wait3A_126 = arith.constant 0 : i32
        %dma_wait3A_127 = tpu.memref_slice %arg7[%add3A_125, %dma_wait3A_126] : memref<20x128xi32, #tpu.memory_space<vmem>> -> memref<1x128xi32, #tpu.memory_space<vmem>>
        %dma_wait3A_128 = tpu.memref_squeeze %dma_wait3A_127 : memref<1x128xi32, #tpu.memory_space<vmem>> -> memref<128xi32, #tpu.memory_space<vmem>>
        %dma_wait3A_129 = arith.constant 0 : i32
        %dma_wait3A_130 = arith.constant 0 : i32
        %dma_wait3A_131 = tpu.memref_slice %arg2[%dma_wait3A_129, %dma_wait3A_130] : memref<20000x128xf32, #tpu.memory_space<hbm>> -> memref<20000x128xf32, #tpu.memory_space<hbm>>
        tpu.wait_indirect_dma semaphore(%arg15 : memref<!tpu.dma_semaphore, #tpu.memory_space<semaphore_mem>>) src(%dma_wait3A_131 : memref<20000x128xf32, #tpu.memory_space<hbm>>) dst(%arg12 : memref<128x128xf32, #tpu.memory_space<vmem>>)
        %add3A_132 = arith.constant 1 : i32
        %add3A_133 = arith.addi %mul3A_109, %add3A_132 : i32
        "tpu.region"() ({
          %run_scoped3A_142 = tpu.sem_alloc : memref<!tpu.dma_semaphore, #tpu.memory_space<semaphore_mem>>
          %dma_start3A_143 = arith.constant 0 : i32
          %dma_start3A_144 = tpu.memref_slice %arg8[%add3A_133, %dma_start3A_143] : memref<20x128xi32, #tpu.memory_space<vmem>> -> memref<1x128xi32, #tpu.memory_space<vmem>>
          %dma_start3A_145 = tpu.memref_squeeze %dma_start3A_144 : memref<1x128xi32, #tpu.memory_space<vmem>> -> memref<128xi32, #tpu.memory_space<vmem>>
          %dma_start3A_146 = arith.constant 0 : i32
          %dma_start3A_147 = arith.constant 0 : i32
          %dma_start3A_148 = tpu.memref_slice %arg13[%dma_start3A_146, %dma_start3A_147] : memref<10112x128xf32, #tpu.memory_space<vmem_shared>> -> memref<10112x128xf32, #tpu.memory_space<vmem_shared>>
          tpu.enqueue_indirect_dma source(%arg12 : memref<128x128xf32, #tpu.memory_space<vmem>>) target(%dma_start3A_148 : memref<10112x128xf32, #tpu.memory_space<vmem_shared>>) offsets(%dma_start3A_145 : memref<128xi32, #tpu.memory_space<vmem>>) semaphore(%run_scoped3A_142 : memref<!tpu.dma_semaphore, #tpu.memory_space<semaphore_mem>>) {add = true}
          %dma_wait3A_149 = arith.constant 0 : i32
          %dma_wait3A_150 = tpu.memref_slice %arg8[%add3A_133, %dma_wait3A_149] : memref<20x128xi32, #tpu.memory_space<vmem>> -> memref<1x128xi32, #tpu.memory_space<vmem>>
          %dma_wait3A_151 = tpu.memref_squeeze %dma_wait3A_150 : memref<1x128xi32, #tpu.memory_space<vmem>> -> memref<128xi32, #tpu.memory_space<vmem>>
          %dma_wait3A_152 = arith.constant 0 : i32
          %dma_wait3A_153 = arith.constant 0 : i32
          %dma_wait3A_154 = tpu.memref_slice %arg13[%dma_wait3A_152, %dma_wait3A_153] : memref<10112x128xf32, #tpu.memory_space<vmem_shared>> -> memref<10112x128xf32, #tpu.memory_space<vmem_shared>>
          tpu.wait_indirect_dma semaphore(%run_scoped3A_142 : memref<!tpu.dma_semaphore, #tpu.memory_space<semaphore_mem>>) src(%arg12 : memref<128x128xf32, #tpu.memory_space<vmem>>) dst(%dma_wait3A_154 : memref<10112x128xf32, #tpu.memory_space<vmem_shared>>)
          tpu.yield
        }) : () -> ()
        %add3A_134 = arith.constant 3 : i32
        %add3A_135 = arith.addi %mul3A_109, %add3A_134 : i32
        %dma_start3A_136 = arith.constant 0 : i32
        %dma_start3A_137 = tpu.memref_slice %arg7[%add3A_135, %dma_start3A_136] : memref<20x128xi32, #tpu.memory_space<vmem>> -> memref<1x128xi32, #tpu.memory_space<vmem>>
        %dma_start3A_138 = tpu.memref_squeeze %dma_start3A_137 : memref<1x128xi32, #tpu.memory_space<vmem>> -> memref<128xi32, #tpu.memory_space<vmem>>
        %dma_start3A_139 = arith.constant 0 : i32
        %dma_start3A_140 = arith.constant 0 : i32
        %dma_start3A_141 = tpu.memref_slice %arg2[%dma_start3A_139, %dma_start3A_140] : memref<20000x128xf32, #tpu.memory_space<hbm>> -> memref<20000x128xf32, #tpu.memory_space<hbm>>
        tpu.enqueue_indirect_dma source(%dma_start3A_141 : memref<20000x128xf32, #tpu.memory_space<hbm>>) target(%arg12 : memref<128x128xf32, #tpu.memory_space<vmem>>) offsets(%dma_start3A_138 : memref<128xi32, #tpu.memory_space<vmem>>) semaphore(%arg15 : memref<!tpu.dma_semaphore, #tpu.memory_space<semaphore_mem>>)
      }
      %scan3A_32 = arith.constant 9 : i32
      %dma_wait3A = arith.constant 18 : i32
      %dma_wait3A_33 = arith.constant 0 : i32
      %dma_wait3A_34 = tpu.memref_slice %arg7[%dma_wait3A, %dma_wait3A_33] : memref<20x128xi32, #tpu.memory_space<vmem>> -> memref<1x128xi32, #tpu.memory_space<vmem>>
      %dma_wait3A_35 = tpu.memref_squeeze %dma_wait3A_34 : memref<1x128xi32, #tpu.memory_space<vmem>> -> memref<128xi32, #tpu.memory_space<vmem>>
      %dma_wait3A_36 = arith.constant 0 : i32
      %dma_wait3A_37 = arith.constant 0 : i32
      %dma_wait3A_38 = tpu.memref_slice %arg2[%dma_wait3A_36, %dma_wait3A_37] : memref<20000x128xf32, #tpu.memory_space<hbm>> -> memref<20000x128xf32, #tpu.memory_space<hbm>>
      tpu.wait_indirect_dma semaphore(%arg14 : memref<!tpu.dma_semaphore, #tpu.memory_space<semaphore_mem>>) src(%dma_wait3A_38 : memref<20000x128xf32, #tpu.memory_space<hbm>>) dst(%arg11 : memref<128x128xf32, #tpu.memory_space<vmem>>)
      %run_scoped3A_39 = arith.constant 18 : i32
      "tpu.region"() ({
        %run_scoped3A_107 = tpu.sem_alloc : memref<!tpu.dma_semaphore, #tpu.memory_space<semaphore_mem>>
        %dma_start3A_108 = arith.constant 0 : i32
        %dma_start3A_109 = tpu.memref_slice %arg8[%run_scoped3A_39, %dma_start3A_108] : memref<20x128xi32, #tpu.memory_space<vmem>> -> memref<1x128xi32, #tpu.memory_space<vmem>>
        %dma_start3A_110 = tpu.memref_squeeze %dma_start3A_109 : memref<1x128xi32, #tpu.memory_space<vmem>> -> memref<128xi32, #tpu.memory_space<vmem>>
        %dma_start3A_111 = arith.constant 0 : i32
        %dma_start3A_112 = arith.constant 0 : i32
        %dma_start3A_113 = tpu.memref_slice %arg13[%dma_start3A_111, %dma_start3A_112] : memref<10112x128xf32, #tpu.memory_space<vmem_shared>> -> memref<10112x128xf32, #tpu.memory_space<vmem_shared>>
        tpu.enqueue_indirect_dma source(%arg11 : memref<128x128xf32, #tpu.memory_space<vmem>>) target(%dma_start3A_113 : memref<10112x128xf32, #tpu.memory_space<vmem_shared>>) offsets(%dma_start3A_110 : memref<128xi32, #tpu.memory_space<vmem>>) semaphore(%run_scoped3A_107 : memref<!tpu.dma_semaphore, #tpu.memory_space<semaphore_mem>>) {add = true}
        %dma_wait3A_114 = arith.constant 0 : i32
        %dma_wait3A_115 = tpu.memref_slice %arg8[%run_scoped3A_39, %dma_wait3A_114] : memref<20x128xi32, #tpu.memory_space<vmem>> -> memref<1x128xi32, #tpu.memory_space<vmem>>
        %dma_wait3A_116 = tpu.memref_squeeze %dma_wait3A_115 : memref<1x128xi32, #tpu.memory_space<vmem>> -> memref<128xi32, #tpu.memory_space<vmem>>
        %dma_wait3A_117 = arith.constant 0 : i32
        %dma_wait3A_118 = arith.constant 0 : i32
        %dma_wait3A_119 = tpu.memref_slice %arg13[%dma_wait3A_117, %dma_wait3A_118] : memref<10112x128xf32, #tpu.memory_space<vmem_shared>> -> memref<10112x128xf32, #tpu.memory_space<vmem_shared>>
        tpu.wait_indirect_dma semaphore(%run_scoped3A_107 : memref<!tpu.dma_semaphore, #tpu.memory_space<semaphore_mem>>) src(%arg11 : memref<128x128xf32, #tpu.memory_space<vmem>>) dst(%dma_wait3A_119 : memref<10112x128xf32, #tpu.memory_space<vmem_shared>>)
        tpu.yield
      }) : () -> ()
      %dma_wait3A_40 = arith.constant 19 : i32
      %dma_wait3A_41 = arith.constant 0 : i32
      %dma_wait3A_42 = tpu.memref_slice %arg7[%dma_wait3A_40, %dma_wait3A_41] : memref<20x128xi32, #tpu.memory_space<vmem>> -> memref<1x128xi32, #tpu.memory_space<vmem>>
      %dma_wait3A_43 = tpu.memref_squeeze %dma_wait3A_42 : memref<1x128xi32, #tpu.memory_space<vmem>> -> memref<128xi32, #tpu.memory_space<vmem>>
      %dma_wait3A_44 = arith.constant 0 : i32
      %dma_wait3A_45 = arith.constant 0 : i32
      %dma_wait3A_46 = tpu.memref_slice %arg2[%dma_wait3A_44, %dma_wait3A_45] : memref<20000x128xf32, #tpu.memory_space<hbm>> -> memref<20000x128xf32, #tpu.memory_space<hbm>>
      tpu.wait_indirect_dma semaphore(%arg15 : memref<!tpu.dma_semaphore, #tpu.memory_space<semaphore_mem>>) src(%dma_wait3A_46 : memref<20000x128xf32, #tpu.memory_space<hbm>>) dst(%arg12 : memref<128x128xf32, #tpu.memory_space<vmem>>)
      %run_scoped3A_47 = arith.constant 19 : i32
      "tpu.region"() ({
        %run_scoped3A_107 = tpu.sem_alloc : memref<!tpu.dma_semaphore, #tpu.memory_space<semaphore_mem>>
        %dma_start3A_108 = arith.constant 0 : i32
        %dma_start3A_109 = tpu.memref_slice %arg8[%run_scoped3A_47, %dma_start3A_108] : memref<20x128xi32, #tpu.memory_space<vmem>> -> memref<1x128xi32, #tpu.memory_space<vmem>>
        %dma_start3A_110 = tpu.memref_squeeze %dma_start3A_109 : memref<1x128xi32, #tpu.memory_space<vmem>> -> memref<128xi32, #tpu.memory_space<vmem>>
        %dma_start3A_111 = arith.constant 0 : i32
        %dma_start3A_112 = arith.constant 0 : i32
        %dma_start3A_113 = tpu.memref_slice %arg13[%dma_start3A_111, %dma_start3A_112] : memref<10112x128xf32, #tpu.memory_space<vmem_shared>> -> memref<10112x128xf32, #tpu.memory_space<vmem_shared>>
        tpu.enqueue_indirect_dma source(%arg12 : memref<128x128xf32, #tpu.memory_space<vmem>>) target(%dma_start3A_113 : memref<10112x128xf32, #tpu.memory_space<vmem_shared>>) offsets(%dma_start3A_110 : memref<128xi32, #tpu.memory_space<vmem>>) semaphore(%run_scoped3A_107 : memref<!tpu.dma_semaphore, #tpu.memory_space<semaphore_mem>>) {add = true}
        %dma_wait3A_114 = arith.constant 0 : i32
        %dma_wait3A_115 = tpu.memref_slice %arg8[%run_scoped3A_47, %dma_wait3A_114] : memref<20x128xi32, #tpu.memory_space<vmem>> -> memref<1x128xi32, #tpu.memory_space<vmem>>
        %dma_wait3A_116 = tpu.memref_squeeze %dma_wait3A_115 : memref<1x128xi32, #tpu.memory_space<vmem>> -> memref<128xi32, #tpu.memory_space<vmem>>
        %dma_wait3A_117 = arith.constant 0 : i32
        %dma_wait3A_118 = arith.constant 0 : i32
        %dma_wait3A_119 = tpu.memref_slice %arg13[%dma_wait3A_117, %dma_wait3A_118] : memref<10112x128xf32, #tpu.memory_space<vmem_shared>> -> memref<10112x128xf32, #tpu.memory_space<vmem_shared>>
        tpu.wait_indirect_dma semaphore(%run_scoped3A_107 : memref<!tpu.dma_semaphore, #tpu.memory_space<semaphore_mem>>) src(%arg12 : memref<128x128xf32, #tpu.memory_space<vmem>>) dst(%dma_wait3A_119 : memref<10112x128xf32, #tpu.memory_space<vmem_shared>>)
        tpu.yield
      }) : () -> ()
      %add3A_48 = arith.constant 1 : i32
      %add3A_49 = arith.addi %mul3A_10, %add3A_48 : i32
      %lt3A_50 = arith.constant 8 : i32
      %lt3A_51 = arith.cmpi slt, %add3A_49, %lt3A_50 : i32
      %convert_element_type3A_52 = arith.extui %lt3A_51 : i1 to i32
      %cond3A_53 = arith.constant 0 : i32
      %cond3A_54 = arith.cmpi ne, %convert_element_type3A_52, %cond3A_53 : i32
      scf.if %cond3A_54 {
        %add3A_107 = arith.constant 1 : i32
        %add3A_108 = arith.addi %mul3A_10, %add3A_107 : i32
        %dma_wait3A_109 = arith.constant 0 : i32
        %dma_wait3A_110 = arith.constant 0 : i32
        %dma_wait3A_111 = tpu.memref_slice %arg3[%arg0, %arg1, %add3A_108, %dma_wait3A_109, %dma_wait3A_110] : memref<2x16x8x20x128xi32, #tpu.memory_space<hbm>> -> memref<1x1x1x20x128xi32, #tpu.memory_space<hbm>>
        %dma_wait3A_112 = tpu.memref_squeeze %dma_wait3A_111 : memref<1x1x1x20x128xi32, #tpu.memory_space<hbm>> -> memref<20x128xi32, #tpu.memory_space<hbm>>
        %dma_wait3A_113 = arith.constant 0 : i32
        %dma_wait3A_114 = arith.constant 0 : i32
        %dma_wait3A_115 = tpu.memref_slice %arg3[%arg0, %arg1, %add3A_108, %dma_wait3A_113, %dma_wait3A_114] : memref<2x16x8x20x128xi32, #tpu.memory_space<hbm>> -> memref<1x1x1x20x128xi32, #tpu.memory_space<hbm>>
        %dma_wait3A_116 = tpu.memref_squeeze %dma_wait3A_115 : memref<1x1x1x20x128xi32, #tpu.memory_space<hbm>> -> memref<20x128xi32, #tpu.memory_space<hbm>>
        tpu.wait_dma2 semaphore(%arg16 : memref<!tpu.dma_semaphore, #tpu.memory_space<semaphore_mem>>) src(%dma_wait3A_116 : memref<20x128xi32, #tpu.memory_space<hbm>>) dst(%arg9 : memref<20x128xi32, #tpu.memory_space<vmem>>)
        %add3A_117 = arith.constant 1 : i32
        %add3A_118 = arith.addi %mul3A_10, %add3A_117 : i32
        %dma_wait3A_119 = arith.constant 0 : i32
        %dma_wait3A_120 = arith.constant 0 : i32
        %dma_wait3A_121 = tpu.memref_slice %arg4[%arg0, %arg1, %add3A_118, %dma_wait3A_119, %dma_wait3A_120] : memref<2x16x8x20x128xi32, #tpu.memory_space<hbm>> -> memref<1x1x1x20x128xi32, #tpu.memory_space<hbm>>
        %dma_wait3A_122 = tpu.memref_squeeze %dma_wait3A_121 : memref<1x1x1x20x128xi32, #tpu.memory_space<hbm>> -> memref<20x128xi32, #tpu.memory_space<hbm>>
        %dma_wait3A_123 = arith.constant 0 : i32
        %dma_wait3A_124 = arith.constant 0 : i32
        %dma_wait3A_125 = tpu.memref_slice %arg4[%arg0, %arg1, %add3A_118, %dma_wait3A_123, %dma_wait3A_124] : memref<2x16x8x20x128xi32, #tpu.memory_space<hbm>> -> memref<1x1x1x20x128xi32, #tpu.memory_space<hbm>>
        %dma_wait3A_126 = tpu.memref_squeeze %dma_wait3A_125 : memref<1x1x1x20x128xi32, #tpu.memory_space<hbm>> -> memref<20x128xi32, #tpu.memory_space<hbm>>
        tpu.wait_dma2 semaphore(%arg16 : memref<!tpu.dma_semaphore, #tpu.memory_space<semaphore_mem>>) src(%dma_wait3A_126 : memref<20x128xi32, #tpu.memory_space<hbm>>) dst(%arg10 : memref<20x128xi32, #tpu.memory_space<vmem>>)
      } else {
      }
      %add3A_55 = arith.constant 1 : i32
      %add3A_56 = arith.addi %mul3A_10, %add3A_55 : i32
      %add3A_57 = arith.constant 1 : i32
      %add3A_58 = arith.addi %add3A_56, %add3A_57 : i32
      %lt3A_59 = arith.constant 8 : i32
      %lt3A_60 = arith.cmpi slt, %add3A_58, %lt3A_59 : i32
      %convert_element_type3A_61 = arith.extui %lt3A_60 : i1 to i32
      %cond3A_62 = arith.constant 0 : i32
      %cond3A_63 = arith.cmpi ne, %convert_element_type3A_61, %cond3A_62 : i32
      scf.if %cond3A_63 {
        %add3A_107 = arith.constant 1 : i32
        %add3A_108 = arith.addi %add3A_56, %add3A_107 : i32
        %dma_start3A_109 = arith.constant 0 : i32
        %dma_start3A_110 = arith.constant 0 : i32
        %dma_start3A_111 = tpu.memref_slice %arg3[%arg0, %arg1, %add3A_108, %dma_start3A_109, %dma_start3A_110] : memref<2x16x8x20x128xi32, #tpu.memory_space<hbm>> -> memref<1x1x1x20x128xi32, #tpu.memory_space<hbm>>
        %dma_start3A_112 = tpu.memref_squeeze %dma_start3A_111 : memref<1x1x1x20x128xi32, #tpu.memory_space<hbm>> -> memref<20x128xi32, #tpu.memory_space<hbm>>
        %dma_start3A_113 = arith.constant 0 : i32
        %dma_start3A_114 = arith.constant 0 : i32
        %dma_start3A_115 = tpu.memref_slice %arg3[%arg0, %arg1, %add3A_108, %dma_start3A_113, %dma_start3A_114] : memref<2x16x8x20x128xi32, #tpu.memory_space<hbm>> -> memref<1x1x1x20x128xi32, #tpu.memory_space<hbm>>
        %dma_start3A_116 = tpu.memref_squeeze %dma_start3A_115 : memref<1x1x1x20x128xi32, #tpu.memory_space<hbm>> -> memref<20x128xi32, #tpu.memory_space<hbm>>
        tpu.enqueue_dma source(%dma_start3A_116 : memref<20x128xi32, #tpu.memory_space<hbm>>) target(%arg7 : memref<20x128xi32, #tpu.memory_space<vmem>>) target_semaphore(%arg16 : memref<!tpu.dma_semaphore, #tpu.memory_space<semaphore_mem>>)
        %add3A_117 = arith.constant 1 : i32
        %add3A_118 = arith.addi %add3A_56, %add3A_117 : i32
        %dma_start3A_119 = arith.constant 0 : i32
        %dma_start3A_120 = arith.constant 0 : i32
        %dma_start3A_121 = tpu.memref_slice %arg4[%arg0, %arg1, %add3A_118, %dma_start3A_119, %dma_start3A_120] : memref<2x16x8x20x128xi32, #tpu.memory_space<hbm>> -> memref<1x1x1x20x128xi32, #tpu.memory_space<hbm>>
        %dma_start3A_122 = tpu.memref_squeeze %dma_start3A_121 : memref<1x1x1x20x128xi32, #tpu.memory_space<hbm>> -> memref<20x128xi32, #tpu.memory_space<hbm>>
        %dma_start3A_123 = arith.constant 0 : i32
        %dma_start3A_124 = arith.constant 0 : i32
        %dma_start3A_125 = tpu.memref_slice %arg4[%arg0, %arg1, %add3A_118, %dma_start3A_123, %dma_start3A_124] : memref<2x16x8x20x128xi32, #tpu.memory_space<hbm>> -> memref<1x1x1x20x128xi32, #tpu.memory_space<hbm>>
        %dma_start3A_126 = tpu.memref_squeeze %dma_start3A_125 : memref<1x1x1x20x128xi32, #tpu.memory_space<hbm>> -> memref<20x128xi32, #tpu.memory_space<hbm>>
        tpu.enqueue_dma source(%dma_start3A_126 : memref<20x128xi32, #tpu.memory_space<hbm>>) target(%arg8 : memref<20x128xi32, #tpu.memory_space<vmem>>) target_semaphore(%arg16 : memref<!tpu.dma_semaphore, #tpu.memory_space<semaphore_mem>>)
      } else {
      }
      %dma_start3A_64 = arith.constant 0 : i32
      %dma_start3A_65 = arith.constant 0 : i32
      %dma_start3A_66 = tpu.memref_slice %arg9[%dma_start3A_64, %dma_start3A_65] : memref<20x128xi32, #tpu.memory_space<vmem>> -> memref<1x128xi32, #tpu.memory_space<vmem>>
      %dma_start3A_67 = tpu.memref_squeeze %dma_start3A_66 : memref<1x128xi32, #tpu.memory_space<vmem>> -> memref<128xi32, #tpu.memory_space<vmem>>
      %dma_start3A_68 = arith.constant 0 : i32
      %dma_start3A_69 = arith.constant 0 : i32
      %dma_start3A_70 = tpu.memref_slice %arg2[%dma_start3A_68, %dma_start3A_69] : memref<20000x128xf32, #tpu.memory_space<hbm>> -> memref<20000x128xf32, #tpu.memory_space<hbm>>
      tpu.enqueue_indirect_dma source(%dma_start3A_70 : memref<20000x128xf32, #tpu.memory_space<hbm>>) target(%arg11 : memref<128x128xf32, #tpu.memory_space<vmem>>) offsets(%dma_start3A_67 : memref<128xi32, #tpu.memory_space<vmem>>) semaphore(%arg14 : memref<!tpu.dma_semaphore, #tpu.memory_space<semaphore_mem>>)
      %dma_start3A_71 = arith.constant 1 : i32
      %dma_start3A_72 = arith.constant 0 : i32
      %dma_start3A_73 = tpu.memref_slice %arg9[%dma_start3A_71, %dma_start3A_72] : memref<20x128xi32, #tpu.memory_space<vmem>> -> memref<1x128xi32, #tpu.memory_space<vmem>>
      %dma_start3A_74 = tpu.memref_squeeze %dma_start3A_73 : memref<1x128xi32, #tpu.memory_space<vmem>> -> memref<128xi32, #tpu.memory_space<vmem>>
      %dma_start3A_75 = arith.constant 0 : i32
      %dma_start3A_76 = arith.constant 0 : i32
      %dma_start3A_77 = tpu.memref_slice %arg2[%dma_start3A_75, %dma_start3A_76] : memref<20000x128xf32, #tpu.memory_space<hbm>> -> memref<20000x128xf32, #tpu.memory_space<hbm>>
      tpu.enqueue_indirect_dma source(%dma_start3A_77 : memref<20000x128xf32, #tpu.memory_space<hbm>>) target(%arg12 : memref<128x128xf32, #tpu.memory_space<vmem>>) offsets(%dma_start3A_74 : memref<128xi32, #tpu.memory_space<vmem>>) semaphore(%arg15 : memref<!tpu.dma_semaphore, #tpu.memory_space<semaphore_mem>>)
      %scan3A_78 = arith.constant 0 : i32
      %scan3A_79 = arith.constant 0 : i32
      %scan3A_80 = arith.constant 9 : i32
      %scan3A_81 = arith.addi %scan3A_79, %scan3A_80 : i32
      %scan3A_82 = arith.constant 1 : i32
      scf.for %scan3A_107 = %scan3A_79 to %scan3A_81 step %scan3A_82  : i32 {
        %mul3A_108 = arith.constant 2 : i32
        %mul3A_109 = arith.muli %mul3A_108, %scan3A_107 : i32
        %dma_wait3A_110 = arith.constant 0 : i32
        %dma_wait3A_111 = tpu.memref_slice %arg9[%mul3A_109, %dma_wait3A_110] : memref<20x128xi32, #tpu.memory_space<vmem>> -> memref<1x128xi32, #tpu.memory_space<vmem>>
        %dma_wait3A_112 = tpu.memref_squeeze %dma_wait3A_111 : memref<1x128xi32, #tpu.memory_space<vmem>> -> memref<128xi32, #tpu.memory_space<vmem>>
        %dma_wait3A_113 = arith.constant 0 : i32
        %dma_wait3A_114 = arith.constant 0 : i32
        %dma_wait3A_115 = tpu.memref_slice %arg2[%dma_wait3A_113, %dma_wait3A_114] : memref<20000x128xf32, #tpu.memory_space<hbm>> -> memref<20000x128xf32, #tpu.memory_space<hbm>>
        tpu.wait_indirect_dma semaphore(%arg14 : memref<!tpu.dma_semaphore, #tpu.memory_space<semaphore_mem>>) src(%dma_wait3A_115 : memref<20000x128xf32, #tpu.memory_space<hbm>>) dst(%arg11 : memref<128x128xf32, #tpu.memory_space<vmem>>)
        "tpu.region"() ({
          %run_scoped3A_142 = tpu.sem_alloc : memref<!tpu.dma_semaphore, #tpu.memory_space<semaphore_mem>>
          %dma_start3A_143 = arith.constant 0 : i32
          %dma_start3A_144 = tpu.memref_slice %arg10[%mul3A_109, %dma_start3A_143] : memref<20x128xi32, #tpu.memory_space<vmem>> -> memref<1x128xi32, #tpu.memory_space<vmem>>
          %dma_start3A_145 = tpu.memref_squeeze %dma_start3A_144 : memref<1x128xi32, #tpu.memory_space<vmem>> -> memref<128xi32, #tpu.memory_space<vmem>>
          %dma_start3A_146 = arith.constant 0 : i32
          %dma_start3A_147 = arith.constant 0 : i32
          %dma_start3A_148 = tpu.memref_slice %arg13[%dma_start3A_146, %dma_start3A_147] : memref<10112x128xf32, #tpu.memory_space<vmem_shared>> -> memref<10112x128xf32, #tpu.memory_space<vmem_shared>>
          tpu.enqueue_indirect_dma source(%arg11 : memref<128x128xf32, #tpu.memory_space<vmem>>) target(%dma_start3A_148 : memref<10112x128xf32, #tpu.memory_space<vmem_shared>>) offsets(%dma_start3A_145 : memref<128xi32, #tpu.memory_space<vmem>>) semaphore(%run_scoped3A_142 : memref<!tpu.dma_semaphore, #tpu.memory_space<semaphore_mem>>) {add = true}
          %dma_wait3A_149 = arith.constant 0 : i32
          %dma_wait3A_150 = tpu.memref_slice %arg10[%mul3A_109, %dma_wait3A_149] : memref<20x128xi32, #tpu.memory_space<vmem>> -> memref<1x128xi32, #tpu.memory_space<vmem>>
          %dma_wait3A_151 = tpu.memref_squeeze %dma_wait3A_150 : memref<1x128xi32, #tpu.memory_space<vmem>> -> memref<128xi32, #tpu.memory_space<vmem>>
          %dma_wait3A_152 = arith.constant 0 : i32
          %dma_wait3A_153 = arith.constant 0 : i32
          %dma_wait3A_154 = tpu.memref_slice %arg13[%dma_wait3A_152, %dma_wait3A_153] : memref<10112x128xf32, #tpu.memory_space<vmem_shared>> -> memref<10112x128xf32, #tpu.memory_space<vmem_shared>>
          tpu.wait_indirect_dma semaphore(%run_scoped3A_142 : memref<!tpu.dma_semaphore, #tpu.memory_space<semaphore_mem>>) src(%arg11 : memref<128x128xf32, #tpu.memory_space<vmem>>) dst(%dma_wait3A_154 : memref<10112x128xf32, #tpu.memory_space<vmem_shared>>)
          tpu.yield
        }) : () -> ()
        %add3A_116 = arith.constant 2 : i32
        %add3A_117 = arith.addi %mul3A_109, %add3A_116 : i32
        %dma_start3A_118 = arith.constant 0 : i32
        %dma_start3A_119 = tpu.memref_slice %arg9[%add3A_117, %dma_start3A_118] : memref<20x128xi32, #tpu.memory_space<vmem>> -> memref<1x128xi32, #tpu.memory_space<vmem>>
        %dma_start3A_120 = tpu.memref_squeeze %dma_start3A_119 : memref<1x128xi32, #tpu.memory_space<vmem>> -> memref<128xi32, #tpu.memory_space<vmem>>
        %dma_start3A_121 = arith.constant 0 : i32
        %dma_start3A_122 = arith.constant 0 : i32
        %dma_start3A_123 = tpu.memref_slice %arg2[%dma_start3A_121, %dma_start3A_122] : memref<20000x128xf32, #tpu.memory_space<hbm>> -> memref<20000x128xf32, #tpu.memory_space<hbm>>
        tpu.enqueue_indirect_dma source(%dma_start3A_123 : memref<20000x128xf32, #tpu.memory_space<hbm>>) target(%arg11 : memref<128x128xf32, #tpu.memory_space<vmem>>) offsets(%dma_start3A_120 : memref<128xi32, #tpu.memory_space<vmem>>) semaphore(%arg14 : memref<!tpu.dma_semaphore, #tpu.memory_space<semaphore_mem>>)
        %add3A_124 = arith.constant 1 : i32
        %add3A_125 = arith.addi %mul3A_109, %add3A_124 : i32
        %dma_wait3A_126 = arith.constant 0 : i32
        %dma_wait3A_127 = tpu.memref_slice %arg9[%add3A_125, %dma_wait3A_126] : memref<20x128xi32, #tpu.memory_space<vmem>> -> memref<1x128xi32, #tpu.memory_space<vmem>>
        %dma_wait3A_128 = tpu.memref_squeeze %dma_wait3A_127 : memref<1x128xi32, #tpu.memory_space<vmem>> -> memref<128xi32, #tpu.memory_space<vmem>>
        %dma_wait3A_129 = arith.constant 0 : i32
        %dma_wait3A_130 = arith.constant 0 : i32
        %dma_wait3A_131 = tpu.memref_slice %arg2[%dma_wait3A_129, %dma_wait3A_130] : memref<20000x128xf32, #tpu.memory_space<hbm>> -> memref<20000x128xf32, #tpu.memory_space<hbm>>
        tpu.wait_indirect_dma semaphore(%arg15 : memref<!tpu.dma_semaphore, #tpu.memory_space<semaphore_mem>>) src(%dma_wait3A_131 : memref<20000x128xf32, #tpu.memory_space<hbm>>) dst(%arg12 : memref<128x128xf32, #tpu.memory_space<vmem>>)
        %add3A_132 = arith.constant 1 : i32
        %add3A_133 = arith.addi %mul3A_109, %add3A_132 : i32
        "tpu.region"() ({
          %run_scoped3A_142 = tpu.sem_alloc : memref<!tpu.dma_semaphore, #tpu.memory_space<semaphore_mem>>
          %dma_start3A_143 = arith.constant 0 : i32
          %dma_start3A_144 = tpu.memref_slice %arg10[%add3A_133, %dma_start3A_143] : memref<20x128xi32, #tpu.memory_space<vmem>> -> memref<1x128xi32, #tpu.memory_space<vmem>>
          %dma_start3A_145 = tpu.memref_squeeze %dma_start3A_144 : memref<1x128xi32, #tpu.memory_space<vmem>> -> memref<128xi32, #tpu.memory_space<vmem>>
          %dma_start3A_146 = arith.constant 0 : i32
          %dma_start3A_147 = arith.constant 0 : i32
          %dma_start3A_148 = tpu.memref_slice %arg13[%dma_start3A_146, %dma_start3A_147] : memref<10112x128xf32, #tpu.memory_space<vmem_shared>> -> memref<10112x128xf32, #tpu.memory_space<vmem_shared>>
          tpu.enqueue_indirect_dma source(%arg12 : memref<128x128xf32, #tpu.memory_space<vmem>>) target(%dma_start3A_148 : memref<10112x128xf32, #tpu.memory_space<vmem_shared>>) offsets(%dma_start3A_145 : memref<128xi32, #tpu.memory_space<vmem>>) semaphore(%run_scoped3A_142 : memref<!tpu.dma_semaphore, #tpu.memory_space<semaphore_mem>>) {add = true}
          %dma_wait3A_149 = arith.constant 0 : i32
          %dma_wait3A_150 = tpu.memref_slice %arg10[%add3A_133, %dma_wait3A_149] : memref<20x128xi32, #tpu.memory_space<vmem>> -> memref<1x128xi32, #tpu.memory_space<vmem>>
          %dma_wait3A_151 = tpu.memref_squeeze %dma_wait3A_150 : memref<1x128xi32, #tpu.memory_space<vmem>> -> memref<128xi32, #tpu.memory_space<vmem>>
          %dma_wait3A_152 = arith.constant 0 : i32
          %dma_wait3A_153 = arith.constant 0 : i32
          %dma_wait3A_154 = tpu.memref_slice %arg13[%dma_wait3A_152, %dma_wait3A_153] : memref<10112x128xf32, #tpu.memory_space<vmem_shared>> -> memref<10112x128xf32, #tpu.memory_space<vmem_shared>>
          tpu.wait_indirect_dma semaphore(%run_scoped3A_142 : memref<!tpu.dma_semaphore, #tpu.memory_space<semaphore_mem>>) src(%arg12 : memref<128x128xf32, #tpu.memory_space<vmem>>) dst(%dma_wait3A_154 : memref<10112x128xf32, #tpu.memory_space<vmem_shared>>)
          tpu.yield
        }) : () -> ()
        %add3A_134 = arith.constant 3 : i32
        %add3A_135 = arith.addi %mul3A_109, %add3A_134 : i32
        %dma_start3A_136 = arith.constant 0 : i32
        %dma_start3A_137 = tpu.memref_slice %arg9[%add3A_135, %dma_start3A_136] : memref<20x128xi32, #tpu.memory_space<vmem>> -> memref<1x128xi32, #tpu.memory_space<vmem>>
        %dma_start3A_138 = tpu.memref_squeeze %dma_start3A_137 : memref<1x128xi32, #tpu.memory_space<vmem>> -> memref<128xi32, #tpu.memory_space<vmem>>
        %dma_start3A_139 = arith.constant 0 : i32
        %dma_start3A_140 = arith.constant 0 : i32
        %dma_start3A_141 = tpu.memref_slice %arg2[%dma_start3A_139, %dma_start3A_140] : memref<20000x128xf32, #tpu.memory_space<hbm>> -> memref<20000x128xf32, #tpu.memory_space<hbm>>
        tpu.enqueue_indirect_dma source(%dma_start3A_141 : memref<20000x128xf32, #tpu.memory_space<hbm>>) target(%arg12 : memref<128x128xf32, #tpu.memory_space<vmem>>) offsets(%dma_start3A_138 : memref<128xi32, #tpu.memory_space<vmem>>) semaphore(%arg15 : memref<!tpu.dma_semaphore, #tpu.memory_space<semaphore_mem>>)
      }
      %scan3A_83 = arith.constant 9 : i32
      %dma_wait3A_84 = arith.constant 18 : i32
      %dma_wait3A_85 = arith.constant 0 : i32
      %dma_wait3A_86 = tpu.memref_slice %arg9[%dma_wait3A_84, %dma_wait3A_85] : memref<20x128xi32, #tpu.memory_space<vmem>> -> memref<1x128xi32, #tpu.memory_space<vmem>>
      %dma_wait3A_87 = tpu.memref_squeeze %dma_wait3A_86 : memref<1x128xi32, #tpu.memory_space<vmem>> -> memref<128xi32, #tpu.memory_space<vmem>>
      %dma_wait3A_88 = arith.constant 0 : i32
      %dma_wait3A_89 = arith.constant 0 : i32
      %dma_wait3A_90 = tpu.memref_slice %arg2[%dma_wait3A_88, %dma_wait3A_89] : memref<20000x128xf32, #tpu.memory_space<hbm>> -> memref<20000x128xf32, #tpu.memory_space<hbm>>
      tpu.wait_indirect_dma semaphore(%arg14 : memref<!tpu.dma_semaphore, #tpu.memory_space<semaphore_mem>>) src(%dma_wait3A_90 : memref<20000x128xf32, #tpu.memory_space<hbm>>) dst(%arg11 : memref<128x128xf32, #tpu.memory_space<vmem>>)
      %run_scoped3A_91 = arith.constant 18 : i32
      "tpu.region"() ({
        %run_scoped3A_107 = tpu.sem_alloc : memref<!tpu.dma_semaphore, #tpu.memory_space<semaphore_mem>>
        %dma_start3A_108 = arith.constant 0 : i32
        %dma_start3A_109 = tpu.memref_slice %arg10[%run_scoped3A_91, %dma_start3A_108] : memref<20x128xi32, #tpu.memory_space<vmem>> -> memref<1x128xi32, #tpu.memory_space<vmem>>
        %dma_start3A_110 = tpu.memref_squeeze %dma_start3A_109 : memref<1x128xi32, #tpu.memory_space<vmem>> -> memref<128xi32, #tpu.memory_space<vmem>>
        %dma_start3A_111 = arith.constant 0 : i32
        %dma_start3A_112 = arith.constant 0 : i32
        %dma_start3A_113 = tpu.memref_slice %arg13[%dma_start3A_111, %dma_start3A_112] : memref<10112x128xf32, #tpu.memory_space<vmem_shared>> -> memref<10112x128xf32, #tpu.memory_space<vmem_shared>>
        tpu.enqueue_indirect_dma source(%arg11 : memref<128x128xf32, #tpu.memory_space<vmem>>) target(%dma_start3A_113 : memref<10112x128xf32, #tpu.memory_space<vmem_shared>>) offsets(%dma_start3A_110 : memref<128xi32, #tpu.memory_space<vmem>>) semaphore(%run_scoped3A_107 : memref<!tpu.dma_semaphore, #tpu.memory_space<semaphore_mem>>) {add = true}
        %dma_wait3A_114 = arith.constant 0 : i32
        %dma_wait3A_115 = tpu.memref_slice %arg10[%run_scoped3A_91, %dma_wait3A_114] : memref<20x128xi32, #tpu.memory_space<vmem>> -> memref<1x128xi32, #tpu.memory_space<vmem>>
        %dma_wait3A_116 = tpu.memref_squeeze %dma_wait3A_115 : memref<1x128xi32, #tpu.memory_space<vmem>> -> memref<128xi32, #tpu.memory_space<vmem>>
        %dma_wait3A_117 = arith.constant 0 : i32
        %dma_wait3A_118 = arith.constant 0 : i32
        %dma_wait3A_119 = tpu.memref_slice %arg13[%dma_wait3A_117, %dma_wait3A_118] : memref<10112x128xf32, #tpu.memory_space<vmem_shared>> -> memref<10112x128xf32, #tpu.memory_space<vmem_shared>>
        tpu.wait_indirect_dma semaphore(%run_scoped3A_107 : memref<!tpu.dma_semaphore, #tpu.memory_space<semaphore_mem>>) src(%arg11 : memref<128x128xf32, #tpu.memory_space<vmem>>) dst(%dma_wait3A_119 : memref<10112x128xf32, #tpu.memory_space<vmem_shared>>)
        tpu.yield
      }) : () -> ()
      %dma_wait3A_92 = arith.constant 19 : i32
      %dma_wait3A_93 = arith.constant 0 : i32
      %dma_wait3A_94 = tpu.memref_slice %arg9[%dma_wait3A_92, %dma_wait3A_93] : memref<20x128xi32, #tpu.memory_space<vmem>> -> memref<1x128xi32, #tpu.memory_space<vmem>>
      %dma_wait3A_95 = tpu.memref_squeeze %dma_wait3A_94 : memref<1x128xi32, #tpu.memory_space<vmem>> -> memref<128xi32, #tpu.memory_space<vmem>>
      %dma_wait3A_96 = arith.constant 0 : i32
      %dma_wait3A_97 = arith.constant 0 : i32
      %dma_wait3A_98 = tpu.memref_slice %arg2[%dma_wait3A_96, %dma_wait3A_97] : memref<20000x128xf32, #tpu.memory_space<hbm>> -> memref<20000x128xf32, #tpu.memory_space<hbm>>
      tpu.wait_indirect_dma semaphore(%arg15 : memref<!tpu.dma_semaphore, #tpu.memory_space<semaphore_mem>>) src(%dma_wait3A_98 : memref<20000x128xf32, #tpu.memory_space<hbm>>) dst(%arg12 : memref<128x128xf32, #tpu.memory_space<vmem>>)
      %run_scoped3A_99 = arith.constant 19 : i32
      "tpu.region"() ({
        %run_scoped3A_107 = tpu.sem_alloc : memref<!tpu.dma_semaphore, #tpu.memory_space<semaphore_mem>>
        %dma_start3A_108 = arith.constant 0 : i32
        %dma_start3A_109 = tpu.memref_slice %arg10[%run_scoped3A_99, %dma_start3A_108] : memref<20x128xi32, #tpu.memory_space<vmem>> -> memref<1x128xi32, #tpu.memory_space<vmem>>
        %dma_start3A_110 = tpu.memref_squeeze %dma_start3A_109 : memref<1x128xi32, #tpu.memory_space<vmem>> -> memref<128xi32, #tpu.memory_space<vmem>>
        %dma_start3A_111 = arith.constant 0 : i32
        %dma_start3A_112 = arith.constant 0 : i32
        %dma_start3A_113 = tpu.memref_slice %arg13[%dma_start3A_111, %dma_start3A_112] : memref<10112x128xf32, #tpu.memory_space<vmem_shared>> -> memref<10112x128xf32, #tpu.memory_space<vmem_shared>>
        tpu.enqueue_indirect_dma source(%arg12 : memref<128x128xf32, #tpu.memory_space<vmem>>) target(%dma_start3A_113 : memref<10112x128xf32, #tpu.memory_space<vmem_shared>>) offsets(%dma_start3A_110 : memref<128xi32, #tpu.memory_space<vmem>>) semaphore(%run_scoped3A_107 : memref<!tpu.dma_semaphore, #tpu.memory_space<semaphore_mem>>) {add = true}
        %dma_wait3A_114 = arith.constant 0 : i32
        %dma_wait3A_115 = tpu.memref_slice %arg10[%run_scoped3A_99, %dma_wait3A_114] : memref<20x128xi32, #tpu.memory_space<vmem>> -> memref<1x128xi32, #tpu.memory_space<vmem>>
        %dma_wait3A_116 = tpu.memref_squeeze %dma_wait3A_115 : memref<1x128xi32, #tpu.memory_space<vmem>> -> memref<128xi32, #tpu.memory_space<vmem>>
        %dma_wait3A_117 = arith.constant 0 : i32
        %dma_wait3A_118 = arith.constant 0 : i32
        %dma_wait3A_119 = tpu.memref_slice %arg13[%dma_wait3A_117, %dma_wait3A_118] : memref<10112x128xf32, #tpu.memory_space<vmem_shared>> -> memref<10112x128xf32, #tpu.memory_space<vmem_shared>>
        tpu.wait_indirect_dma semaphore(%run_scoped3A_107 : memref<!tpu.dma_semaphore, #tpu.memory_space<semaphore_mem>>) src(%arg12 : memref<128x128xf32, #tpu.memory_space<vmem>>) dst(%dma_wait3A_119 : memref<10112x128xf32, #tpu.memory_space<vmem_shared>>)
        tpu.yield
      }) : () -> ()
      %add3A_100 = arith.constant 1 : i32
      %add3A_101 = arith.addi %add3A_56, %add3A_100 : i32
      %lt3A_102 = arith.constant 8 : i32
      %lt3A_103 = arith.cmpi slt, %add3A_101, %lt3A_102 : i32
      %convert_element_type3A_104 = arith.extui %lt3A_103 : i1 to i32
      %cond3A_105 = arith.constant 0 : i32
      %cond3A_106 = arith.cmpi ne, %convert_element_type3A_104, %cond3A_105 : i32
      scf.if %cond3A_106 {
        %add3A_107 = arith.constant 1 : i32
        %add3A_108 = arith.addi %add3A_56, %add3A_107 : i32
        %dma_wait3A_109 = arith.constant 0 : i32
        %dma_wait3A_110 = arith.constant 0 : i32
        %dma_wait3A_111 = tpu.memref_slice %arg3[%arg0, %arg1, %add3A_108, %dma_wait3A_109, %dma_wait3A_110] : memref<2x16x8x20x128xi32, #tpu.memory_space<hbm>> -> memref<1x1x1x20x128xi32, #tpu.memory_space<hbm>>
        %dma_wait3A_112 = tpu.memref_squeeze %dma_wait3A_111 : memref<1x1x1x20x128xi32, #tpu.memory_space<hbm>> -> memref<20x128xi32, #tpu.memory_space<hbm>>
        %dma_wait3A_113 = arith.constant 0 : i32
        %dma_wait3A_114 = arith.constant 0 : i32
        %dma_wait3A_115 = tpu.memref_slice %arg3[%arg0, %arg1, %add3A_108, %dma_wait3A_113, %dma_wait3A_114] : memref<2x16x8x20x128xi32, #tpu.memory_space<hbm>> -> memref<1x1x1x20x128xi32, #tpu.memory_space<hbm>>
        %dma_wait3A_116 = tpu.memref_squeeze %dma_wait3A_115 : memref<1x1x1x20x128xi32, #tpu.memory_space<hbm>> -> memref<20x128xi32, #tpu.memory_space<hbm>>
        tpu.wait_dma2 semaphore(%arg16 : memref<!tpu.dma_semaphore, #tpu.memory_space<semaphore_mem>>) src(%dma_wait3A_116 : memref<20x128xi32, #tpu.memory_space<hbm>>) dst(%arg7 : memref<20x128xi32, #tpu.memory_space<vmem>>)
        %add3A_117 = arith.constant 1 : i32
        %add3A_118 = arith.addi %add3A_56, %add3A_117 : i32
        %dma_wait3A_119 = arith.constant 0 : i32
        %dma_wait3A_120 = arith.constant 0 : i32
        %dma_wait3A_121 = tpu.memref_slice %arg4[%arg0, %arg1, %add3A_118, %dma_wait3A_119, %dma_wait3A_120] : memref<2x16x8x20x128xi32, #tpu.memory_space<hbm>> -> memref<1x1x1x20x128xi32, #tpu.memory_space<hbm>>
        %dma_wait3A_122 = tpu.memref_squeeze %dma_wait3A_121 : memref<1x1x1x20x128xi32, #tpu.memory_space<hbm>> -> memref<20x128xi32, #tpu.memory_space<hbm>>
        %dma_wait3A_123 = arith.constant 0 : i32
        %dma_wait3A_124 = arith.constant 0 : i32
        %dma_wait3A_125 = tpu.memref_slice %arg4[%arg0, %arg1, %add3A_118, %dma_wait3A_123, %dma_wait3A_124] : memref<2x16x8x20x128xi32, #tpu.memory_space<hbm>> -> memref<1x1x1x20x128xi32, #tpu.memory_space<hbm>>
        %dma_wait3A_126 = tpu.memref_squeeze %dma_wait3A_125 : memref<1x1x1x20x128xi32, #tpu.memory_space<hbm>> -> memref<20x128xi32, #tpu.memory_space<hbm>>
        tpu.wait_dma2 semaphore(%arg16 : memref<!tpu.dma_semaphore, #tpu.memory_space<semaphore_mem>>) src(%dma_wait3A_126 : memref<20x128xi32, #tpu.memory_space<hbm>>) dst(%arg8 : memref<20x128xi32, #tpu.memory_space<vmem>>)
      } else {
      }
    }
    %scan3A_6 = arith.constant 4 : i32
    %barrier3A_7 = arith.constant 0 : index
    tpu.barrier barrier_id(%barrier3A_7)
    "tpu.region"() ({
      %run_scoped3A_8 = tpu.sem_alloc : memref<!tpu.dma_semaphore, #tpu.memory_space<semaphore_mem>>
      %dma_start3A = arith.constant 0 : i32
      %dma_start3A_9 = tpu.memref_slice %arg6[%arg0, %mul3A_0, %dma_start3A] : memref<2x10112x128xf32, #tpu.memory_space<hbm>> -> memref<1x632x128xf32, #tpu.memory_space<hbm>>
      %dma_start3A_10 = tpu.memref_squeeze %dma_start3A_9 : memref<1x632x128xf32, #tpu.memory_space<hbm>> -> memref<632x128xf32, #tpu.memory_space<hbm>>
      %dma_start3A_11 = arith.constant 0 : i32
      %dma_start3A_12 = tpu.memref_slice %arg13[%mul3A_0, %dma_start3A_11] : memref<10112x128xf32, #tpu.memory_space<vmem_shared>> -> memref<632x128xf32, #tpu.memory_space<vmem_shared>>
      tpu.enqueue_dma source(%dma_start3A_12 : memref<632x128xf32, #tpu.memory_space<vmem_shared>>) target(%dma_start3A_10 : memref<632x128xf32, #tpu.memory_space<hbm>>) target_semaphore(%run_scoped3A_8 : memref<!tpu.dma_semaphore, #tpu.memory_space<semaphore_mem>>)
      %dma_wait3A = arith.constant 0 : i32
      %dma_wait3A_13 = tpu.memref_slice %arg6[%arg0, %mul3A_0, %dma_wait3A] : memref<2x10112x128xf32, #tpu.memory_space<hbm>> -> memref<1x632x128xf32, #tpu.memory_space<hbm>>
      %dma_wait3A_14 = tpu.memref_squeeze %dma_wait3A_13 : memref<1x632x128xf32, #tpu.memory_space<hbm>> -> memref<632x128xf32, #tpu.memory_space<hbm>>
      %dma_wait3A_15 = arith.constant 0 : i32
      %dma_wait3A_16 = tpu.memref_slice %arg13[%mul3A_0, %dma_wait3A_15] : memref<10112x128xf32, #tpu.memory_space<vmem_shared>> -> memref<632x128xf32, #tpu.memory_space<vmem_shared>>
      tpu.wait_dma2 semaphore(%run_scoped3A_8 : memref<!tpu.dma_semaphore, #tpu.memory_space<semaphore_mem>>) src(%dma_wait3A_16 : memref<632x128xf32, #tpu.memory_space<vmem_shared>>) dst(%dma_wait3A_14 : memref<632x128xf32, #tpu.memory_space<hbm>>)
      tpu.yield
    }) : () -> ()
    return
  }
}

module attributes {stable_mosaic.version = 14 : i64} {
  func.func @_mlp_body(%arg0: i32, %arg1: memref<2000x128xf32, #tpu.memory_space<vmem>>, %arg2: memref<2000x128xf32, #tpu.memory_space<vmem>>, %arg3: memref<2000x128xf32, #tpu.memory_space<vmem>>, %arg4: memref<128x256xf32, #tpu.memory_space<vmem>>, %arg5: memref<1x256xf32, #tpu.memory_space<vmem>>, %arg6: memref<256x256xf32, #tpu.memory_space<vmem>>, %arg7: memref<1x256xf32, #tpu.memory_space<vmem>>, %arg8: memref<2000x256xf32, #tpu.memory_space<vmem>>, %arg9: memref<2x2000x128xf32, #tpu.memory_space<vmem>>) attributes {dimension_semantics = [#tpu.dimension_semantics<arbitrary>], iteration_bounds = array<i64: 5>, scalar_prefetch = 0 : i64, scratch_operands = 0 : i64, tpu.core_type = #tpu.core_type<tc>, window_params = [{transform_indices = @transform_0, window_bounds = array<i64: 2000, 128>}, {transform_indices = @transform_1, window_bounds = array<i64: 2000, 128>}, {transform_indices = @transform_2, window_bounds = array<i64: 2000, 128>}, {pipeline_mode = #tpu.pipeline_mode<synchronous>, transform_indices = @transform_3, window_bounds = array<i64: 128, 256>}, {pipeline_mode = #tpu.pipeline_mode<synchronous>, transform_indices = @transform_4, window_bounds = array<i64: 1, 256>}, {pipeline_mode = #tpu.pipeline_mode<synchronous>, transform_indices = @transform_5, window_bounds = array<i64: 256, 256>}, {pipeline_mode = #tpu.pipeline_mode<synchronous>, transform_indices = @transform_6, window_bounds = array<i64: 1, 256>}, {transform_indices = @transform_7, window_bounds = array<i64: 2000, 256>}, {transform_indices = @transform_8, window_bounds = array<i64: 2, 2000, 128>}]} {
    %get3A = arith.constant 0 : index
    %get3A_0 = arith.constant 0 : index
    %get3A_1 = vector.load %arg3[%get3A, %get3A_0] : memref<2000x128xf32, #tpu.memory_space<vmem>>, vector<2000x128xf32>
    %get3A_2 = arith.constant 0 : index
    %get3A_3 = arith.constant 0 : index
    %get3A_4 = vector.load %arg1[%get3A_2, %get3A_3] : memref<2000x128xf32, #tpu.memory_space<vmem>>, vector<2000x128xf32>
    %add3A = arith.addf %get3A_1, %get3A_4 : vector<2000x128xf32>
    %get3A_5 = arith.constant 0 : index
    %get3A_6 = arith.constant 0 : index
    %get3A_7 = vector.load %arg2[%get3A_5, %get3A_6] : memref<2000x128xf32, #tpu.memory_space<vmem>>, vector<2000x128xf32>
    %add3A_8 = arith.addf %add3A, %get3A_7 : vector<2000x128xf32>
    %get3A_9 = arith.constant 0 : index
    %get3A_10 = arith.constant 0 : index
    %get3A_11 = vector.load %arg4[%get3A_9, %get3A_10] : memref<128x256xf32, #tpu.memory_space<vmem>>, vector<128x256xf32>
    %dot_general3A = arith.constant dense<0.000000e+00> : vector<2000x256xf32>
    %dot_general3A_12 = tpu.matmul %add3A_8, %get3A_11, %dot_general3A {dimension_numbers = #tpu.dot_dimension_numbers<[1], [0], [0], [1], [0, 0, 1, 1], [], []>, transpose_lhs_hint = false} : vector<2000x128xf32>, vector<128x256xf32>, vector<2000x256xf32> -> vector<2000x256xf32>
    %get3A_13 = arith.constant 0 : index
    %get3A_14 = arith.constant 0 : index
    %get3A_15 = vector.load %arg5[%get3A_13, %get3A_14] : memref<1x256xf32, #tpu.memory_space<vmem>>, vector<1x256xf32>
    %add3A_16 = vector.broadcast %get3A_15 : vector<1x256xf32> to vector<2000x256xf32>
    %add3A_17 = arith.addf %dot_general3A_12, %add3A_16 : vector<2000x256xf32>
    %max3A = arith.constant 0.000000e+00 : f32
    %max3A_18 = vector.broadcast %max3A : f32 to vector<2000x256xf32>
    %max3A_19 = arith.maximumf %add3A_17, %max3A_18 : vector<2000x256xf32>
    %get3A_20 = arith.constant 0 : index
    %get3A_21 = arith.constant 0 : index
    %get3A_22 = vector.load %arg6[%get3A_20, %get3A_21] : memref<256x256xf32, #tpu.memory_space<vmem>>, vector<256x256xf32>
    %dot_general3A_23 = arith.constant dense<0.000000e+00> : vector<2000x256xf32>
    %dot_general3A_24 = tpu.matmul %max3A_19, %get3A_22, %dot_general3A_23 {dimension_numbers = #tpu.dot_dimension_numbers<[1], [0], [0], [1], [0, 0, 1, 1], [], []>, transpose_lhs_hint = false} : vector<2000x256xf32>, vector<256x256xf32>, vector<2000x256xf32> -> vector<2000x256xf32>
    %get3A_25 = arith.constant 0 : index
    %get3A_26 = arith.constant 0 : index
    %get3A_27 = vector.load %arg7[%get3A_25, %get3A_26] : memref<1x256xf32, #tpu.memory_space<vmem>>, vector<1x256xf32>
    %add3A_28 = vector.broadcast %get3A_27 : vector<1x256xf32> to vector<2000x256xf32>
    %add3A_29 = arith.addf %dot_general3A_24, %add3A_28 : vector<2000x256xf32>
    %swap3A = arith.constant 0 : index
    %swap3A_30 = arith.constant 0 : index
    %swap3A_31 = vector.load %arg8[%swap3A, %swap3A_30] : memref<2000x256xf32, #tpu.memory_space<vmem>>, vector<2000x256xf32>
    tpu.vector_store %arg8[%swap3A, %swap3A_30], %add3A_29 {strides = array<i32>} : memref<2000x256xf32, #tpu.memory_space<vmem>>, vector<2000x256xf32>,
    %reshape3A = vector.shape_cast %add3A_29 : vector<2000x256xf32> to vector<2000x2x128xf32>
    %transpose3A = tpu.transpose %reshape3A, [1, 0, 2] : vector<2000x2x128xf32> -> vector<2x2000x128xf32>
    %swap3A_32 = arith.constant 0 : index
    %swap3A_33 = arith.constant 0 : index
    %swap3A_34 = arith.constant 0 : index
    %swap3A_35 = vector.load %arg9[%swap3A_32, %swap3A_33, %swap3A_34] : memref<2x2000x128xf32, #tpu.memory_space<vmem>>, vector<2x2000x128xf32>
    tpu.vector_store %arg9[%swap3A_32, %swap3A_33, %swap3A_34], %transpose3A {strides = array<i32>} : memref<2x2000x128xf32, #tpu.memory_space<vmem>>, vector<2x2000x128xf32>,
    return
  }
  func.func @transform_0(%arg0: i32) -> (i32, i32) {
    %c0_i32 = arith.constant 0 : i32
    %c0_i32_0 = arith.constant 0 : i32
    return %arg0, %c0_i32 : i32, i32
  }
  func.func @transform_1(%arg0: i32) -> (i32, i32) {
    %c0_i32 = arith.constant 0 : i32
    %c0_i32_0 = arith.constant 0 : i32
    return %arg0, %c0_i32 : i32, i32
  }
  func.func @transform_2(%arg0: i32) -> (i32, i32) {
    %c0_i32 = arith.constant 0 : i32
    %c0_i32_0 = arith.constant 0 : i32
    return %arg0, %c0_i32 : i32, i32
  }
  func.func @transform_3(%arg0: i32) -> (i32, i32) {
    %c0_i32 = arith.constant 0 : i32
    %c0_i32_0 = arith.constant 0 : i32
    %c0_i32_1 = arith.constant 0 : i32
    return %c0_i32, %c0_i32_0 : i32, i32
  }
  func.func @transform_4(%arg0: i32) -> (i32, i32) {
    %c0_i32 = arith.constant 0 : i32
    %c0_i32_0 = arith.constant 0 : i32
    %c0_i32_1 = arith.constant 0 : i32
    return %c0_i32, %c0_i32_0 : i32, i32
  }
  func.func @transform_5(%arg0: i32) -> (i32, i32) {
    %c0_i32 = arith.constant 0 : i32
    %c0_i32_0 = arith.constant 0 : i32
    %c0_i32_1 = arith.constant 0 : i32
    return %c0_i32, %c0_i32_0 : i32, i32
  }
  func.func @transform_6(%arg0: i32) -> (i32, i32) {
    %c0_i32 = arith.constant 0 : i32
    %c0_i32_0 = arith.constant 0 : i32
    %c0_i32_1 = arith.constant 0 : i32
    return %c0_i32, %c0_i32_0 : i32, i32
  }
  func.func @transform_7(%arg0: i32) -> (i32, i32) {
    %c0_i32 = arith.constant 0 : i32
    %c0_i32_0 = arith.constant 0 : i32
    return %arg0, %c0_i32 : i32, i32
  }
  func.func @transform_8(%arg0: i32) -> (i32, i32, i32) {
    %c0_i32 = arith.constant 0 : i32
    %c0_i32_0 = arith.constant 0 : i32
    %c0_i32_1 = arith.constant 0 : i32
    return %c0_i32, %arg0, %c0_i32_0 : i32, i32, i32
  }
}

module attributes {stable_mosaic.version = 14 : i64} {
  func.func @_mlp_pool_body(%arg0: i32, %arg1: memref<2000x128xf32, #tpu.memory_space<vmem>>, %arg2: memref<2000x128xf32, #tpu.memory_space<vmem>>, %arg3: memref<2000x256xf32, #tpu.memory_space<vmem>>, %arg4: memref<256x256xf32, #tpu.memory_space<vmem>>, %arg5: memref<1x256xf32, #tpu.memory_space<vmem>>, %arg6: memref<256x256xf32, #tpu.memory_space<vmem>>, %arg7: memref<1x256xf32, #tpu.memory_space<vmem>>, %arg8: memref<1x1x2000xi32, #tpu.memory_space<vmem>>, %arg9: memref<256x32xf32, #tpu.memory_space<vmem>>, %arg10: memref<1x32xf32, #tpu.memory_space<vmem>>, %arg11: memref<128x32xf32, #tpu.memory_space<vmem>>, %arg12: memref<128x256xf32, #tpu.memory_space<vmem>>) attributes {dimension_semantics = [#tpu.dimension_semantics<arbitrary>], iteration_bounds = array<i64: 5>, scalar_prefetch = 0 : i64, scratch_operands = 1 : i64, tpu.core_type = #tpu.core_type<tc>, window_params = [{transform_indices = @transform_0, window_bounds = array<i64: 2000, 128>}, {transform_indices = @transform_1, window_bounds = array<i64: 2000, 128>}, {transform_indices = @transform_2, window_bounds = array<i64: 2000, 256>}, {pipeline_mode = #tpu.pipeline_mode<synchronous>, transform_indices = @transform_3, window_bounds = array<i64: 256, 256>}, {pipeline_mode = #tpu.pipeline_mode<synchronous>, transform_indices = @transform_4, window_bounds = array<i64: 1, 256>}, {pipeline_mode = #tpu.pipeline_mode<synchronous>, transform_indices = @transform_5, window_bounds = array<i64: 256, 256>}, {pipeline_mode = #tpu.pipeline_mode<synchronous>, transform_indices = @transform_6, window_bounds = array<i64: 1, 256>}, {transform_indices = @transform_7, window_bounds = array<i64: 1, 1, 2000>}, {pipeline_mode = #tpu.pipeline_mode<synchronous>, transform_indices = @transform_8, window_bounds = array<i64: 256, 32>}, {pipeline_mode = #tpu.pipeline_mode<synchronous>, transform_indices = @transform_9, window_bounds = array<i64: 1, 32>}, {pipeline_mode = #tpu.pipeline_mode<synchronous>, transform_indices = @transform_10, window_bounds = array<i64: 128, 32>}]} {
    %get3A = arith.constant 0 : index
    %get3A_0 = arith.constant 0 : index
    %get3A_1 = vector.load %arg3[%get3A, %get3A_0] : memref<2000x256xf32, #tpu.memory_space<vmem>>, vector<2000x256xf32>
    %get3A_2 = arith.constant 0 : index
    %get3A_3 = arith.constant 0 : index
    %get3A_4 = vector.load %arg1[%get3A_2, %get3A_3] : memref<2000x128xf32, #tpu.memory_space<vmem>>, vector<2000x128xf32>
    %get3A_5 = arith.constant 0 : index
    %get3A_6 = arith.constant 0 : index
    %get3A_7 = vector.load %arg2[%get3A_5, %get3A_6] : memref<2000x128xf32, #tpu.memory_space<vmem>>, vector<2000x128xf32>
    %concatenate3A = tpu.concatenate %get3A_4, %get3A_7 in 1 : vector<2000x128xf32>, vector<2000x128xf32> -> vector<2000x256xf32>
    %add3A = arith.addf %get3A_1, %concatenate3A : vector<2000x256xf32>
    %get3A_8 = arith.constant 0 : index
    %get3A_9 = arith.constant 0 : index
    %get3A_10 = vector.load %arg4[%get3A_8, %get3A_9] : memref<256x256xf32, #tpu.memory_space<vmem>>, vector<256x256xf32>
    %dot_general3A = arith.constant dense<0.000000e+00> : vector<2000x256xf32>
    %dot_general3A_11 = tpu.matmul %add3A, %get3A_10, %dot_general3A {dimension_numbers = #tpu.dot_dimension_numbers<[1], [0], [0], [1], [0, 0, 1, 1], [], []>, transpose_lhs_hint = false} : vector<2000x256xf32>, vector<256x256xf32>, vector<2000x256xf32> -> vector<2000x256xf32>
    %get3A_12 = arith.constant 0 : index
    %get3A_13 = arith.constant 0 : index
    %get3A_14 = vector.load %arg5[%get3A_12, %get3A_13] : memref<1x256xf32, #tpu.memory_space<vmem>>, vector<1x256xf32>
    %add3A_15 = vector.broadcast %get3A_14 : vector<1x256xf32> to vector<2000x256xf32>
    %add3A_16 = arith.addf %dot_general3A_11, %add3A_15 : vector<2000x256xf32>
    %max3A = arith.constant 0.000000e+00 : f32
    %max3A_17 = vector.broadcast %max3A : f32 to vector<2000x256xf32>
    %max3A_18 = arith.maximumf %add3A_16, %max3A_17 : vector<2000x256xf32>
    %get3A_19 = arith.constant 0 : index
    %get3A_20 = arith.constant 0 : index
    %get3A_21 = vector.load %arg6[%get3A_19, %get3A_20] : memref<256x256xf32, #tpu.memory_space<vmem>>, vector<256x256xf32>
    %dot_general3A_22 = arith.constant dense<0.000000e+00> : vector<2000x256xf32>
    %dot_general3A_23 = tpu.matmul %max3A_18, %get3A_21, %dot_general3A_22 {dimension_numbers = #tpu.dot_dimension_numbers<[1], [0], [0], [1], [0, 0, 1, 1], [], []>, transpose_lhs_hint = false} : vector<2000x256xf32>, vector<256x256xf32>, vector<2000x256xf32> -> vector<2000x256xf32>
    %get3A_24 = arith.constant 0 : index
    %get3A_25 = arith.constant 0 : index
    %get3A_26 = vector.load %arg7[%get3A_24, %get3A_25] : memref<1x256xf32, #tpu.memory_space<vmem>>, vector<1x256xf32>
    %add3A_27 = vector.broadcast %get3A_26 : vector<1x256xf32> to vector<2000x256xf32>
    %add3A_28 = arith.addf %dot_general3A_23, %add3A_27 : vector<2000x256xf32>
    %eq3A = arith.constant 0 : i32
    %eq3A_29 = arith.cmpi eq, %arg0, %eq3A : i32
    %convert_element_type3A = arith.extui %eq3A_29 : i1 to i32
    %cond3A = arith.constant 0 : i32
    %cond3A_30 = arith.cmpi ne, %convert_element_type3A, %cond3A : i32
    scf.if %cond3A_30 {
      %broadcast_in_dim3A = arith.constant 0.000000e+00 : f32
      %broadcast_in_dim3A_52 = vector.broadcast %broadcast_in_dim3A : f32 to vector<128x256xf32>
      %swap3A_53 = arith.constant 0 : index
      %swap3A_54 = arith.constant 0 : index
      %swap3A_55 = vector.load %arg12[%swap3A_53, %swap3A_54] : memref<128x256xf32, #tpu.memory_space<vmem>>, vector<128x256xf32>
      tpu.vector_store %arg12[%swap3A_53, %swap3A_54], %broadcast_in_dim3A_52 {strides = array<i32>} : memref<128x256xf32, #tpu.memory_space<vmem>>, vector<128x256xf32>,
    } else {
    }
    %iota3A = tpu.iota {dimensions = array<i32: 0>} : vector<128x2000xi32>
    %get3A_31 = arith.constant 0 : index
    %get3A_32 = arith.constant 0 : index
    %get3A_33 = arith.constant 0 : index
    %get3A_34 = vector.load %arg8[%get3A_31, %get3A_32, %get3A_33] : memref<1x1x2000xi32, #tpu.memory_space<vmem>>, vector<1x1x2000xi32>
    %reshape3A = vector.shape_cast %get3A_34 : vector<1x1x2000xi32> to vector<1x2000xi32>
    %eq3A_35 = vector.broadcast %reshape3A : vector<1x2000xi32> to vector<128x2000xi32>
    %eq3A_36 = arith.cmpi eq, %iota3A, %eq3A_35 : vector<128x2000xi32>
    %convert_element_type3A_37 = arith.extui %eq3A_36 : vector<128x2000xi1> to vector<128x2000xi32>
    %convert_element_type3A_38 = arith.sitofp %convert_element_type3A_37 : vector<128x2000xi32> to vector<128x2000xf32>
    %get3A_39 = arith.constant 0 : index
    %get3A_40 = arith.constant 0 : index
    %get3A_41 = vector.load %arg12[%get3A_39, %get3A_40] : memref<128x256xf32, #tpu.memory_space<vmem>>, vector<128x256xf32>
    %dot_general3A_42 = arith.constant dense<0.000000e+00> : vector<128x256xf32>
    %dot_general3A_43 = tpu.matmul %convert_element_type3A_38, %add3A_28, %dot_general3A_42 {dimension_numbers = #tpu.dot_dimension_numbers<[1], [0], [0], [1], [0, 0, 1, 1], [], []>, transpose_lhs_hint = false} : vector<128x2000xf32>, vector<2000x256xf32>, vector<128x256xf32> -> vector<128x256xf32>
    %add3A_44 = arith.addf %get3A_41, %dot_general3A_43 : vector<128x256xf32>
    %swap3A = arith.constant 0 : index
    %swap3A_45 = arith.constant 0 : index
    %swap3A_46 = vector.load %arg12[%swap3A, %swap3A_45] : memref<128x256xf32, #tpu.memory_space<vmem>>, vector<128x256xf32>
    tpu.vector_store %arg12[%swap3A, %swap3A_45], %add3A_44 {strides = array<i32>} : memref<128x256xf32, #tpu.memory_space<vmem>>, vector<128x256xf32>,
    %eq3A_47 = arith.constant 4 : i32
    %eq3A_48 = arith.cmpi eq, %arg0, %eq3A_47 : i32
    %convert_element_type3A_49 = arith.extui %eq3A_48 : i1 to i32
    %cond3A_50 = arith.constant 0 : i32
    %cond3A_51 = arith.cmpi ne, %convert_element_type3A_49, %cond3A_50 : i32
    scf.if %cond3A_51 {
      %get3A_52 = arith.constant 0 : index
      %get3A_53 = arith.constant 0 : index
      %get3A_54 = vector.load %arg12[%get3A_52, %get3A_53] : memref<128x256xf32, #tpu.memory_space<vmem>>, vector<128x256xf32>
      %get3A_55 = arith.constant 0 : index
      %get3A_56 = arith.constant 0 : index
      %get3A_57 = vector.load %arg9[%get3A_55, %get3A_56] : memref<256x32xf32, #tpu.memory_space<vmem>>, vector<256x32xf32>
      %dot_general3A_58 = arith.constant dense<0.000000e+00> : vector<128x32xf32>
      %dot_general3A_59 = tpu.matmul %get3A_54, %get3A_57, %dot_general3A_58 {dimension_numbers = #tpu.dot_dimension_numbers<[1], [0], [0], [1], [0, 0, 1, 1], [], []>, transpose_lhs_hint = false} : vector<128x256xf32>, vector<256x32xf32>, vector<128x32xf32> -> vector<128x32xf32>
      %get3A_60 = arith.constant 0 : index
      %get3A_61 = arith.constant 0 : index
      %get3A_62 = vector.load %arg10[%get3A_60, %get3A_61] : memref<1x32xf32, #tpu.memory_space<vmem>>, vector<1x32xf32>
      %add3A_63 = vector.broadcast %get3A_62 : vector<1x32xf32> to vector<128x32xf32>
      %add3A_64 = arith.addf %dot_general3A_59, %add3A_63 : vector<128x32xf32>
      %swap3A_65 = arith.constant 0 : index
      %swap3A_66 = arith.constant 0 : index
      %swap3A_67 = vector.load %arg11[%swap3A_65, %swap3A_66] : memref<128x32xf32, #tpu.memory_space<vmem>>, vector<128x32xf32>
      tpu.vector_store %arg11[%swap3A_65, %swap3A_66], %add3A_64 {strides = array<i32>} : memref<128x32xf32, #tpu.memory_space<vmem>>, vector<128x32xf32>,
    } else {
    }
    return
  }
  func.func @transform_0(%arg0: i32) -> (i32, i32) {
    %c0_i32 = arith.constant 0 : i32
    %c0_i32_0 = arith.constant 0 : i32
    return %arg0, %c0_i32 : i32, i32
  }
  func.func @transform_1(%arg0: i32) -> (i32, i32) {
    %c0_i32 = arith.constant 0 : i32
    %c0_i32_0 = arith.constant 0 : i32
    return %arg0, %c0_i32 : i32, i32
  }
  func.func @transform_2(%arg0: i32) -> (i32, i32) {
    %c0_i32 = arith.constant 0 : i32
    %c0_i32_0 = arith.constant 0 : i32
    return %arg0, %c0_i32 : i32, i32
  }
  func.func @transform_3(%arg0: i32) -> (i32, i32) {
    %c0_i32 = arith.constant 0 : i32
    %c0_i32_0 = arith.constant 0 : i32
    %c0_i32_1 = arith.constant 0 : i32
    return %c0_i32, %c0_i32_0 : i32, i32
  }
  func.func @transform_4(%arg0: i32) -> (i32, i32) {
    %c0_i32 = arith.constant 0 : i32
    %c0_i32_0 = arith.constant 0 : i32
    %c0_i32_1 = arith.constant 0 : i32
    return %c0_i32, %c0_i32_0 : i32, i32
  }
  func.func @transform_5(%arg0: i32) -> (i32, i32) {
    %c0_i32 = arith.constant 0 : i32
    %c0_i32_0 = arith.constant 0 : i32
    %c0_i32_1 = arith.constant 0 : i32
    return %c0_i32, %c0_i32_0 : i32, i32
  }
  func.func @transform_6(%arg0: i32) -> (i32, i32) {
    %c0_i32 = arith.constant 0 : i32
    %c0_i32_0 = arith.constant 0 : i32
    %c0_i32_1 = arith.constant 0 : i32
    return %c0_i32, %c0_i32_0 : i32, i32
  }
  func.func @transform_7(%arg0: i32) -> (i32, i32, i32) {
    %c0_i32 = arith.constant 0 : i32
    %c0_i32_0 = arith.constant 0 : i32
    %c0_i32_1 = arith.constant 0 : i32
    return %arg0, %c0_i32, %c0_i32_0 : i32, i32, i32
  }
  func.func @transform_8(%arg0: i32) -> (i32, i32) {
    %c0_i32 = arith.constant 0 : i32
    %c0_i32_0 = arith.constant 0 : i32
    %c0_i32_1 = arith.constant 0 : i32
    return %c0_i32, %c0_i32_0 : i32, i32
  }
  func.func @transform_9(%arg0: i32) -> (i32, i32) {
    %c0_i32 = arith.constant 0 : i32
    %c0_i32_0 = arith.constant 0 : i32
    %c0_i32_1 = arith.constant 0 : i32
    return %c0_i32, %c0_i32_0 : i32, i32
  }
  func.func @transform_10(%arg0: i32) -> (i32, i32) {
    %c0_i32 = arith.constant 0 : i32
    %c0_i32_0 = arith.constant 0 : i32
    %c0_i32_1 = arith.constant 0 : i32
    return %c0_i32, %c0_i32_0 : i32, i32
  }
}

</mosaic_0001>

<sc_bundles>
// kernel: kernel.6.cloned.1.call-start
scs
__scs_entry_jumppad:
0x0: {  	(pc) =	sbr.rel $0x88, $3  }
0x1: {  	(tag) =	ssettag $0x0;
	lr =	simm.s32 $0x1  }
0x2: {  	[smem:$0x3F94] =	sst lr;
	_ =	strace $0xD0000000  }
0x3: {  	_ = 	snop  }
0x4: {  	_ = 	snop  }
0x5: {  	_ = 	snop  }
0x6: {  	_ = 	snop  }
0x7: {  	_ = 	snop  }
__scs_overlays_trampoline_lowered:
0x8: {  	[smem:$0x3FA3] =	sst s0  }
0x9: {  	[smem:$0x3FA4] =	sst s1  }
0xa: {  	[smem:$0x3FA5] =	sst s2  }
0xb: {  	[smem:$0x3FA6] =	sst s3  }
0xc: {  	[smem:$0x3FA7] =	sst s4  }
0xd: {  	[smem:$0x3FA8] =	sst s5  }
0xe: {  	[smem:$0x3FA9] =	sst s6  }
0xf: {  	[smem:$0x3FAA] =	sst s7  }
0x10: {  	[smem:$0x3FAB] =	sst s8  }
0x11: {  	[smem:$0x3FAC] =	sst s9;
	s0 =	simm.s32 @!p0 $0x0  }
0x12: {  	s1 =	sld [smem:$0x3F92];
	s0 =	simm.s32 @p0 $0x1  }
0x13: {  	[smem:$0x3FAD] =	sst s0;
	s0 =	simm.s32 @!p1 $0x0  }
0x14: {  	s2 =	sld [smem:$0x3F91];
	s0 =	simm.s32 @p1 $0x1  }
0x15: {  	[smem:$0x3FAE] =	sst s0;
	s0 =	simm.s32 @!p2 $0x0  }
0x16: {  	s3 =	sld [smem:$0x3FDB];
	s0 =	simm.s32 @p2 $0x1  }
0x17: {  	s4 =	simm.s32 $0x1BF5;
	[smem:$0x3FB0] =	sst s0  }
0x18: {  	s0 =	sld [smem:$0x3F93];
	_ =	swait.ge [sflag:s4], $0x0  }
0x19: {  	s7 =	sld [smem:$0x3F94]  }
0x1a: {  	s8 =	sadd.s32 $0xFFFFE003, lr  }
0x1b: {  	s9 =	sadd.s32 $0xFFFFFEF7, lr;
	s5 =	simm.s32 $0xFFFFFFFF;
	p2 =	slt.u32 s8, $0xFFFFF086  }
0x1c: {  	p1 =	slt.u32 s9, $0xF7A;
	s5 =	simm.s32 @!p2 $0x0  }
0x1d: {  	s5 =	simm.s32 @p1 $0x1;
	p0 =	seq.s32 s7, s2  }
0x1e: {  	s7 =	smul.u32 @!p0 $0xF7A, s2;
	p2 =	seq.s32 @!p0 s5, $0x0  }
0x1f: {  	s9 =	smul.u32 $0xF7A, s1;
	s8 =	simm.s32 @!p0 $0x1BF5;
	p2 =	por !p2, p0  }
0x20: {  	[sflag:s8] =	ssyncset.s32 @!p0 $0xFFFFF086;
	s6 =	sadd.s32 @!p0 s3, s7;
	s7 =	simm.s32 @!p0 $0x108  }
0x21: {  	s3 =	sadd.s32 s3, s9;
	s6 =	sadd.s32 @!p0 $0x88, s6;
	s7 =	simm.s32 @p2 $0x1082  }
0x22: {  	[simem:s7], [sflag:s8] =	dma.local @!p0 [hbm:s6], $0xF7A  }
0x23: {  	s9 =	sor.u32 $0xD0000000, s2;
	s6 =	simm.s32 $0x108;
	_ =	swait.ge @!p0 [sflag:s8], $0x0  }
0x24: {  	s3 =	sadd.s32 $0x88, s3;
	s6 =	simm.s32 @!p1 $0x1082;
	[sflag:s4] =	ssyncset.s32 $0xFFFFF086  }
0x25: {  	[simem:s6], [sflag:s4] =	dma.local [hbm:s3], $0xF7A  }
0x26: {  	[smem:$0x3F94] =	sst s1;
	(tag) =	ssettag s2;
	_ =	strace s9  }
0x27: {  	s1 =	sld [smem:$0x3FA4]  }
0x28: {  	s2 =	sld [smem:$0x3FA5]  }
0x29: {  	s4 =	sld [smem:$0x3FA7]  }
0x2a: {  	p0 =	seq.s32 s5, $0x0;
	s5 =	sld [smem:$0x3FA8]  }
0x2b: {  	s6 =	sld [smem:$0x3FA9]  }
0x2c: {  	s7 =	sld [smem:$0x3FAA]  }
0x2d: {  	s3 =	simm.s32 $0x108;
	s8 =	sld [smem:$0x3FAB]  }
0x2e: {  	s3 =	simm.s32 @!p0 $0x1082;
	s9 =	sld [smem:$0x3FAC]  }
0x2f: {  	lr =	sadd.s32 s0, s3;
	s0 =	sld [smem:$0x3FA3]  }
0x30: {  	s3 =	sld [smem:$0x3FA6]  }
0x31: {  	[smem:$0x3FAF] =	sst s10  }
0x32: {  	s10 =	sld [smem:$0x3FAD];
	_ =	sdelay $0x3  }
0x33: {  	p0 =	seq.s32 s10, $0x1;
	s10 =	sld [smem:$0x3FAF];
	_ =	sdelay $0x3  }
0x34: {  	[smem:$0x3FAF] =	sst s10  }
0x35: {  	s10 =	sld [smem:$0x3FAE];
	_ =	sdelay $0x3  }
0x36: {  	p1 =	seq.s32 s10, $0x1;
	s10 =	sld [smem:$0x3FAF];
	_ =	sdelay $0x3  }
0x37: {  	[smem:$0x3FAF] =	sst s10  }
0x38: {  	s10 =	sld [smem:$0x3FB0]  }
0x39: {  	_ = 	snop;
	(pc) =	sbr.ind lr, $3  }
0x3a: {  	_ = 	snop  }
0x3b: {  	_ = 	snop  }
0x3c: {  	p2 =	seq.s32 s10, $0x1;
	s10 =	sld [smem:$0x3FAF]  }
0x3d: {  	_ =	shalt  }
0x3e: {  	_ =	shalt  }
0x3f: {  	_ =	shalt  }
0x40: {  	_ =	shalt  }
0x41: {  	_ =	shalt  }
0x42: {  	_ =	shalt  }
0x43: {  	_ =	shalt  }
0x44: {  	_ =	shalt  }
0x45: {  	_ =	shalt  }
0x46: {  	_ =	shalt  }
0x47: {  	_ =	shalt  }
0x48: {  	_ =	shalt  }
0x49: {  	_ =	shalt  }
0x4a: {  	_ =	shalt  }
0x4b: {  	_ =	shalt  }
0x4c: {  	_ =	shalt  }
0x4d: {  	_ =	shalt  }
0x4e: {  	_ =	shalt  }
0x4f: {  	_ =	shalt  }
0x50: {  	_ =	shalt  }
0x51: {  	_ =	shalt  }
0x52: {  	_ =	shalt  }
0x53: {  	_ =	shalt  }
0x54: {  	_ =	shalt  }
0x55: {  	_ =	shalt  }
0x56: {  	_ =	shalt  }
0x57: {  	_ =	shalt  }
0x58: {  	_ =	shalt  }
0x59: {  	_ =	shalt  }
0x5a: {  	_ =	shalt  }
0x5b: {  	_ =	shalt  }
0x5c: {  	_ =	shalt  }
0x5d: {  	_ =	shalt  }
0x5e: {  	_ =	shalt  }
0x5f: {  	_ =	shalt  }
0x60: {  	_ =	shalt  }
0x61: {  	_ =	shalt  }
0x62: {  	_ =	shalt  }
0x63: {  	_ =	shalt  }
0x64: {  	_ =	shalt  }
0x65: {  	_ =	shalt  }
0x66: {  	_ =	shalt  }
0x67: {  	_ =	shalt  }
0x68: {  	_ =	shalt  }
0x69: {  	_ =	shalt  }
0x6a: {  	_ =	shalt  }
0x6b: {  	_ =	shalt  }
0x6c: {  	_ =	shalt  }
0x6d: {  	_ =	shalt  }
0x6e: {  	_ =	shalt  }
0x6f: {  	_ =	shalt  }
0x70: {  	_ =	shalt  }
0x71: {  	_ =	shalt  }
0x72: {  	_ =	shalt  }
0x73: {  	_ =	shalt  }
0x74: {  	_ =	shalt  }
0x75: {  	_ =	shalt  }
0x76: {  	_ =	shalt  }
0x77: {  	_ =	shalt  }
0x78: {  	_ =	shalt  }
0x79: {  	_ =	shalt  }
0x7a: {  	_ =	shalt  }
0x7b: {  	_ =	shalt  }
0x7c: {  	_ =	shalt  }
0x7d: {  	_ =	shalt  }
0x7e: {  	_ =	shalt  }
0x7f: {  	_ =	shalt  }
0x80: {  	_ =	shalt  }
0x81: {  	_ =	shalt  }
0x82: {  	_ =	shalt  }
0x83: {  	_ =	shalt  }
0x84: {  	_ =	shalt  }
0x85: {  	_ =	shalt  }
0x86: {  	_ =	shalt  }
0x87: {  	_ =	shalt  }
.Lfunc_end0:
.L_simem_size_0:
called_computation_lowered:
.L_overlay_start_0:
0x88: {  	s2 =	sld [smem:$0x3FD9]  }
0x89: {  	s3 =	sld [smem:$0x3FFE];
	_ =	sdelay $0x1  }
0x8a: {  	s1 =	srdreg.scid  }
0x8b: {  	s0 =	sand.u32 $0x1, s1  }
0x8c: {  	s17 =	sshll.u32 s0, $0xA;
	s2 =	sadd.s32 s3, s2  }
0x8d: {  	s2 =	sadd.s32 s2, s17  }
0x8e: {  	[smem:$0x3FBB] =	sst s2  }
0x8f: {  	_ = 	snop  }
0x90: {  	s2 =	sld [smem:$0x3FC9];
	(tm) =	ssettm $0x1  }
0x91: {  	s18 =	sld [smem:$0x3FFB];
	_ =	sdelay $0x3  }
0x92: {  	_ =	strace s18  }
0x93: {  	s3 =	sld [smem:$0x3FFC];
	_ =	sdelay $0x3  }
0x94: {  	_ =	strace s3  }
0x95: {  	s3 =	sld [smem:$0x3FFD];
	_ =	sdelay $0x3  }
0x96: {  	_ =	strace s3  }
0x97: {  	_ =	strace $0x8FFFFFFF  }
0x98: {  	s19 =	sld [smem:$0x3FDB];
	_ =	sdelay $0x1  }
0x99: {  	s4 =	simm.s32 $_scs_section_size  }
0x9a: {  	s5 =	simm.s32 $_size__tile_overlayer_lowered;
	s6 =	simm.s32 $_tile_overlayer_lowered  }
0x9b: {  	s22 =	simm.s32 $0x1BFF;
	s21 =	sshll.u32 s6, $0x1;
	s3 =	sadd.s32 s4, s19  }
0x9c: {  	s7 =	simm.s32 $0x0;
	s20 =	sshll.u32 s5, $0x1;
	s5 =	sadd.s32 s21, s3  }
0x9d: {  	[timem:s7], [sflag:s22] =	dma.local [hbm:s5], s20  }
0x9e: {  	_ =	swait.ge [sflag:s22], s20  }
0x9f: {  	s4 =	ssub.s32 $0x0, s20;
	[sflag:s22] =	ssyncset.done $0x0  }
0xa0: {  	[sflag:s22] =	ssyncadd.s32 s4;
	_ =	sdelay $0x1  }
0xa1: {  	s23 =	simm.s32 $0x1B8B  }
0xa2: {  	_ =	swait.ge [sflag:s23], $0x1  }
0xa3: {  	[sflag:s23] =	ssyncset.done $0x0  }
0xa4: {  	s25 =	simm.s32 $0x1B8E;
	s24 =	sld [smem:$0x3FFE];
	[sflag:s23] =	ssyncadd.s32 $0xFFFFFFFF  }
0xa5: {  	s26 =	simm.s32 $execute0_lowered;
	[smem:$0x3FD2] =	sst s25  }
0xa6: {  	s5 =	sshll.u32 s26, $0x1;
	_ =	strace $0x80000046;
	[dreg:$0x1] =	wrdreg $0xFFFFFFFF  }
0xa7: {  	s28 =	simm.s32 $_size_execute0_lowered;
	s3 =	sadd.s32 s3, s5;
	[dreg:$0x0] =	wrdreg $0x0  }
0xa8: {  	s5 =	sshll.u32 s28, $0x1;
	[dreg:$0x2] =	wrdreg s3  }
0xa9: {  	[dreg:$0x3] =	wrdreg s5  }
0xaa: {  	[dreg:$0x4] =	wrdreg $0xC0  }
0xab: {  	_ =	task [dreg:s7], $0x5FFFF  }
0xac: {  	[dreg:$0x1] =	wrdreg $0xFFFFFFFF  }
0xad: {  	[dreg:$0x0] =	wrdreg $0x60  }
0xae: {  	[dreg:$0x2] =	wrdreg s2  }
0xaf: {  	[dreg:$0x3] =	wrdreg s24  }
0xb0: {  	[dreg:$0x4] =	wrdreg $0xB0000  }
0xb1: {  	[dreg:$0x5] =	wrdreg $0x9  }
0xb2: {  	_ =	task.clear_ibuf [dreg:s7], $0x6FFFF;
	_ =	strace $0x90000046  }
0xb3: {  	s29 =	simm.s32 $0x9;
	_ =	strace $0x80000048  }
0xb4: {  	_ =	swait.ge [sflag:s29], $0x1  }
0xb5: {  	[sflag:s29] =	ssyncadd.s32 $0xFFFFFFFF  }
0xb6: {  	_ =	strace $0x90000048  }
0xb7: {  	_ =	sfence  }
0xb8: {  	s30 =	sld [smem:$0x0];
	_ =	sdelay $0x2  }
0xb9: {  	s31 =	sshll.u32 s1, $0xD;
	s1 =	sshrl.u32 s1, $0x2  }
0xba: {  	s3 =	sand.u32 $0x4000, s31;
	s1 =	sadd.s32 s1, s30  }
0xbb: {  	s0 =	sor.u32 s3, s0;
	s1 =	sshll.u32 s1, $0x11  }
0xbc: {  	s0 =	sor.u32 s1, s0  }
0xbd: {  	s0 =	sadd.s32 $0x8F2B, s0  }
0xbe: {  	[sflag:s0] =	ssyncadd.remote.s32 $0x1  }
0xbf: {  	_ =	sfence.sel $0xFFFF  }
0xc0: {  	[dreg:$0x0] =	wrdreg $0xFFFFFFFF;
	(pc) =	sbr.abs _section_cstart, $3  }
0xc1: {  	[dreg:$0x1] =	wrdreg $0xFFFFFFFF  }
0xc2: {  	_ =	task.clear_ibuf [dreg:s7], $0x2FFFF;
	_ =	strace $0x9FFFFFFF  }
0xc3: {  	(tm) =	ssettm $0x7FFFFFFF  }
tec
execute0_lowered:
.L_overlay_start_1:
0x0: {  	(tag) =	ssettag $0x1  }
0x1: {  	s1 =	rddreg [dreg:$0x0]  }
0x2: {  	s0 =	rddreg [dreg:$0x1]  }
0x3: {  	s3 =	rddreg [dreg:$0x2];
	s4 =	simm.s32 $0x0  }
0x4: {  	s12 =	stileid.u32;
	s2 =	srdreg.scid;
	s18 =	simm.s32 $0x1800  }
0x5: {  	s14 =	simm.s32 $0x2B80;
	s15 =	simm.s32 $0x2080;
	s16 =	simm.s32 $0x2100  }
0x6: {  	s28 =	simm.s32 $0x2180;
	s29 =	simm.s32 $0x2D00;
	s7 =	smul.u32 $0x13C00, s12  }
0x7: {  	s30 =	simm.s32 $0x2D80;
	[smem:$0x7FF] =	sst s4;
	s10 =	smul.u32 $0x4F000, s12  }
0x8: {  	s2 =	sand.u32 $0x1, s2;
	s5 =	sadd.s32 $0x3200, s0;
	s11 =	smul.u32 $0x3000, s12  }
0x9: {  	s6 =	sadd.s32 $0xF200, s0;
	s22 =	sshll.u32 s12, $0x6;
	s8 =	smul.u32 $0x13C000, s2  }
0xa: {  	_ =	strace $0x80000047;
	s19 =	smul.u32 $0x30000, s2;
	s2 =	ssub.s32 $0x2, s2  }
0xb: {  	s31 =	sor.u32 $0x1C04, s22;
	s22 =	simm.s32 $0x7000;
	s9 =	sshrl.u32 s7, $0x3  }
0xc: {  	s20 =	sshrl.u32 s2, $0x1;
	s10 =	sshrl.u32 s10, $0x2;
	[dreg:$0x5] =	wrdreg s31  }
0xd: {  	s9 =	sadd.s32 s9, s0;
	s7 =	sadd.s32 s7, s8;
	s2 =	ssub.s32 s2, s20  }
0xe: {  	s21 =	sadd.s32 s10, s3;
	s8 =	sadd.s32 s11, s19;
	s19 =	simm.s32 $0x2400  }
0xf: {  	s20 =	simm.s32 $0x80;
	s7 =	sshrl.u32 s7, $0x3;
	s9 =	sadd.s32 $0x1B200, s9  }
0x10: {  	s23 =	sshrl.u32 s8, $0x3;
	s11 =	sor.u32 $0xC00, s8;
	s26 =	smax.u32 s2, $0x1  }
0x11: {  	s17 =	sshrl.u32 s21, $0x3;
	s21 =	simm.s32 $0x3000;
	s2 =	simm.s32 $0x1F80  }
0x12: {  	s8 =	simm.s32 $0x2C00;
	s0 =	sadd.s32 s7, s0;
	[dreg:$0x4] =	wrdreg s9  }
0x13: {  	s24 =	sadd.s32 s5, s23;
	s25 =	sadd.s32 $0x300, s23;
	[dreg:$0x9] =	wrdreg s26  }
0x14: {  	s10 =	sadd.s32 s6, s23;
	s23 =	simm.s32 $0x1;
	[dreg:$0xa] =	wrdreg s17  }
.Ltmp0:
0x15: {  	s26 =	simm.s32 $0x2;
	[dreg:$0x6] =	wrdreg s24;
	(pc) =	sbr.rel .LBB2_1-.Ltmp0, $4  }
0x16: {  	s7 =	simm.s32 $0x3;
	s9 =	simm.s32 $0x2B00;
	[dreg:$0x7] =	wrdreg s10  }
0x17: {  	s12 =	sadd.s32 s5, s25;
	s13 =	sadd.s32 s6, s25;
	s0 =	sadd.s32 $0x42A00, s0  }
0x18: {  	s24 =	simm.s32 $0x4;
	[dreg:$0x8] =	wrdreg s0;
	s0 =	simm.s32 $0x0  }
0x19: {  	s10 =	simm.s32 $0x2000;
	s25 =	simm.s32 $0x2C80;
	[dreg:$0xb] =	wrdreg s0  }
.LBB2_4:
0x1a: {  	[bflag:$0x0] =	sbarrier.arrive $0xFFFF  }
0x1b: {  	s31 =	rddreg [dreg:$0x5]  }
0x1c: {  	s0 =	rddreg [dreg:$0x8]  }
0x1d: {  	s17 =	rddreg [dreg:$0xa]  }
0x1e: {  	[hbm:s0], [sflag:s31] =	dma.local [spmem:s17], $0x2780  }
0x1f: {  	_ =	swait.ge [sflag:s24], $0x2780  }
0x20: {  	s2 =	rddreg [dreg:$0xb]  }
0x21: {  	s0 =	rddreg [dreg:$0x9];
	s2 =	sadd.s32 $0x1, s2  }
0x22: {  	p0 =	sne.s32 s2, s0  }
.Ltmp1:
0x23: {  	_ = 	snop;
	(pc) =	sbr.rel @!p0 .LBB2_5-.Ltmp1, $3  }
0x24: {  	_ =	sdelay $0x1  }
0x25: {  	[sflag:s24] =	ssyncset.done $0x0  }
0x26: {  	[sflag:s24] =	ssyncadd.s32 $0xFFFFD880;
	[dreg:$0xb] =	wrdreg s2;
	s2 =	simm.s32 $0x1F80  }
.LBB2_1:
0x27: {  	s0 =	rddreg [dreg:$0x4]  }
0x28: {  	[spmem:s17], [sflag:s31] =	dma.local [hbm:s0], $0x2780  }
0x29: {  	_ =	swait.ge [sflag:s24], $0x2780  }
0x2a: {  	[sflag:s24] =	ssyncset.done $0x0  }
0x2b: {  	[sflag:s24] =	ssyncadd.s32 $0xFFFFD880  }
0x2c: {  	[bflag:$0x0] =	sbarrier.arrive $0xFFFF  }
0x2d: {  	s17 =	rddreg [dreg:$0x6]  }
0x2e: {  	[tilespmem:s4], [sflag:$0x4] =	stream.linear.gather [hbm4b:s17+s4], $0xA00, $0x38;
	[tilespmem:$0x1EC00] =	vst v63  }
0x2f: {  	_ =	swait.ge [sflag:s24], $0xA00  }
0x30: {  	[sflag:s24] =	ssyncset.done $0x0  }
0x31: {  	s17 =	simm.s32 $0xC00;
	s0 =	rddreg [dreg:$0x7];
	[sflag:s24] =	ssyncadd.s32 $0xFFFFF600  }
0x32: {  	[tilespmem:s17], [sflag:$0x4] =	stream.linear.gather [hbm4b:s0+s4], $0xA00, $0x38;
	[tilespmem:$0x1EC00] =	vst v63  }
0x33: {  	p0 =	por $0x1, $0x1;
	s31 =	simm.s32 $0x4;
	s0 =	simm.s32 $0x0  }
.LBB2_2:
0x34: {  	_ =	swait.ge [sflag:s31], $0xA00;
	s0 =	sadd.s32 s0, s11  }
0x35: {  	[sflag:s31] =	ssyncset.done $0x0;
	s0 =	sshrl.u32 s0, $0x3  }
0x36: {  	[sflag:s31] =	ssyncadd.s32 $0xFFFFF600;
	s31 =	sadd.s32 s5, s0  }
0x37: {  	[tilespmem:s18], [sflag:$0x3] =	stream.linear.gather [hbm4b:s31+s4], $0xA00, $0x38;
	[tilespmem:$0x1EC00] =	vst v63  }
0x38: {  	s0 =	sadd.s32 s6, s0  }
0x39: {  	[tilespmem:s19], [sflag:$0x3] =	stream.linear.gather [hbm4b:s0+s4], $0xA00, $0x38;
	[tilespmem:$0x1EC00] =	vst v63  }
0x3a: {  	_ = 	snop  }
0x3b: {  	[tilespmem:s21], [sflag:$0x1] =	stream.indirect.gather [hbm4b:s1+s20], $0x80, s4, s20, $0xb8;
	[tilespmem:$0x1EC00] =	vst v63  }
0x3c: {  	_ = 	snop  }
0x3d: {  	[tilespmem:s22], [sflag:$0x2] =	stream.indirect.gather [hbm4b:s1+s20], $0x80, s20, s20, $0xb8;
	[tilespmem:$0x1EC00] =	vst v63  }
0x3e: {  	_ =	swait.ge [sflag:s23], $0x4000  }
0x3f: {  	[sflag:s23] =	ssyncset.done $0x0  }
0x40: {  	[sflag:s23] =	ssyncadd.s32 $0xFFFFC000  }
0x41: {  	[spmem:s3] =	stream.indirect.scatter.add.f32 [tilespmem:s21], [sflag:$0x4], $0x80, s17, s20, $0xb8;
	[tilespmem:$0x1EC00] =	vst v63  }
0x42: {  	_ =	swait.ge [sflag:s24], $0x4000  }
0x43: {  	[sflag:s24] =	ssyncset.done $0x0  }
0x44: {  	s31 =	simm.s32 $0x100;
	[sflag:s24] =	ssyncadd.s32 $0xFFFFC000  }
0x45: {  	[tilespmem:s21], [sflag:$0x1] =	stream.indirect.gather [hbm4b:s1+s20], $0x80, s31, s20, $0xb8;
	[tilespmem:$0x1EC00] =	vst v63  }
0x46: {  	_ =	swait.ge [sflag:s26], $0x4000  }
0x47: {  	[sflag:s26] =	ssyncset.done $0x0  }
0x48: {  	s31 =	simm.s32 $0xC80;
	[sflag:s26] =	ssyncadd.s32 $0xFFFFC000  }
0x49: {  	[spmem:s3] =	stream.indirect.scatter.add.f32 [tilespmem:s22], [sflag:$0x4], $0x80, s31, s20, $0xb8;
	[tilespmem:$0x1EC00] =	vst v63  }
0x4a: {  	_ =	swait.ge [sflag:s24], $0x4000  }
0x4b: {  	[sflag:s24] =	ssyncset.done $0x0  }
0x4c: {  	s31 =	simm.s32 $0x180;
	[sflag:s24] =	ssyncadd.s32 $0xFFFFC000  }
0x4d: {  	[tilespmem:s22], [sflag:$0x2] =	stream.indirect.gather [hbm4b:s1+s20], $0x80, s31, s20, $0xb8;
	[tilespmem:$0x1EC00] =	vst v63  }
0x4e: {  	_ =	swait.ge [sflag:s23], $0x4000  }
0x4f: {  	[sflag:s23] =	ssyncset.done $0x0  }
0x50: {  	s31 =	simm.s32 $0xD00;
	[sflag:s23] =	ssyncadd.s32 $0xFFFFC000  }
0x51: {  	[spmem:s3] =	stream.indirect.scatter.add.f32 [tilespmem:s21], [sflag:$0x4], $0x80, s31, s20, $0xb8;
	[tilespmem:$0x1EC00] =	vst v63  }
0x52: {  	_ =	swait.ge [sflag:s24], $0x4000  }
0x53: {  	[sflag:s24] =	ssyncset.done $0x0  }
0x54: {  	s31 =	simm.s32 $0x200;
	[sflag:s24] =	ssyncadd.s32 $0xFFFFC000  }
0x55: {  	[tilespmem:s21], [sflag:$0x1] =	stream.indirect.gather [hbm4b:s1+s20], $0x80, s31, s20, $0xb8;
	[tilespmem:$0x1EC00] =	vst v63  }
0x56: {  	_ =	swait.ge [sflag:s26], $0x4000  }
0x57: {  	[sflag:s26] =	ssyncset.done $0x0  }
0x58: {  	s31 =	simm.s32 $0xD80;
	[sflag:s26] =	ssyncadd.s32 $0xFFFFC000  }
0x59: {  	[spmem:s3] =	stream.indirect.scatter.add.f32 [tilespmem:s22], [sflag:$0x4], $0x80, s31, s20, $0xb8;
	[tilespmem:$0x1EC00] =	vst v63  }
0x5a: {  	_ =	swait.ge [sflag:s24], $0x4000  }
0x5b: {  	[sflag:s24] =	ssyncset.done $0x0  }
0x5c: {  	s31 =	simm.s32 $0x280;
	[sflag:s24] =	ssyncadd.s32 $0xFFFFC000  }
0x5d: {  	[tilespmem:s22], [sflag:$0x2] =	stream.indirect.gather [hbm4b:s1+s20], $0x80, s31, s20, $0xb8;
	[tilespmem:$0x1EC00] =	vst v63  }
0x5e: {  	_ =	swait.ge [sflag:s23], $0x4000  }
0x5f: {  	[sflag:s23] =	ssyncset.done $0x0  }
0x60: {  	s31 =	simm.s32 $0xE00;
	[sflag:s23] =	ssyncadd.s32 $0xFFFFC000  }
0x61: {  	[spmem:s3] =	stream.indirect.scatter.add.f32 [tilespmem:s21], [sflag:$0x4], $0x80, s31, s20, $0xb8;
	[tilespmem:$0x1EC00] =	vst v63  }
0x62: {  	_ =	swait.ge [sflag:s24], $0x4000  }
0x63: {  	[sflag:s24] =	ssyncset.done $0x0  }
0x64: {  	s31 =	simm.s32 $0x300;
	[sflag:s24] =	ssyncadd.s32 $0xFFFFC000  }
0x65: {  	[tilespmem:s21], [sflag:$0x1] =	stream.indirect.gather [hbm4b:s1+s20], $0x80, s31, s20, $0xb8;
	[tilespmem:$0x1EC00] =	vst v63  }
0x66: {  	_ =	swait.ge [sflag:s26], $0x4000  }
0x67: {  	[sflag:s26] =	ssyncset.done $0x0  }
0x68: {  	s31 =	simm.s32 $0xE80;
	[sflag:s26] =	ssyncadd.s32 $0xFFFFC000  }
0x69: {  	[spmem:s3] =	stream.indirect.scatter.add.f32 [tilespmem:s22], [sflag:$0x4], $0x80, s31, s20, $0xb8;
	[tilespmem:$0x1EC00] =	vst v63  }
0x6a: {  	_ =	swait.ge [sflag:s24], $0x4000  }
0x6b: {  	[sflag:s24] =	ssyncset.done $0x0  }
0x6c: {  	s31 =	simm.s32 $0x380;
	[sflag:s24] =	ssyncadd.s32 $0xFFFFC000  }
0x6d: {  	[tilespmem:s22], [sflag:$0x2] =	stream.indirect.gather [hbm4b:s1+s20], $0x80, s31, s20, $0xb8;
	[tilespmem:$0x1EC00] =	vst v63  }
0x6e: {  	_ =	swait.ge [sflag:s23], $0x4000  }
0x6f: {  	[sflag:s23] =	ssyncset.done $0x0  }
0x70: {  	s31 =	simm.s32 $0xF00;
	[sflag:s23] =	ssyncadd.s32 $0xFFFFC000  }
0x71: {  	[spmem:s3] =	stream.indirect.scatter.add.f32 [tilespmem:s21], [sflag:$0x4], $0x80, s31, s20, $0xb8;
	[tilespmem:$0x1EC00] =	vst v63  }
0x72: {  	_ =	swait.ge [sflag:s24], $0x4000  }
0x73: {  	[sflag:s24] =	ssyncset.done $0x0  }
0x74: {  	s31 =	simm.s32 $0x400;
	[sflag:s24] =	ssyncadd.s32 $0xFFFFC000  }
0x75: {  	[tilespmem:s21], [sflag:$0x1] =	stream.indirect.gather [hbm4b:s1+s20], $0x80, s31, s20, $0xb8;
	[tilespmem:$0x1EC00] =	vst v63  }
0x76: {  	_ =	swait.ge [sflag:s26], $0x4000  }
0x77: {  	[sflag:s26] =	ssyncset.done $0x0  }
0x78: {  	s31 =	simm.s32 $0xF80;
	[sflag:s26] =	ssyncadd.s32 $0xFFFFC000  }
0x79: {  	[spmem:s3] =	stream.indirect.scatter.add.f32 [tilespmem:s22], [sflag:$0x4], $0x80, s31, s20, $0xb8;
	[tilespmem:$0x1EC00] =	vst v63  }
0x7a: {  	_ =	swait.ge [sflag:s24], $0x4000  }
0x7b: {  	[sflag:s24] =	ssyncset.done $0x0  }
0x7c: {  	s31 =	simm.s32 $0x480;
	[sflag:s24] =	ssyncadd.s32 $0xFFFFC000  }
0x7d: {  	[tilespmem:s22], [sflag:$0x2] =	stream.indirect.gather [hbm4b:s1+s20], $0x80, s31, s20, $0xb8;
	[tilespmem:$0x1EC00] =	vst v63  }
0x7e: {  	_ =	swait.ge [sflag:s23], $0x4000  }
0x7f: {  	[sflag:s23] =	ssyncset.done $0x0  }
0x80: {  	s31 =	simm.s32 $0x1000;
	[sflag:s23] =	ssyncadd.s32 $0xFFFFC000  }
0x81: {  	[spmem:s3] =	stream.indirect.scatter.add.f32 [tilespmem:s21], [sflag:$0x4], $0x80, s31, s20, $0xb8;
	[tilespmem:$0x1EC00] =	vst v63  }
0x82: {  	_ =	swait.ge [sflag:s24], $0x4000  }
0x83: {  	[sflag:s24] =	ssyncset.done $0x0  }
0x84: {  	s31 =	simm.s32 $0x500;
	[sflag:s24] =	ssyncadd.s32 $0xFFFFC000  }
0x85: {  	[tilespmem:s21], [sflag:$0x1] =	stream.indirect.gather [hbm4b:s1+s20], $0x80, s31, s20, $0xb8;
	[tilespmem:$0x1EC00] =	vst v63  }
0x86: {  	_ =	swait.ge [sflag:s26], $0x4000  }
0x87: {  	[sflag:s26] =	ssyncset.done $0x0  }
0x88: {  	s31 =	simm.s32 $0x1080;
	[sflag:s26] =	ssyncadd.s32 $0xFFFFC000  }
0x89: {  	[spmem:s3] =	stream.indirect.scatter.add.f32 [tilespmem:s22], [sflag:$0x4], $0x80, s31, s20, $0xb8;
	[tilespmem:$0x1EC00] =	vst v63  }
0x8a: {  	_ =	swait.ge [sflag:s24], $0x4000  }
0x8b: {  	[sflag:s24] =	ssyncset.done $0x0  }
0x8c: {  	s31 =	simm.s32 $0x580;
	[sflag:s24] =	ssyncadd.s32 $0xFFFFC000  }
0x8d: {  	[tilespmem:s22], [sflag:$0x2] =	stream.indirect.gather [hbm4b:s1+s20], $0x80, s31, s20, $0xb8;
	[tilespmem:$0x1EC00] =	vst v63  }
0x8e: {  	_ =	swait.ge [sflag:s23], $0x4000  }
0x8f: {  	[sflag:s23] =	ssyncset.done $0x0  }
0x90: {  	s31 =	simm.s32 $0x1100;
	[sflag:s23] =	ssyncadd.s32 $0xFFFFC000  }
0x91: {  	[spmem:s3] =	stream.indirect.scatter.add.f32 [tilespmem:s21], [sflag:$0x4], $0x80, s31, s20, $0xb8;
	[tilespmem:$0x1EC00] =	vst v63  }
0x92: {  	_ =	swait.ge [sflag:s24], $0x4000  }
0x93: {  	[sflag:s24] =	ssyncset.done $0x0  }
0x94: {  	s31 =	simm.s32 $0x600;
	[sflag:s24] =	ssyncadd.s32 $0xFFFFC000  }
0x95: {  	[tilespmem:s21], [sflag:$0x1] =	stream.indirect.gather [hbm4b:s1+s20], $0x80, s31, s20, $0xb8;
	[tilespmem:$0x1EC00] =	vst v63  }
0x96: {  	_ =	swait.ge [sflag:s26], $0x4000  }
0x97: {  	[sflag:s26] =	ssyncset.done $0x0  }
0x98: {  	s31 =	simm.s32 $0x1180;
	[sflag:s26] =	ssyncadd.s32 $0xFFFFC000  }
0x99: {  	[spmem:s3] =	stream.indirect.scatter.add.f32 [tilespmem:s22], [sflag:$0x4], $0x80, s31, s20, $0xb8;
	[tilespmem:$0x1EC00] =	vst v63  }
0x9a: {  	_ =	swait.ge [sflag:s24], $0x4000  }
0x9b: {  	[sflag:s24] =	ssyncset.done $0x0  }
0x9c: {  	s31 =	simm.s32 $0x680;
	[sflag:s24] =	ssyncadd.s32 $0xFFFFC000  }
0x9d: {  	[tilespmem:s22], [sflag:$0x2] =	stream.indirect.gather [hbm4b:s1+s20], $0x80, s31, s20, $0xb8;
	[tilespmem:$0x1EC00] =	vst v63  }
0x9e: {  	_ =	swait.ge [sflag:s23], $0x4000  }
0x9f: {  	[sflag:s23] =	ssyncset.done $0x0  }
0xa0: {  	s31 =	simm.s32 $0x1200;
	[sflag:s23] =	ssyncadd.s32 $0xFFFFC000  }
0xa1: {  	[spmem:s3] =	stream.indirect.scatter.add.f32 [tilespmem:s21], [sflag:$0x4], $0x80, s31, s20, $0xb8;
	[tilespmem:$0x1EC00] =	vst v63  }
0xa2: {  	_ =	swait.ge [sflag:s24], $0x4000  }
0xa3: {  	[sflag:s24] =	ssyncset.done $0x0  }
0xa4: {  	s31 =	simm.s32 $0x700;
	[sflag:s24] =	ssyncadd.s32 $0xFFFFC000  }
0xa5: {  	[tilespmem:s21], [sflag:$0x1] =	stream.indirect.gather [hbm4b:s1+s20], $0x80, s31, s20, $0xb8;
	[tilespmem:$0x1EC00] =	vst v63  }
0xa6: {  	_ =	swait.ge [sflag:s26], $0x4000  }
0xa7: {  	[sflag:s26] =	ssyncset.done $0x0  }
0xa8: {  	s31 =	simm.s32 $0x1280;
	[sflag:s26] =	ssyncadd.s32 $0xFFFFC000  }
0xa9: {  	[spmem:s3] =	stream.indirect.scatter.add.f32 [tilespmem:s22], [sflag:$0x4], $0x80, s31, s20, $0xb8;
	[tilespmem:$0x1EC00] =	vst v63  }
0xaa: {  	_ =	swait.ge [sflag:s24], $0x4000  }
0xab: {  	[sflag:s24] =	ssyncset.done $0x0  }
0xac: {  	s31 =	simm.s32 $0x780;
	[sflag:s24] =	ssyncadd.s32 $0xFFFFC000  }
0xad: {  	[tilespmem:s22], [sflag:$0x2] =	stream.indirect.gather [hbm4b:s1+s20], $0x80, s31, s20, $0xb8;
	[tilespmem:$0x1EC00] =	vst v63  }
0xae: {  	_ =	swait.ge [sflag:s23], $0x4000  }
0xaf: {  	[sflag:s23] =	ssyncset.done $0x0  }
0xb0: {  	s31 =	simm.s32 $0x1300;
	[sflag:s23] =	ssyncadd.s32 $0xFFFFC000  }
0xb1: {  	[spmem:s3] =	stream.indirect.scatter.add.f32 [tilespmem:s21], [sflag:$0x4], $0x80, s31, s20, $0xb8;
	[tilespmem:$0x1EC00] =	vst v63  }
0xb2: {  	_ =	swait.ge [sflag:s24], $0x4000  }
0xb3: {  	[sflag:s24] =	ssyncset.done $0x0  }
0xb4: {  	s31 =	simm.s32 $0x800;
	[sflag:s24] =	ssyncadd.s32 $0xFFFFC000  }
0xb5: {  	[tilespmem:s21], [sflag:$0x1] =	stream.indirect.gather [hbm4b:s1+s20], $0x80, s31, s20, $0xb8;
	[tilespmem:$0x1EC00] =	vst v63  }
0xb6: {  	_ =	swait.ge [sflag:s26], $0x4000  }
0xb7: {  	[sflag:s26] =	ssyncset.done $0x0  }
0xb8: {  	s31 =	simm.s32 $0x1380;
	[sflag:s26] =	ssyncadd.s32 $0xFFFFC000  }
0xb9: {  	[spmem:s3] =	stream.indirect.scatter.add.f32 [tilespmem:s22], [sflag:$0x4], $0x80, s31, s20, $0xb8;
	[tilespmem:$0x1EC00] =	vst v63  }
0xba: {  	_ =	swait.ge [sflag:s24], $0x4000  }
0xbb: {  	[sflag:s24] =	ssyncset.done $0x0  }
0xbc: {  	s31 =	simm.s32 $0x880;
	[sflag:s24] =	ssyncadd.s32 $0xFFFFC000  }
0xbd: {  	[tilespmem:s22], [sflag:$0x2] =	stream.indirect.gather [hbm4b:s1+s20], $0x80, s31, s20, $0xb8;
	[tilespmem:$0x1EC00] =	vst v63  }
0xbe: {  	_ =	swait.ge [sflag:s23], $0x4000  }
0xbf: {  	[sflag:s23] =	ssyncset.done $0x0  }
0xc0: {  	s31 =	simm.s32 $0x1400;
	[sflag:s23] =	ssyncadd.s32 $0xFFFFC000  }
0xc1: {  	[spmem:s3] =	stream.indirect.scatter.add.f32 [tilespmem:s21], [sflag:$0x4], $0x80, s31, s20, $0xb8;
	[tilespmem:$0x1EC00] =	vst v63  }
0xc2: {  	_ =	swait.ge [sflag:s24], $0x4000  }
0xc3: {  	[sflag:s24] =	ssyncset.done $0x0  }
0xc4: {  	s31 =	simm.s32 $0x900;
	[sflag:s24] =	ssyncadd.s32 $0xFFFFC000  }
0xc5: {  	[tilespmem:s21], [sflag:$0x1] =	stream.indirect.gather [hbm4b:s1+s20], $0x80, s31, s20, $0xb8;
	[tilespmem:$0x1EC00] =	vst v63  }
0xc6: {  	_ =	swait.ge [sflag:s26], $0x4000  }
0xc7: {  	[sflag:s26] =	ssyncset.done $0x0  }
0xc8: {  	s31 =	simm.s32 $0x1480;
	[sflag:s26] =	ssyncadd.s32 $0xFFFFC000  }
0xc9: {  	[spmem:s3] =	stream.indirect.scatter.add.f32 [tilespmem:s22], [sflag:$0x4], $0x80, s31, s20, $0xb8;
	[tilespmem:$0x1EC00] =	vst v63  }
0xca: {  	_ =	swait.ge [sflag:s24], $0x4000  }
0xcb: {  	[sflag:s24] =	ssyncset.done $0x0  }
0xcc: {  	s31 =	simm.s32 $0x980;
	[sflag:s24] =	ssyncadd.s32 $0xFFFFC000  }
0xcd: {  	[tilespmem:s22], [sflag:$0x2] =	stream.indirect.gather [hbm4b:s1+s20], $0x80, s31, s20, $0xb8;
	[tilespmem:$0x1EC00] =	vst v63  }
0xce: {  	_ =	swait.ge [sflag:s23], $0x4000  }
0xcf: {  	[sflag:s23] =	ssyncset.done $0x0  }
0xd0: {  	s31 =	simm.s32 $0x1500;
	[sflag:s23] =	ssyncadd.s32 $0xFFFFC000  }
0xd1: {  	[spmem:s3] =	stream.indirect.scatter.add.f32 [tilespmem:s21], [sflag:$0x4], $0x80, s31, s20, $0xb8;
	[tilespmem:$0x1EC00] =	vst v63  }
0xd2: {  	_ =	swait.ge [sflag:s24], $0x4000  }
0xd3: {  	[sflag:s24] =	ssyncset.done $0x0  }
0xd4: {  	[sflag:s24] =	ssyncadd.s32 $0xFFFFC000  }
0xd5: {  	_ =	swait.ge [sflag:s26], $0x4000  }
0xd6: {  	[sflag:s26] =	ssyncset.done $0x0  }
0xd7: {  	s31 =	simm.s32 $0x1580;
	[sflag:s26] =	ssyncadd.s32 $0xFFFFC000  }
0xd8: {  	[spmem:s3] =	stream.indirect.scatter.add.f32 [tilespmem:s22], [sflag:$0x4], $0x80, s31, s20, $0xb8;
	[tilespmem:$0x1EC00] =	vst v63  }
0xd9: {  	_ =	swait.ge [sflag:s24], $0x4000  }
0xda: {  	[sflag:s24] =	ssyncset.done $0x0  }
0xdb: {  	[sflag:s24] =	ssyncadd.s32 $0xFFFFC000  }
0xdc: {  	_ =	swait.ge [sflag:s7], $0xA00  }
0xdd: {  	[sflag:s7] =	ssyncset.done $0x0  }
0xde: {  	[sflag:s7] =	ssyncadd.s32 $0xFFFFF600  }
0xdf: {  	_ =	swait.ge [sflag:s7], $0xA00  }
0xe0: {  	[sflag:s7] =	ssyncset.done $0x0  }
0xe1: {  	s0 =	simm.s32 @p0 $0x0;
	[sflag:s7] =	ssyncadd.s32 $0xFFFFF600  }
0xe2: {  	[tilespmem:s0], [sflag:$0x3] =	stream.linear.gather @p0 [hbm4b:s12+s0], $0xA00, $0x38;
	[tilespmem:$0x1EC00] =	vst v63  }
0xe3: {  	s31 =	simm.s32 @p0 $0xC00  }
0xe4: {  	[tilespmem:s31], [sflag:$0x3] =	stream.linear.gather @p0 [hbm4b:s13+s0], $0xA00, $0x38;
	[tilespmem:$0x1EC00] =	vst v63  }
0xe5: {  	_ = 	snop  }
0xe6: {  	[tilespmem:s21], [sflag:$0x1] =	stream.indirect.gather [hbm4b:s1+s20], $0x80, s18, s20, $0xb8;
	[tilespmem:$0x1EC00] =	vst v63  }
0xe7: {  	s31 =	simm.s32 $0x1880  }
0xe8: {  	[tilespmem:s22], [sflag:$0x2] =	stream.indirect.gather [hbm4b:s1+s20], $0x80, s31, s20, $0xb8;
	[tilespmem:$0x1EC00] =	vst v63  }
0xe9: {  	_ =	swait.ge [sflag:s23], $0x4000  }
0xea: {  	[sflag:s23] =	ssyncset.done $0x0  }
0xeb: {  	[sflag:s23] =	ssyncadd.s32 $0xFFFFC000  }
0xec: {  	[spmem:s3] =	stream.indirect.scatter.add.f32 [tilespmem:s21], [sflag:$0x4], $0x80, s19, s20, $0xb8;
	[tilespmem:$0x1EC00] =	vst v63  }
0xed: {  	_ =	swait.ge [sflag:s24], $0x4000  }
0xee: {  	[sflag:s24] =	ssyncset.done $0x0  }
0xef: {  	s31 =	simm.s32 $0x1900;
	[sflag:s24] =	ssyncadd.s32 $0xFFFFC000  }
0xf0: {  	[tilespmem:s21], [sflag:$0x1] =	stream.indirect.gather [hbm4b:s1+s20], $0x80, s31, s20, $0xb8;
	[tilespmem:$0x1EC00] =	vst v63  }
0xf1: {  	_ =	swait.ge [sflag:s26], $0x4000  }
0xf2: {  	[sflag:s26] =	ssyncset.done $0x0  }
0xf3: {  	s31 =	simm.s32 $0x2480;
	[sflag:s26] =	ssyncadd.s32 $0xFFFFC000  }
0xf4: {  	[spmem:s3] =	stream.indirect.scatter.add.f32 [tilespmem:s22], [sflag:$0x4], $0x80, s31, s20, $0xb8;
	[tilespmem:$0x1EC00] =	vst v63  }
0xf5: {  	_ =	swait.ge [sflag:s24], $0x4000  }
0xf6: {  	[sflag:s24] =	ssyncset.done $0x0  }
0xf7: {  	s31 =	simm.s32 $0x1980;
	[sflag:s24] =	ssyncadd.s32 $0xFFFFC000  }
0xf8: {  	[tilespmem:s22], [sflag:$0x2] =	stream.indirect.gather [hbm4b:s1+s20], $0x80, s31, s20, $0xb8;
	[tilespmem:$0x1EC00] =	vst v63  }
0xf9: {  	_ =	swait.ge [sflag:s23], $0x4000  }
0xfa: {  	[sflag:s23] =	ssyncset.done $0x0  }
0xfb: {  	s31 =	simm.s32 $0x2500;
	[sflag:s23] =	ssyncadd.s32 $0xFFFFC000  }
0xfc: {  	[spmem:s3] =	stream.indirect.scatter.add.f32 [tilespmem:s21], [sflag:$0x4], $0x80, s31, s20, $0xb8;
	[tilespmem:$0x1EC00] =	vst v63  }
0xfd: {  	_ =	swait.ge [sflag:s24], $0x4000  }
0xfe: {  	[sflag:s24] =	ssyncset.done $0x0  }
0xff: {  	s31 =	simm.s32 $0x1A00;
	[sflag:s24] =	ssyncadd.s32 $0xFFFFC000  }
0x100: {  	[tilespmem:s21], [sflag:$0x1] =	stream.indirect.gather [hbm4b:s1+s20], $0x80, s31, s20, $0xb8;
	[tilespmem:$0x1EC00] =	vst v63  }
0x101: {  	_ =	swait.ge [sflag:s26], $0x4000  }
0x102: {  	[sflag:s26] =	ssyncset.done $0x0  }
0x103: {  	s31 =	simm.s32 $0x2580;
	[sflag:s26] =	ssyncadd.s32 $0xFFFFC000  }
0x104: {  	[spmem:s3] =	stream.indirect.scatter.add.f32 [tilespmem:s22], [sflag:$0x4], $0x80, s31, s20, $0xb8;
	[tilespmem:$0x1EC00] =	vst v63  }
0x105: {  	_ =	swait.ge [sflag:s24], $0x4000  }
0x106: {  	[sflag:s24] =	ssyncset.done $0x0  }
0x107: {  	s31 =	simm.s32 $0x1A80;
	[sflag:s24] =	ssyncadd.s32 $0xFFFFC000  }
0x108: {  	[tilespmem:s22], [sflag:$0x2] =	stream.indirect.gather [hbm4b:s1+s20], $0x80, s31, s20, $0xb8;
	[tilespmem:$0x1EC00] =	vst v63  }
0x109: {  	_ =	swait.ge [sflag:s23], $0x4000  }
0x10a: {  	[sflag:s23] =	ssyncset.done $0x0  }
0x10b: {  	s31 =	simm.s32 $0x2600;
	[sflag:s23] =	ssyncadd.s32 $0xFFFFC000  }
0x10c: {  	[spmem:s3] =	stream.indirect.scatter.add.f32 [tilespmem:s21], [sflag:$0x4], $0x80, s31, s20, $0xb8;
	[tilespmem:$0x1EC00] =	vst v63  }
0x10d: {  	_ =	swait.ge [sflag:s24], $0x4000  }
0x10e: {  	[sflag:s24] =	ssyncset.done $0x0  }
0x10f: {  	s31 =	simm.s32 $0x1B00;
	[sflag:s24] =	ssyncadd.s32 $0xFFFFC000  }
0x110: {  	[tilespmem:s21], [sflag:$0x1] =	stream.indirect.gather [hbm4b:s1+s20], $0x80, s31, s20, $0xb8;
	[tilespmem:$0x1EC00] =	vst v63  }
0x111: {  	_ =	swait.ge [sflag:s26], $0x4000  }
0x112: {  	[sflag:s26] =	ssyncset.done $0x0  }
0x113: {  	s31 =	simm.s32 $0x2680;
	[sflag:s26] =	ssyncadd.s32 $0xFFFFC000  }
0x114: {  	[spmem:s3] =	stream.indirect.scatter.add.f32 [tilespmem:s22], [sflag:$0x4], $0x80, s31, s20, $0xb8;
	[tilespmem:$0x1EC00] =	vst v63  }
0x115: {  	_ =	swait.ge [sflag:s24], $0x4000  }
0x116: {  	[sflag:s24] =	ssyncset.done $0x0  }
0x117: {  	s31 =	simm.s32 $0x1B80;
	[sflag:s24] =	ssyncadd.s32 $0xFFFFC000  }
0x118: {  	[tilespmem:s22], [sflag:$0x2] =	stream.indirect.gather [hbm4b:s1+s20], $0x80, s31, s20, $0xb8;
	[tilespmem:$0x1EC00] =	vst v63  }
0x119: {  	_ =	swait.ge [sflag:s23], $0x4000  }
0x11a: {  	[sflag:s23] =	ssyncset.done $0x0  }
0x11b: {  	s31 =	simm.s32 $0x2700;
	[sflag:s23] =	ssyncadd.s32 $0xFFFFC000  }
0x11c: {  	[spmem:s3] =	stream.indirect.scatter.add.f32 [tilespmem:s21], [sflag:$0x4], $0x80, s31, s20, $0xb8;
	[tilespmem:$0x1EC00] =	vst v63  }
0x11d: {  	_ =	swait.ge [sflag:s24], $0x4000  }
0x11e: {  	[sflag:s24] =	ssyncset.done $0x0  }
0x11f: {  	s31 =	simm.s32 $0x1C00;
	[sflag:s24] =	ssyncadd.s32 $0xFFFFC000  }
0x120: {  	[tilespmem:s21], [sflag:$0x1] =	stream.indirect.gather [hbm4b:s1+s20], $0x80, s31, s20, $0xb8;
	[tilespmem:$0x1EC00] =	vst v63  }
0x121: {  	_ =	swait.ge [sflag:s26], $0x4000  }
0x122: {  	[sflag:s26] =	ssyncset.done $0x0  }
0x123: {  	s31 =	simm.s32 $0x2780;
	[sflag:s26] =	ssyncadd.s32 $0xFFFFC000  }
0x124: {  	[spmem:s3] =	stream.indirect.scatter.add.f32 [tilespmem:s22], [sflag:$0x4], $0x80, s31, s20, $0xb8;
	[tilespmem:$0x1EC00] =	vst v63  }
0x125: {  	_ =	swait.ge [sflag:s24], $0x4000  }
0x126: {  	[sflag:s24] =	ssyncset.done $0x0  }
0x127: {  	s31 =	simm.s32 $0x1C80;
	[sflag:s24] =	ssyncadd.s32 $0xFFFFC000  }
0x128: {  	[tilespmem:s22], [sflag:$0x2] =	stream.indirect.gather [hbm4b:s1+s20], $0x80, s31, s20, $0xb8;
	[tilespmem:$0x1EC00] =	vst v63  }
0x129: {  	_ =	swait.ge [sflag:s23], $0x4000  }
0x12a: {  	[sflag:s23] =	ssyncset.done $0x0  }
0x12b: {  	s31 =	simm.s32 $0x2800;
	[sflag:s23] =	ssyncadd.s32 $0xFFFFC000  }
0x12c: {  	[spmem:s3] =	stream.indirect.scatter.add.f32 [tilespmem:s21], [sflag:$0x4], $0x80, s31, s20, $0xb8;
	[tilespmem:$0x1EC00] =	vst v63  }
0x12d: {  	_ =	swait.ge [sflag:s24], $0x4000  }
0x12e: {  	[sflag:s24] =	ssyncset.done $0x0  }
0x12f: {  	s31 =	simm.s32 $0x1D00;
	[sflag:s24] =	ssyncadd.s32 $0xFFFFC000  }
0x130: {  	[tilespmem:s21], [sflag:$0x1] =	stream.indirect.gather [hbm4b:s1+s20], $0x80, s31, s20, $0xb8;
	[tilespmem:$0x1EC00] =	vst v63  }
0x131: {  	_ =	swait.ge [sflag:s26], $0x4000  }
0x132: {  	[sflag:s26] =	ssyncset.done $0x0  }
0x133: {  	s31 =	simm.s32 $0x2880;
	[sflag:s26] =	ssyncadd.s32 $0xFFFFC000  }
0x134: {  	[spmem:s3] =	stream.indirect.scatter.add.f32 [tilespmem:s22], [sflag:$0x4], $0x80, s31, s20, $0xb8;
	[tilespmem:$0x1EC00] =	vst v63  }
0x135: {  	_ =	swait.ge [sflag:s24], $0x4000  }
0x136: {  	[sflag:s24] =	ssyncset.done $0x0  }
0x137: {  	s31 =	simm.s32 $0x1D80;
	[sflag:s24] =	ssyncadd.s32 $0xFFFFC000  }
0x138: {  	[tilespmem:s22], [sflag:$0x2] =	stream.indirect.gather [hbm4b:s1+s20], $0x80, s31, s20, $0xb8;
	[tilespmem:$0x1EC00] =	vst v63  }
0x139: {  	_ =	swait.ge [sflag:s23], $0x4000  }
0x13a: {  	[sflag:s23] =	ssyncset.done $0x0  }
0x13b: {  	s31 =	simm.s32 $0x2900;
	[sflag:s23] =	ssyncadd.s32 $0xFFFFC000  }
0x13c: {  	[spmem:s3] =	stream.indirect.scatter.add.f32 [tilespmem:s21], [sflag:$0x4], $0x80, s31, s20, $0xb8;
	[tilespmem:$0x1EC00] =	vst v63  }
0x13d: {  	_ =	swait.ge [sflag:s24], $0x4000  }
0x13e: {  	[sflag:s24] =	ssyncset.done $0x0  }
0x13f: {  	s31 =	simm.s32 $0x1E00;
	[sflag:s24] =	ssyncadd.s32 $0xFFFFC000  }
0x140: {  	[tilespmem:s21], [sflag:$0x1] =	stream.indirect.gather [hbm4b:s1+s20], $0x80, s31, s20, $0xb8;
	[tilespmem:$0x1EC00] =	vst v63  }
0x141: {  	_ =	swait.ge [sflag:s26], $0x4000  }
0x142: {  	[sflag:s26] =	ssyncset.done $0x0  }
0x143: {  	s31 =	simm.s32 $0x2980;
	[sflag:s26] =	ssyncadd.s32 $0xFFFFC000  }
0x144: {  	[spmem:s3] =	stream.indirect.scatter.add.f32 [tilespmem:s22], [sflag:$0x4], $0x80, s31, s20, $0xb8;
	[tilespmem:$0x1EC00] =	vst v63  }
0x145: {  	_ =	swait.ge [sflag:s24], $0x4000  }
0x146: {  	[sflag:s24] =	ssyncset.done $0x0  }
0x147: {  	s31 =	simm.s32 $0x1E80;
	[sflag:s24] =	ssyncadd.s32 $0xFFFFC000  }
0x148: {  	[tilespmem:s22], [sflag:$0x2] =	stream.indirect.gather [hbm4b:s1+s20], $0x80, s31, s20, $0xb8;
	[tilespmem:$0x1EC00] =	vst v63  }
0x149: {  	_ =	swait.ge [sflag:s23], $0x4000  }
0x14a: {  	[sflag:s23] =	ssyncset.done $0x0  }
0x14b: {  	s31 =	simm.s32 $0x2A00;
	[sflag:s23] =	ssyncadd.s32 $0xFFFFC000  }
0x14c: {  	[spmem:s3] =	stream.indirect.scatter.add.f32 [tilespmem:s21], [sflag:$0x4], $0x80, s31, s20, $0xb8;
	[tilespmem:$0x1EC00] =	vst v63  }
0x14d: {  	_ =	swait.ge [sflag:s24], $0x4000  }
0x14e: {  	[sflag:s24] =	ssyncset.done $0x0  }
0x14f: {  	s31 =	simm.s32 $0x1F00;
	[sflag:s24] =	ssyncadd.s32 $0xFFFFC000  }
0x150: {  	[tilespmem:s21], [sflag:$0x1] =	stream.indirect.gather [hbm4b:s1+s20], $0x80, s31, s20, $0xb8;
	[tilespmem:$0x1EC00] =	vst v63  }
0x151: {  	_ =	swait.ge [sflag:s26], $0x4000  }
0x152: {  	[sflag:s26] =	ssyncset.done $0x0  }
0x153: {  	s31 =	simm.s32 $0x2A80;
	[sflag:s26] =	ssyncadd.s32 $0xFFFFC000  }
0x154: {  	[spmem:s3] =	stream.indirect.scatter.add.f32 [tilespmem:s22], [sflag:$0x4], $0x80, s31, s20, $0xb8;
	[tilespmem:$0x1EC00] =	vst v63  }
0x155: {  	_ =	swait.ge [sflag:s24], $0x4000  }
0x156: {  	[sflag:s24] =	ssyncset.done $0x0  }
0x157: {  	[sflag:s24] =	ssyncadd.s32 $0xFFFFC000  }
0x158: {  	[tilespmem:s22], [sflag:$0x2] =	stream.indirect.gather [hbm4b:s1+s20], $0x80, s2, s20, $0xb8;
	[tilespmem:$0x1EC00] =	vst v63  }
0x159: {  	_ =	swait.ge [sflag:s23], $0x4000  }
0x15a: {  	[sflag:s23] =	ssyncset.done $0x0  }
0x15b: {  	[sflag:s23] =	ssyncadd.s32 $0xFFFFC000  }
0x15c: {  	[spmem:s3] =	stream.indirect.scatter.add.f32 [tilespmem:s21], [sflag:$0x4], $0x80, s9, s20, $0xb8;
	[tilespmem:$0x1EC00] =	vst v63  }
0x15d: {  	_ =	swait.ge [sflag:s24], $0x4000  }
0x15e: {  	[sflag:s24] =	ssyncset.done $0x0  }
0x15f: {  	[sflag:s24] =	ssyncadd.s32 $0xFFFFC000  }
0x160: {  	[tilespmem:s21], [sflag:$0x1] =	stream.indirect.gather [hbm4b:s1+s20], $0x80, s10, s20, $0xb8;
	[tilespmem:$0x1EC00] =	vst v63  }
0x161: {  	_ =	swait.ge [sflag:s26], $0x4000  }
0x162: {  	[sflag:s26] =	ssyncset.done $0x0  }
0x163: {  	[sflag:s26] =	ssyncadd.s32 $0xFFFFC000  }
0x164: {  	[spmem:s3] =	stream.indirect.scatter.add.f32 [tilespmem:s22], [sflag:$0x4], $0x80, s14, s20, $0xb8;
	[tilespmem:$0x1EC00] =	vst v63  }
0x165: {  	_ =	swait.ge [sflag:s24], $0x4000  }
0x166: {  	[sflag:s24] =	ssyncset.done $0x0  }
0x167: {  	[sflag:s24] =	ssyncadd.s32 $0xFFFFC000  }
0x168: {  	[tilespmem:s22], [sflag:$0x2] =	stream.indirect.gather [hbm4b:s1+s20], $0x80, s15, s20, $0xb8;
	[tilespmem:$0x1EC00] =	vst v63  }
0x169: {  	_ =	swait.ge [sflag:s23], $0x4000  }
0x16a: {  	[sflag:s23] =	ssyncset.done $0x0  }
0x16b: {  	[sflag:s23] =	ssyncadd.s32 $0xFFFFC000  }
0x16c: {  	[spmem:s3] =	stream.indirect.scatter.add.f32 [tilespmem:s21], [sflag:$0x4], $0x80, s8, s20, $0xb8;
	[tilespmem:$0x1EC00] =	vst v63  }
0x16d: {  	_ =	swait.ge [sflag:s24], $0x4000  }
0x16e: {  	[sflag:s24] =	ssyncset.done $0x0  }
0x16f: {  	[sflag:s24] =	ssyncadd.s32 $0xFFFFC000  }
0x170: {  	[tilespmem:s21], [sflag:$0x1] =	stream.indirect.gather [hbm4b:s1+s20], $0x80, s16, s20, $0xb8;
	[tilespmem:$0x1EC00] =	vst v63  }
0x171: {  	_ =	swait.ge [sflag:s26], $0x4000  }
0x172: {  	[sflag:s26] =	ssyncset.done $0x0  }
0x173: {  	[sflag:s26] =	ssyncadd.s32 $0xFFFFC000  }
0x174: {  	[spmem:s3] =	stream.indirect.scatter.add.f32 [tilespmem:s22], [sflag:$0x4], $0x80, s25, s20, $0xb8;
	[tilespmem:$0x1EC00] =	vst v63  }
0x175: {  	_ =	swait.ge [sflag:s24], $0x4000  }
0x176: {  	[sflag:s24] =	ssyncset.done $0x0  }
0x177: {  	[sflag:s24] =	ssyncadd.s32 $0xFFFFC000  }
0x178: {  	[tilespmem:s22], [sflag:$0x2] =	stream.indirect.gather [hbm4b:s1+s20], $0x80, s28, s20, $0xb8;
	[tilespmem:$0x1EC00] =	vst v63  }
0x179: {  	_ =	swait.ge [sflag:s23], $0x4000  }
0x17a: {  	[sflag:s23] =	ssyncset.done $0x0  }
0x17b: {  	[sflag:s23] =	ssyncadd.s32 $0xFFFFC000  }
0x17c: {  	[spmem:s3] =	stream.indirect.scatter.add.f32 [tilespmem:s21], [sflag:$0x4], $0x80, s29, s20, $0xb8;
	[tilespmem:$0x1EC00] =	vst v63  }
0x17d: {  	_ =	swait.ge [sflag:s24], $0x4000  }
0x17e: {  	[sflag:s24] =	ssyncset.done $0x0  }
0x17f: {  	[sflag:s24] =	ssyncadd.s32 $0xFFFFC000  }
0x180: {  	_ =	swait.ge [sflag:s26], $0x4000  }
0x181: {  	[sflag:s26] =	ssyncset.done $0x0  }
.Ltmp2:
0x182: {  	[sflag:s26] =	ssyncadd.s32 $0xFFFFC000;
	(pc) =	sbr.rel @!p0 .LBB2_4-.Ltmp2, $4  }
0x183: {  	[spmem:s3] =	stream.indirect.scatter.add.f32 [tilespmem:s22], [sflag:$0x4], $0x80, s30, s20, $0xb8;
	[tilespmem:$0x1EC00] =	vst v63  }
0x184: {  	_ =	swait.ge [sflag:s24], $0x4000  }
0x185: {  	[sflag:s24] =	ssyncset.done $0x0  }
0x186: {  	[sflag:s24] =	ssyncadd.s32 $0xFFFFC000  }
.Ltmp3:
0x187: {  	(pc) =	sbr.rel .LBB2_2-.Ltmp3, $4  }
0x188: {  	s31 =	simm.s32 $0x3  }
0x189: {  	_ =	swait.ge [sflag:s31], $0xA00  }
0x18a: {  	[sflag:s31] =	ssyncset.done $0x0  }
0x18b: {  	s0 =	simm.s32 $0x1800;
	p0 =	por $0x0, $0x0;
	[sflag:s31] =	ssyncadd.s32 $0xFFFFF600  }
.LBB2_5:
0x18c: {  	_ =	sfence.sel $0x180000  }
0x18d: {  	[bflag:$0x0] =	sbarrier.arrive $0xFFFF  }
0x18e: {  	_ =	strace $0x90000047  }
0x18f: {  	s0 =	stileid.u32;
	[bflag:$0x2] =	sbarrier.arrive $0xFFFF  }
0x190: {  	p0 =	sne.s32 s0, $0x0;
	s0 =	rddreg [dreg:$0x3]  }
0x191: {  	s0 =	sadd.s32 @!p0 $0x100000, s0  }
0x192: {  	[sflag:s0] =	ssyncadd.tile.s32 @!p0 $0x1;
	_ =	shalt  }
.Lfunc_end2:
_tile_overlayer_lowered:
.L_overlay_start_2:
0x193: {  	(tag) =	ssettag $0x2  }
0x194: {  	s0 =	rddreg [dreg:$0x0];
	s2 =	stileid.u32  }
0x195: {  	s1 =	rddreg [dreg:$0x1];
	p0 =	sne.s32 s2, $0x0  }
0x196: {  	s3 =	rddreg [dreg:$0x2];
	[bflag:$0x3] =	sbarrier.arrive $0xFFFF;
	s2 =	simm.s32 @!p0 $0x1C04  }
0x197: {  	[timem:s3], [sflag:s2] =	dma.local @!p0 [hbm:s0], s1  }
0x198: {  	s0 =	simm.s32 @!p0 $0x4  }
0x199: {  	_ =	swait.ge @!p0 [sflag:s0], s1  }
0x19a: {  	s1 =	ssub.s32 @!p0 $0x0, s1;
	[sflag:s0] =	ssyncset.done @!p0 $0x0  }
0x19b: {  	[sflag:s0] =	ssyncadd.s32 @!p0 s1  }
0x19c: {  	[bflag:$0x3] =	sbarrier.arrive $0xFFFF  }
0x19d: {  	_ =	shalt  }

// kernel: kernel.9.cloned.1.call-start
scs
__scs_entry_jumppad:
0x0: {  	(pc) =	sbr.rel $0x88, $3  }
0x1: {  	(tag) =	ssettag $0x0;
	lr =	simm.s32 $0x1  }
0x2: {  	[smem:$0x3F94] =	sst lr;
	_ =	strace $0xD0000000  }
0x3: {  	_ = 	snop  }
0x4: {  	_ = 	snop  }
0x5: {  	_ = 	snop  }
0x6: {  	_ = 	snop  }
0x7: {  	_ = 	snop  }
__scs_overlays_trampoline_lowered:
0x8: {  	[smem:$0x3FA3] =	sst s0  }
0x9: {  	[smem:$0x3FA4] =	sst s1  }
0xa: {  	[smem:$0x3FA5] =	sst s2  }
0xb: {  	[smem:$0x3FA6] =	sst s3  }
0xc: {  	[smem:$0x3FA7] =	sst s4  }
0xd: {  	[smem:$0x3FA8] =	sst s5  }
0xe: {  	[smem:$0x3FA9] =	sst s6  }
0xf: {  	[smem:$0x3FAA] =	sst s7  }
0x10: {  	[smem:$0x3FAB] =	sst s8  }
0x11: {  	[smem:$0x3FAC] =	sst s9;
	s0 =	simm.s32 @!p0 $0x0  }
0x12: {  	s1 =	sld [smem:$0x3F92];
	s0 =	simm.s32 @p0 $0x1  }
0x13: {  	[smem:$0x3FAD] =	sst s0;
	s0 =	simm.s32 @!p1 $0x0  }
0x14: {  	s2 =	sld [smem:$0x3F91];
	s0 =	simm.s32 @p1 $0x1  }
0x15: {  	[smem:$0x3FAE] =	sst s0;
	s0 =	simm.s32 @!p2 $0x0  }
0x16: {  	s3 =	sld [smem:$0x3FDB];
	s0 =	simm.s32 @p2 $0x1  }
0x17: {  	s4 =	simm.s32 $0x1BF5;
	[smem:$0x3FB0] =	sst s0  }
0x18: {  	s0 =	sld [smem:$0x3F93];
	_ =	swait.ge [sflag:s4], $0x0  }
0x19: {  	s7 =	sld [smem:$0x3F94]  }
0x1a: {  	s8 =	sadd.s32 $0xFFFFE003, lr  }
0x1b: {  	s9 =	sadd.s32 $0xFFFFFEF7, lr;
	s5 =	simm.s32 $0xFFFFFFFF;
	p2 =	slt.u32 s8, $0xFFFFF086  }
0x1c: {  	p1 =	slt.u32 s9, $0xF7A;
	s5 =	simm.s32 @!p2 $0x0  }
0x1d: {  	s5 =	simm.s32 @p1 $0x1;
	p0 =	seq.s32 s7, s2  }
0x1e: {  	s7 =	smul.u32 @!p0 $0xF7A, s2;
	p2 =	seq.s32 @!p0 s5, $0x0  }
0x1f: {  	s9 =	smul.u32 $0xF7A, s1;
	s8 =	simm.s32 @!p0 $0x1BF5;
	p2 =	por !p2, p0  }
0x20: {  	[sflag:s8] =	ssyncset.s32 @!p0 $0xFFFFF086;
	s6 =	sadd.s32 @!p0 s3, s7;
	s7 =	simm.s32 @!p0 $0x108  }
0x21: {  	s3 =	sadd.s32 s3, s9;
	s6 =	sadd.s32 @!p0 $0x88, s6;
	s7 =	simm.s32 @p2 $0x1082  }
0x22: {  	[simem:s7], [sflag:s8] =	dma.local @!p0 [hbm:s6], $0xF7A  }
0x23: {  	s9 =	sor.u32 $0xD0000000, s2;
	s6 =	simm.s32 $0x108;
	_ =	swait.ge @!p0 [sflag:s8], $0x0  }
0x24: {  	s3 =	sadd.s32 $0x88, s3;
	s6 =	simm.s32 @!p1 $0x1082;
	[sflag:s4] =	ssyncset.s32 $0xFFFFF086  }
0x25: {  	[simem:s6], [sflag:s4] =	dma.local [hbm:s3], $0xF7A  }
0x26: {  	[smem:$0x3F94] =	sst s1;
	(tag) =	ssettag s2;
	_ =	strace s9  }
0x27: {  	s1 =	sld [smem:$0x3FA4]  }
0x28: {  	s2 =	sld [smem:$0x3FA5]  }
0x29: {  	s4 =	sld [smem:$0x3FA7]  }
0x2a: {  	p0 =	seq.s32 s5, $0x0;
	s5 =	sld [smem:$0x3FA8]  }
0x2b: {  	s6 =	sld [smem:$0x3FA9]  }
0x2c: {  	s7 =	sld [smem:$0x3FAA]  }
0x2d: {  	s3 =	simm.s32 $0x108;
	s8 =	sld [smem:$0x3FAB]  }
0x2e: {  	s3 =	simm.s32 @!p0 $0x1082;
	s9 =	sld [smem:$0x3FAC]  }
0x2f: {  	lr =	sadd.s32 s0, s3;
	s0 =	sld [smem:$0x3FA3]  }
0x30: {  	s3 =	sld [smem:$0x3FA6]  }
0x31: {  	[smem:$0x3FAF] =	sst s10  }
0x32: {  	s10 =	sld [smem:$0x3FAD];
	_ =	sdelay $0x3  }
0x33: {  	p0 =	seq.s32 s10, $0x1;
	s10 =	sld [smem:$0x3FAF];
	_ =	sdelay $0x3  }
0x34: {  	[smem:$0x3FAF] =	sst s10  }
0x35: {  	s10 =	sld [smem:$0x3FAE];
	_ =	sdelay $0x3  }
0x36: {  	p1 =	seq.s32 s10, $0x1;
	s10 =	sld [smem:$0x3FAF];
	_ =	sdelay $0x3  }
0x37: {  	[smem:$0x3FAF] =	sst s10  }
0x38: {  	s10 =	sld [smem:$0x3FB0]  }
0x39: {  	_ = 	snop;
	(pc) =	sbr.ind lr, $3  }
0x3a: {  	_ = 	snop  }
0x3b: {  	_ = 	snop  }
0x3c: {  	p2 =	seq.s32 s10, $0x1;
	s10 =	sld [smem:$0x3FAF]  }
0x3d: {  	_ =	shalt  }
0x3e: {  	_ =	shalt  }
0x3f: {  	_ =	shalt  }
0x40: {  	_ =	shalt  }
0x41: {  	_ =	shalt  }
0x42: {  	_ =	shalt  }
0x43: {  	_ =	shalt  }
0x44: {  	_ =	shalt  }
0x45: {  	_ =	shalt  }
0x46: {  	_ =	shalt  }
0x47: {  	_ =	shalt  }
0x48: {  	_ =	shalt  }
0x49: {  	_ =	shalt  }
0x4a: {  	_ =	shalt  }
0x4b: {  	_ =	shalt  }
0x4c: {  	_ =	shalt  }
0x4d: {  	_ =	shalt  }
0x4e: {  	_ =	shalt  }
0x4f: {  	_ =	shalt  }
0x50: {  	_ =	shalt  }
0x51: {  	_ =	shalt  }
0x52: {  	_ =	shalt  }
0x53: {  	_ =	shalt  }
0x54: {  	_ =	shalt  }
0x55: {  	_ =	shalt  }
0x56: {  	_ =	shalt  }
0x57: {  	_ =	shalt  }
0x58: {  	_ =	shalt  }
0x59: {  	_ =	shalt  }
0x5a: {  	_ =	shalt  }
0x5b: {  	_ =	shalt  }
0x5c: {  	_ =	shalt  }
0x5d: {  	_ =	shalt  }
0x5e: {  	_ =	shalt  }
0x5f: {  	_ =	shalt  }
0x60: {  	_ =	shalt  }
0x61: {  	_ =	shalt  }
0x62: {  	_ =	shalt  }
0x63: {  	_ =	shalt  }
0x64: {  	_ =	shalt  }
0x65: {  	_ =	shalt  }
0x66: {  	_ =	shalt  }
0x67: {  	_ =	shalt  }
0x68: {  	_ =	shalt  }
0x69: {  	_ =	shalt  }
0x6a: {  	_ =	shalt  }
0x6b: {  	_ =	shalt  }
0x6c: {  	_ =	shalt  }
0x6d: {  	_ =	shalt  }
0x6e: {  	_ =	shalt  }
0x6f: {  	_ =	shalt  }
0x70: {  	_ =	shalt  }
0x71: {  	_ =	shalt  }
0x72: {  	_ =	shalt  }
0x73: {  	_ =	shalt  }
0x74: {  	_ =	shalt  }
0x75: {  	_ =	shalt  }
0x76: {  	_ =	shalt  }
0x77: {  	_ =	shalt  }
0x78: {  	_ =	shalt  }
0x79: {  	_ =	shalt  }
0x7a: {  	_ =	shalt  }
0x7b: {  	_ =	shalt  }
0x7c: {  	_ =	shalt  }
0x7d: {  	_ =	shalt  }
0x7e: {  	_ =	shalt  }
0x7f: {  	_ =	shalt  }
0x80: {  	_ =	shalt  }
0x81: {  	_ =	shalt  }
0x82: {  	_ =	shalt  }
0x83: {  	_ =	shalt  }
0x84: {  	_ =	shalt  }
0x85: {  	_ =	shalt  }
0x86: {  	_ =	shalt  }
0x87: {  	_ =	shalt  }
.Lfunc_end0:
.L_simem_size_0:
called_computation.1_lowered:
.L_overlay_start_0:
0x88: {  	s2 =	sld [smem:$0x3FD9]  }
0x89: {  	s3 =	sld [smem:$0x3FFE];
	_ =	sdelay $0x1  }
0x8a: {  	s1 =	srdreg.scid  }
0x8b: {  	s0 =	sand.u32 $0x1, s1  }
0x8c: {  	s16 =	sshll.u32 s0, $0xA;
	s2 =	sadd.s32 s3, s2  }
0x8d: {  	s2 =	sadd.s32 s2, s16  }
0x8e: {  	[smem:$0x3FBB] =	sst s2  }
0x8f: {  	_ = 	snop  }
0x90: {  	(tm) =	ssettm $0x1  }
0x91: {  	s17 =	sld [smem:$0x3FFB];
	_ =	sdelay $0x3  }
0x92: {  	_ =	strace s17  }
0x93: {  	s2 =	sld [smem:$0x3FFC];
	_ =	sdelay $0x3  }
0x94: {  	_ =	strace s2  }
0x95: {  	s2 =	sld [smem:$0x3FFD];
	_ =	sdelay $0x3  }
0x96: {  	_ =	strace s2  }
0x97: {  	_ =	strace $0x8FFFFFFF  }
0x98: {  	s18 =	sld [smem:$0x3FDB];
	_ =	sdelay $0x1  }
0x99: {  	s19 =	simm.s32 $_scs_section_size  }
0x9a: {  	s4 =	simm.s32 $_size__tile_overlayer_lowered;
	s5 =	simm.s32 $_tile_overlayer_lowered  }
0x9b: {  	s22 =	simm.s32 $0x1BFF;
	s21 =	sshll.u32 s5, $0x1;
	s2 =	sadd.s32 s19, s18  }
0x9c: {  	s6 =	simm.s32 $0x0;
	s20 =	sshll.u32 s4, $0x1;
	s4 =	sadd.s32 s21, s2  }
0x9d: {  	[timem:s6], [sflag:s22] =	dma.local [hbm:s4], s20  }
0x9e: {  	_ =	swait.ge [sflag:s22], s20  }
0x9f: {  	s3 =	ssub.s32 $0x0, s20;
	[sflag:s22] =	ssyncset.done $0x0  }
0xa0: {  	[sflag:s22] =	ssyncadd.s32 s3;
	_ =	sdelay $0x1  }
0xa1: {  	s23 =	simm.s32 $0x1B8B  }
0xa2: {  	_ =	swait.ge [sflag:s23], $0x1  }
0xa3: {  	[sflag:s23] =	ssyncset.done $0x0  }
0xa4: {  	s25 =	simm.s32 $0x1B8E;
	s24 =	sld [smem:$0x3FFE];
	[sflag:s23] =	ssyncadd.s32 $0xFFFFFFFF  }
0xa5: {  	s26 =	simm.s32 $execute0_lowered;
	[smem:$0x3FD2] =	sst s25  }
0xa6: {  	s4 =	sshll.u32 s26, $0x1;
	_ =	strace $0x80000049;
	[dreg:$0x1] =	wrdreg $0xFFFFFFFF  }
0xa7: {  	s28 =	simm.s32 $_size_execute0_lowered;
	s2 =	sadd.s32 s2, s4;
	[dreg:$0x0] =	wrdreg $0x0  }
0xa8: {  	s4 =	sshll.u32 s28, $0x1;
	[dreg:$0x2] =	wrdreg s2  }
0xa9: {  	[dreg:$0x3] =	wrdreg s4  }
0xaa: {  	[dreg:$0x4] =	wrdreg $0xC0  }
0xab: {  	_ =	task [dreg:s6], $0x5FFFF  }
0xac: {  	[dreg:$0x1] =	wrdreg $0xFFFFFFFF  }
0xad: {  	[dreg:$0x0] =	wrdreg $0x60  }
0xae: {  	[dreg:$0x2] =	wrdreg s24  }
0xaf: {  	[dreg:$0x3] =	wrdreg $0xB0000  }
0xb0: {  	[dreg:$0x4] =	wrdreg $0x9  }
0xb1: {  	_ =	task.clear_ibuf [dreg:s6], $0x5FFFF;
	_ =	strace $0x90000049  }
0xb2: {  	s29 =	simm.s32 $0x9;
	_ =	strace $0x8000004B  }
0xb3: {  	_ =	swait.ge [sflag:s29], $0x1  }
0xb4: {  	[sflag:s29] =	ssyncadd.s32 $0xFFFFFFFF  }
0xb5: {  	_ =	strace $0x9000004B  }
0xb6: {  	_ =	sfence  }
0xb7: {  	s30 =	sld [smem:$0x0];
	_ =	sdelay $0x2  }
0xb8: {  	s31 =	sshll.u32 s1, $0xD;
	s1 =	sshrl.u32 s1, $0x2  }
0xb9: {  	s3 =	sand.u32 $0x4000, s31;
	s1 =	sadd.s32 s1, s30  }
0xba: {  	s0 =	sor.u32 s3, s0;
	s1 =	sshll.u32 s1, $0x11  }
0xbb: {  	s0 =	sor.u32 s1, s0  }
0xbc: {  	s0 =	sadd.s32 $0x8F2B, s0  }
0xbd: {  	[sflag:s0] =	ssyncadd.remote.s32 $0x1  }
0xbe: {  	_ =	sfence.sel $0xFFFF  }
0xbf: {  	[dreg:$0x0] =	wrdreg $0xFFFFFFFF;
	(pc) =	sbr.abs _section_cstart, $3  }
0xc0: {  	[dreg:$0x1] =	wrdreg $0xFFFFFFFF  }
0xc1: {  	_ =	task.clear_ibuf [dreg:s6], $0x2FFFF;
	_ =	strace $0x9FFFFFFF  }
0xc2: {  	(tm) =	ssettm $0x7FFFFFFF  }
0xc3: {  	_ =	shalt  }
tec
execute0_lowered:
.L_overlay_start_1:
0x0: {  	(tag) =	ssettag $0x1  }
0x1: {  	s0 =	rddreg [dreg:$0x0]  }
0x2: {  	s2 =	rddreg [dreg:$0x1];
	s3 =	simm.s32 $0x0;
	s13 =	stileid.u32  }
0x3: {  	s5 =	srdreg.scid;
	s16 =	simm.s32 $0x4;
	s29 =	simm.s32 $0x1F80  }
0x4: {  	s30 =	simm.s32 $0x2B00;
	s31 =	simm.s32 $0x2000;
	s28 =	simm.s32 $0x0  }
0x5: {  	[smem:$0x7FF] =	sst s3;
	s1 =	smul.u32 $0x13C00, s13;
	s4 =	sadd.s32 $0x42A00, s0  }
0x6: {  	s5 =	sand.u32 $0x1, s5;
	s6 =	sadd.s32 $0x91A00, s0;
	s10 =	smul.u32 $0x4F000, s13  }
0x7: {  	s9 =	sadd.s32 $0xA9A00, s0;
	s12 =	smul.u32 $0x6000, s13;
	s20 =	sshll.u32 s13, $0x6  }
0x8: {  	_ =	strace $0x8000004A;
	s8 =	smul.u32 $0x13C000, s5;
	s17 =	ssub.s32 $0x2, s5  }
0x9: {  	s5 =	smul.u32 $0x60000, s5;
	s24 =	sor.u32 $0x1C04, s20;
	s20 =	simm.s32 $0x80  }
0xa: {  	s7 =	sshrl.u32 s1, $0x3;
	s11 =	sshrl.u32 s17, $0x1;
	s19 =	sshrl.u32 s10, $0x2  }
0xb: {  	s10 =	simm.s32 $0x2D00;
	[dreg:$0x4] =	wrdreg s24;
	s7 =	sadd.s32 s7, s0  }
0xc: {  	s1 =	sadd.s32 s1, s8;
	s18 =	ssub.s32 s17, s11;
	s8 =	sadd.s32 s19, s2  }
0xd: {  	s5 =	sadd.s32 s12, s5;
	s19 =	simm.s32 $0x2400;
	s17 =	simm.s32 $0x2B80  }
0xe: {  	s1 =	sshrl.u32 s1, $0x3;
	s7 =	sadd.s32 $0x1B200, s7;
	s21 =	sshrl.u32 s5, $0x3  }
0xf: {  	s23 =	sor.u32 $0x1800, s5;
	s5 =	sor.u32 $0xC00, s5;
	s0 =	sadd.s32 s1, s0  }
0x10: {  	[dreg:$0x3] =	wrdreg s7;
	s22 =	sadd.s32 s6, s21;
	s7 =	sadd.s32 s9, s21  }
0x11: {  	s25 =	sshrl.u32 s23, $0x3;
	s1 =	smax.u32 s18, $0x1;
	s26 =	sshrl.u32 s5, $0x3  }
0x12: {  	s18 =	simm.s32 $0x1800;
	s21 =	simm.s32 $0x3000;
	[dreg:$0x5] =	wrdreg s22  }
0x13: {  	s23 =	simm.s32 $0x1;
	s5 =	simm.s32 $0x2C00;
	[dreg:$0x6] =	wrdreg s7  }
0x14: {  	s0 =	sadd.s32 $0x10FC00, s0;
	[dreg:$0x8] =	wrdreg s1;
	s11 =	sadd.s32 s25, s9  }
.Ltmp0:
0x15: {  	s12 =	sadd.s32 s25, s6;
	s13 =	sadd.s32 s26, s9;
	(pc) =	sbr.rel .LBB2_1-.Ltmp0, $4  }
0x16: {  	s14 =	sadd.s32 s26, s6;
	s26 =	sshrl.u32 s8, $0x3;
	s22 =	simm.s32 $0x7000  }
0x17: {  	s25 =	simm.s32 $0x2;
	s1 =	simm.s32 $0x2080;
	s7 =	simm.s32 $0x2100  }
0x18: {  	s8 =	simm.s32 $0x2C80;
	s9 =	simm.s32 $0x2180;
	[dreg:$0x7] =	wrdreg s0  }
0x19: {  	s6 =	simm.s32 $0x2D80;
	s0 =	simm.s32 $0x3;
	[dreg:$0x9] =	wrdreg s26  }
.LBB2_4:
0x1a: {  	[bflag:$0x0] =	sbarrier.arrive $0xFFFF  }
0x1b: {  	s24 =	rddreg [dreg:$0x4]  }
0x1c: {  	s15 =	rddreg [dreg:$0x7]  }
0x1d: {  	s26 =	rddreg [dreg:$0x9]  }
0x1e: {  	[hbm:s15], [sflag:s24] =	dma.local [spmem:s26], $0x2780  }
0x1f: {  	_ =	swait.ge [sflag:s16], $0x2780  }
0x20: {  	s28 =	rddreg [dreg:$0xa]  }
0x21: {  	s15 =	rddreg [dreg:$0x8];
	s28 =	sadd.s32 $0x1, s28  }
0x22: {  	p0 =	sne.s32 s28, s15  }
.Ltmp1:
0x23: {  	_ = 	snop;
	(pc) =	sbr.rel @!p0 .LBB2_5-.Ltmp1, $3  }
0x24: {  	_ =	sdelay $0x1  }
0x25: {  	[sflag:s16] =	ssyncset.done $0x0  }
0x26: {  	[sflag:s16] =	ssyncadd.s32 $0xFFFFD880  }
.LBB2_1:
0x27: {  	[dreg:$0xa] =	wrdreg s28  }
0x28: {  	s15 =	rddreg [dreg:$0x3]  }
0x29: {  	[spmem:s26], [sflag:s24] =	dma.local [hbm:s15], $0x2780  }
0x2a: {  	_ =	swait.ge [sflag:s16], $0x2780  }
0x2b: {  	[sflag:s16] =	ssyncset.done $0x0  }
0x2c: {  	[sflag:s16] =	ssyncadd.s32 $0xFFFFD880  }
0x2d: {  	[bflag:$0x0] =	sbarrier.arrive $0xFFFF  }
0x2e: {  	s24 =	rddreg [dreg:$0x5]  }
0x2f: {  	[tilespmem:s3], [sflag:$0x4] =	stream.linear.gather [hbm4b:s24+s3], $0xA00, $0x38;
	[tilespmem:$0x1EC00] =	vst v63  }
0x30: {  	_ =	swait.ge [sflag:s16], $0xA00  }
0x31: {  	[sflag:s16] =	ssyncset.done $0x0  }
0x32: {  	s28 =	simm.s32 $0xC00;
	s26 =	rddreg [dreg:$0x6];
	[sflag:s16] =	ssyncadd.s32 $0xFFFFF600  }
0x33: {  	[tilespmem:s28], [sflag:$0x4] =	stream.linear.gather [hbm4b:s26+s3], $0xA00, $0x38;
	[tilespmem:$0x1EC00] =	vst v63  }
0x34: {  	_ =	swait.ge [sflag:s16], $0xA00  }
0x35: {  	[sflag:s16] =	ssyncset.done $0x0  }
0x36: {  	s15 =	simm.s32 $0x0;
	[sflag:s16] =	ssyncadd.s32 $0xFFFFF600  }
.LBB2_2:
0x37: {  	s24 =	sadd.s32 s15, s14  }
0x38: {  	[tilespmem:s18], [sflag:$0x3] =	stream.linear.gather [hbm4b:s24+s3], $0xA00, $0x38;
	[tilespmem:$0x1EC00] =	vst v63  }
0x39: {  	s26 =	sadd.s32 s15, s13  }
0x3a: {  	[tilespmem:s19], [sflag:$0x3] =	stream.linear.gather [hbm4b:s26+s3], $0xA00, $0x38;
	[tilespmem:$0x1EC00] =	vst v63  }
0x3b: {  	_ = 	snop  }
0x3c: {  	[tilespmem:s21], [sflag:$0x1] =	stream.indirect.gather [hbm4b:s4+s20], $0x80, s3, s20, $0xb8;
	[tilespmem:$0x1EC00] =	vst v63  }
0x3d: {  	_ = 	snop  }
0x3e: {  	[tilespmem:s22], [sflag:$0x2] =	stream.indirect.gather [hbm4b:s4+s20], $0x80, s20, s20, $0xb8;
	[tilespmem:$0x1EC00] =	vst v63  }
0x3f: {  	_ =	swait.ge [sflag:s23], $0x4000  }
0x40: {  	[sflag:s23] =	ssyncset.done $0x0  }
0x41: {  	s28 =	simm.s32 $0xC00;
	[sflag:s23] =	ssyncadd.s32 $0xFFFFC000  }
0x42: {  	[spmem:s2] =	stream.indirect.scatter.add.f32 [tilespmem:s21], [sflag:$0x4], $0x80, s28, s20, $0xb8;
	[tilespmem:$0x1EC00] =	vst v63  }
0x43: {  	_ =	swait.ge [sflag:s16], $0x4000  }
0x44: {  	[sflag:s16] =	ssyncset.done $0x0  }
0x45: {  	s26 =	simm.s32 $0x100;
	[sflag:s16] =	ssyncadd.s32 $0xFFFFC000  }
0x46: {  	[tilespmem:s21], [sflag:$0x1] =	stream.indirect.gather [hbm4b:s4+s20], $0x80, s26, s20, $0xb8;
	[tilespmem:$0x1EC00] =	vst v63  }
0x47: {  	_ =	swait.ge [sflag:s25], $0x4000  }
0x48: {  	[sflag:s25] =	ssyncset.done $0x0  }
0x49: {  	s28 =	simm.s32 $0xC80;
	[sflag:s25] =	ssyncadd.s32 $0xFFFFC000  }
0x4a: {  	[spmem:s2] =	stream.indirect.scatter.add.f32 [tilespmem:s22], [sflag:$0x4], $0x80, s28, s20, $0xb8;
	[tilespmem:$0x1EC00] =	vst v63  }
0x4b: {  	_ =	swait.ge [sflag:s16], $0x4000  }
0x4c: {  	[sflag:s16] =	ssyncset.done $0x0  }
0x4d: {  	s26 =	simm.s32 $0x180;
	[sflag:s16] =	ssyncadd.s32 $0xFFFFC000  }
0x4e: {  	[tilespmem:s22], [sflag:$0x2] =	stream.indirect.gather [hbm4b:s4+s20], $0x80, s26, s20, $0xb8;
	[tilespmem:$0x1EC00] =	vst v63  }
0x4f: {  	_ =	swait.ge [sflag:s23], $0x4000  }
0x50: {  	[sflag:s23] =	ssyncset.done $0x0  }
0x51: {  	s28 =	simm.s32 $0xD00;
	[sflag:s23] =	ssyncadd.s32 $0xFFFFC000  }
0x52: {  	[spmem:s2] =	stream.indirect.scatter.add.f32 [tilespmem:s21], [sflag:$0x4], $0x80, s28, s20, $0xb8;
	[tilespmem:$0x1EC00] =	vst v63  }
0x53: {  	_ =	swait.ge [sflag:s16], $0x4000  }
0x54: {  	[sflag:s16] =	ssyncset.done $0x0  }
0x55: {  	s26 =	simm.s32 $0x200;
	[sflag:s16] =	ssyncadd.s32 $0xFFFFC000  }
0x56: {  	[tilespmem:s21], [sflag:$0x1] =	stream.indirect.gather [hbm4b:s4+s20], $0x80, s26, s20, $0xb8;
	[tilespmem:$0x1EC00] =	vst v63  }
0x57: {  	_ =	swait.ge [sflag:s25], $0x4000  }
0x58: {  	[sflag:s25] =	ssyncset.done $0x0  }
0x59: {  	s28 =	simm.s32 $0xD80;
	[sflag:s25] =	ssyncadd.s32 $0xFFFFC000  }
0x5a: {  	[spmem:s2] =	stream.indirect.scatter.add.f32 [tilespmem:s22], [sflag:$0x4], $0x80, s28, s20, $0xb8;
	[tilespmem:$0x1EC00] =	vst v63  }
0x5b: {  	_ =	swait.ge [sflag:s16], $0x4000  }
0x5c: {  	[sflag:s16] =	ssyncset.done $0x0  }
0x5d: {  	s26 =	simm.s32 $0x280;
	[sflag:s16] =	ssyncadd.s32 $0xFFFFC000  }
0x5e: {  	[tilespmem:s22], [sflag:$0x2] =	stream.indirect.gather [hbm4b:s4+s20], $0x80, s26, s20, $0xb8;
	[tilespmem:$0x1EC00] =	vst v63  }
0x5f: {  	_ =	swait.ge [sflag:s23], $0x4000  }
0x60: {  	[sflag:s23] =	ssyncset.done $0x0  }
0x61: {  	s28 =	simm.s32 $0xE00;
	[sflag:s23] =	ssyncadd.s32 $0xFFFFC000  }
0x62: {  	[spmem:s2] =	stream.indirect.scatter.add.f32 [tilespmem:s21], [sflag:$0x4], $0x80, s28, s20, $0xb8;
	[tilespmem:$0x1EC00] =	vst v63  }
0x63: {  	_ =	swait.ge [sflag:s16], $0x4000  }
0x64: {  	[sflag:s16] =	ssyncset.done $0x0  }
0x65: {  	s26 =	simm.s32 $0x300;
	[sflag:s16] =	ssyncadd.s32 $0xFFFFC000  }
0x66: {  	[tilespmem:s21], [sflag:$0x1] =	stream.indirect.gather [hbm4b:s4+s20], $0x80, s26, s20, $0xb8;
	[tilespmem:$0x1EC00] =	vst v63  }
0x67: {  	_ =	swait.ge [sflag:s25], $0x4000  }
0x68: {  	[sflag:s25] =	ssyncset.done $0x0  }
0x69: {  	s28 =	simm.s32 $0xE80;
	[sflag:s25] =	ssyncadd.s32 $0xFFFFC000  }
0x6a: {  	[spmem:s2] =	stream.indirect.scatter.add.f32 [tilespmem:s22], [sflag:$0x4], $0x80, s28, s20, $0xb8;
	[tilespmem:$0x1EC00] =	vst v63  }
0x6b: {  	_ =	swait.ge [sflag:s16], $0x4000  }
0x6c: {  	[sflag:s16] =	ssyncset.done $0x0  }
0x6d: {  	s26 =	simm.s32 $0x380;
	[sflag:s16] =	ssyncadd.s32 $0xFFFFC000  }
0x6e: {  	[tilespmem:s22], [sflag:$0x2] =	stream.indirect.gather [hbm4b:s4+s20], $0x80, s26, s20, $0xb8;
	[tilespmem:$0x1EC00] =	vst v63  }
0x6f: {  	_ =	swait.ge [sflag:s23], $0x4000  }
0x70: {  	[sflag:s23] =	ssyncset.done $0x0  }
0x71: {  	s28 =	simm.s32 $0xF00;
	[sflag:s23] =	ssyncadd.s32 $0xFFFFC000  }
0x72: {  	[spmem:s2] =	stream.indirect.scatter.add.f32 [tilespmem:s21], [sflag:$0x4], $0x80, s28, s20, $0xb8;
	[tilespmem:$0x1EC00] =	vst v63  }
0x73: {  	_ =	swait.ge [sflag:s16], $0x4000  }
0x74: {  	[sflag:s16] =	ssyncset.done $0x0  }
0x75: {  	s26 =	simm.s32 $0x400;
	[sflag:s16] =	ssyncadd.s32 $0xFFFFC000  }
0x76: {  	[tilespmem:s21], [sflag:$0x1] =	stream.indirect.gather [hbm4b:s4+s20], $0x80, s26, s20, $0xb8;
	[tilespmem:$0x1EC00] =	vst v63  }
0x77: {  	_ =	swait.ge [sflag:s25], $0x4000  }
0x78: {  	[sflag:s25] =	ssyncset.done $0x0  }
0x79: {  	s28 =	simm.s32 $0xF80;
	[sflag:s25] =	ssyncadd.s32 $0xFFFFC000  }
0x7a: {  	[spmem:s2] =	stream.indirect.scatter.add.f32 [tilespmem:s22], [sflag:$0x4], $0x80, s28, s20, $0xb8;
	[tilespmem:$0x1EC00] =	vst v63  }
0x7b: {  	_ =	swait.ge [sflag:s16], $0x4000  }
0x7c: {  	[sflag:s16] =	ssyncset.done $0x0  }
0x7d: {  	s26 =	simm.s32 $0x480;
	[sflag:s16] =	ssyncadd.s32 $0xFFFFC000  }
0x7e: {  	[tilespmem:s22], [sflag:$0x2] =	stream.indirect.gather [hbm4b:s4+s20], $0x80, s26, s20, $0xb8;
	[tilespmem:$0x1EC00] =	vst v63  }
0x7f: {  	_ =	swait.ge [sflag:s23], $0x4000  }
0x80: {  	[sflag:s23] =	ssyncset.done $0x0  }
0x81: {  	s28 =	simm.s32 $0x1000;
	[sflag:s23] =	ssyncadd.s32 $0xFFFFC000  }
0x82: {  	[spmem:s2] =	stream.indirect.scatter.add.f32 [tilespmem:s21], [sflag:$0x4], $0x80, s28, s20, $0xb8;
	[tilespmem:$0x1EC00] =	vst v63  }
0x83: {  	_ =	swait.ge [sflag:s16], $0x4000  }
0x84: {  	[sflag:s16] =	ssyncset.done $0x0  }
0x85: {  	s26 =	simm.s32 $0x500;
	[sflag:s16] =	ssyncadd.s32 $0xFFFFC000  }
0x86: {  	[tilespmem:s21], [sflag:$0x1] =	stream.indirect.gather [hbm4b:s4+s20], $0x80, s26, s20, $0xb8;
	[tilespmem:$0x1EC00] =	vst v63  }
0x87: {  	_ =	swait.ge [sflag:s25], $0x4000  }
0x88: {  	[sflag:s25] =	ssyncset.done $0x0  }
0x89: {  	s28 =	simm.s32 $0x1080;
	[sflag:s25] =	ssyncadd.s32 $0xFFFFC000  }
0x8a: {  	[spmem:s2] =	stream.indirect.scatter.add.f32 [tilespmem:s22], [sflag:$0x4], $0x80, s28, s20, $0xb8;
	[tilespmem:$0x1EC00] =	vst v63  }
0x8b: {  	_ =	swait.ge [sflag:s16], $0x4000  }
0x8c: {  	[sflag:s16] =	ssyncset.done $0x0  }
0x8d: {  	s26 =	simm.s32 $0x580;
	[sflag:s16] =	ssyncadd.s32 $0xFFFFC000  }
0x8e: {  	[tilespmem:s22], [sflag:$0x2] =	stream.indirect.gather [hbm4b:s4+s20], $0x80, s26, s20, $0xb8;
	[tilespmem:$0x1EC00] =	vst v63  }
0x8f: {  	_ =	swait.ge [sflag:s23], $0x4000  }
0x90: {  	[sflag:s23] =	ssyncset.done $0x0  }
0x91: {  	s28 =	simm.s32 $0x1100;
	[sflag:s23] =	ssyncadd.s32 $0xFFFFC000  }
0x92: {  	[spmem:s2] =	stream.indirect.scatter.add.f32 [tilespmem:s21], [sflag:$0x4], $0x80, s28, s20, $0xb8;
	[tilespmem:$0x1EC00] =	vst v63  }
0x93: {  	_ =	swait.ge [sflag:s16], $0x4000  }
0x94: {  	[sflag:s16] =	ssyncset.done $0x0  }
0x95: {  	s26 =	simm.s32 $0x600;
	[sflag:s16] =	ssyncadd.s32 $0xFFFFC000  }
0x96: {  	[tilespmem:s21], [sflag:$0x1] =	stream.indirect.gather [hbm4b:s4+s20], $0x80, s26, s20, $0xb8;
	[tilespmem:$0x1EC00] =	vst v63  }
0x97: {  	_ =	swait.ge [sflag:s25], $0x4000  }
0x98: {  	[sflag:s25] =	ssyncset.done $0x0  }
0x99: {  	s28 =	simm.s32 $0x1180;
	[sflag:s25] =	ssyncadd.s32 $0xFFFFC000  }
0x9a: {  	[spmem:s2] =	stream.indirect.scatter.add.f32 [tilespmem:s22], [sflag:$0x4], $0x80, s28, s20, $0xb8;
	[tilespmem:$0x1EC00] =	vst v63  }
0x9b: {  	_ =	swait.ge [sflag:s16], $0x4000  }
0x9c: {  	[sflag:s16] =	ssyncset.done $0x0  }
0x9d: {  	s26 =	simm.s32 $0x680;
	[sflag:s16] =	ssyncadd.s32 $0xFFFFC000  }
0x9e: {  	[tilespmem:s22], [sflag:$0x2] =	stream.indirect.gather [hbm4b:s4+s20], $0x80, s26, s20, $0xb8;
	[tilespmem:$0x1EC00] =	vst v63  }
0x9f: {  	_ =	swait.ge [sflag:s23], $0x4000  }
0xa0: {  	[sflag:s23] =	ssyncset.done $0x0  }
0xa1: {  	s28 =	simm.s32 $0x1200;
	[sflag:s23] =	ssyncadd.s32 $0xFFFFC000  }
0xa2: {  	[spmem:s2] =	stream.indirect.scatter.add.f32 [tilespmem:s21], [sflag:$0x4], $0x80, s28, s20, $0xb8;
	[tilespmem:$0x1EC00] =	vst v63  }
0xa3: {  	_ =	swait.ge [sflag:s16], $0x4000  }
0xa4: {  	[sflag:s16] =	ssyncset.done $0x0  }
0xa5: {  	s26 =	simm.s32 $0x700;
	[sflag:s16] =	ssyncadd.s32 $0xFFFFC000  }
0xa6: {  	[tilespmem:s21], [sflag:$0x1] =	stream.indirect.gather [hbm4b:s4+s20], $0x80, s26, s20, $0xb8;
	[tilespmem:$0x1EC00] =	vst v63  }
0xa7: {  	_ =	swait.ge [sflag:s25], $0x4000  }
0xa8: {  	[sflag:s25] =	ssyncset.done $0x0  }
0xa9: {  	s28 =	simm.s32 $0x1280;
	[sflag:s25] =	ssyncadd.s32 $0xFFFFC000  }
0xaa: {  	[spmem:s2] =	stream.indirect.scatter.add.f32 [tilespmem:s22], [sflag:$0x4], $0x80, s28, s20, $0xb8;
	[tilespmem:$0x1EC00] =	vst v63  }
0xab: {  	_ =	swait.ge [sflag:s16], $0x4000  }
0xac: {  	[sflag:s16] =	ssyncset.done $0x0  }
0xad: {  	s26 =	simm.s32 $0x780;
	[sflag:s16] =	ssyncadd.s32 $0xFFFFC000  }
0xae: {  	[tilespmem:s22], [sflag:$0x2] =	stream.indirect.gather [hbm4b:s4+s20], $0x80, s26, s20, $0xb8;
	[tilespmem:$0x1EC00] =	vst v63  }
0xaf: {  	_ =	swait.ge [sflag:s23], $0x4000  }
0xb0: {  	[sflag:s23] =	ssyncset.done $0x0  }
0xb1: {  	s28 =	simm.s32 $0x1300;
	[sflag:s23] =	ssyncadd.s32 $0xFFFFC000  }
0xb2: {  	[spmem:s2] =	stream.indirect.scatter.add.f32 [tilespmem:s21], [sflag:$0x4], $0x80, s28, s20, $0xb8;
	[tilespmem:$0x1EC00] =	vst v63  }
0xb3: {  	_ =	swait.ge [sflag:s16], $0x4000  }
0xb4: {  	[sflag:s16] =	ssyncset.done $0x0  }
0xb5: {  	s26 =	simm.s32 $0x800;
	[sflag:s16] =	ssyncadd.s32 $0xFFFFC000  }
0xb6: {  	[tilespmem:s21], [sflag:$0x1] =	stream.indirect.gather [hbm4b:s4+s20], $0x80, s26, s20, $0xb8;
	[tilespmem:$0x1EC00] =	vst v63  }
0xb7: {  	_ =	swait.ge [sflag:s25], $0x4000  }
0xb8: {  	[sflag:s25] =	ssyncset.done $0x0  }
0xb9: {  	s28 =	simm.s32 $0x1380;
	[sflag:s25] =	ssyncadd.s32 $0xFFFFC000  }
0xba: {  	[spmem:s2] =	stream.indirect.scatter.add.f32 [tilespmem:s22], [sflag:$0x4], $0x80, s28, s20, $0xb8;
	[tilespmem:$0x1EC00] =	vst v63  }
0xbb: {  	_ =	swait.ge [sflag:s16], $0x4000  }
0xbc: {  	[sflag:s16] =	ssyncset.done $0x0  }
0xbd: {  	s26 =	simm.s32 $0x880;
	[sflag:s16] =	ssyncadd.s32 $0xFFFFC000  }
0xbe: {  	[tilespmem:s22], [sflag:$0x2] =	stream.indirect.gather [hbm4b:s4+s20], $0x80, s26, s20, $0xb8;
	[tilespmem:$0x1EC00] =	vst v63  }
0xbf: {  	_ =	swait.ge [sflag:s23], $0x4000  }
0xc0: {  	[sflag:s23] =	ssyncset.done $0x0  }
0xc1: {  	s28 =	simm.s32 $0x1400;
	[sflag:s23] =	ssyncadd.s32 $0xFFFFC000  }
0xc2: {  	[spmem:s2] =	stream.indirect.scatter.add.f32 [tilespmem:s21], [sflag:$0x4], $0x80, s28, s20, $0xb8;
	[tilespmem:$0x1EC00] =	vst v63  }
0xc3: {  	_ =	swait.ge [sflag:s16], $0x4000  }
0xc4: {  	[sflag:s16] =	ssyncset.done $0x0  }
0xc5: {  	s26 =	simm.s32 $0x900;
	[sflag:s16] =	ssyncadd.s32 $0xFFFFC000  }
0xc6: {  	[tilespmem:s21], [sflag:$0x1] =	stream.indirect.gather [hbm4b:s4+s20], $0x80, s26, s20, $0xb8;
	[tilespmem:$0x1EC00] =	vst v63  }
0xc7: {  	_ =	swait.ge [sflag:s25], $0x4000  }
0xc8: {  	[sflag:s25] =	ssyncset.done $0x0  }
0xc9: {  	s28 =	simm.s32 $0x1480;
	[sflag:s25] =	ssyncadd.s32 $0xFFFFC000  }
0xca: {  	[spmem:s2] =	stream.indirect.scatter.add.f32 [tilespmem:s22], [sflag:$0x4], $0x80, s28, s20, $0xb8;
	[tilespmem:$0x1EC00] =	vst v63  }
0xcb: {  	_ =	swait.ge [sflag:s16], $0x4000  }
0xcc: {  	[sflag:s16] =	ssyncset.done $0x0  }
0xcd: {  	s26 =	simm.s32 $0x980;
	[sflag:s16] =	ssyncadd.s32 $0xFFFFC000  }
0xce: {  	[tilespmem:s22], [sflag:$0x2] =	stream.indirect.gather [hbm4b:s4+s20], $0x80, s26, s20, $0xb8;
	[tilespmem:$0x1EC00] =	vst v63  }
0xcf: {  	_ =	swait.ge [sflag:s23], $0x4000  }
0xd0: {  	[sflag:s23] =	ssyncset.done $0x0  }
0xd1: {  	s28 =	simm.s32 $0x1500;
	[sflag:s23] =	ssyncadd.s32 $0xFFFFC000  }
0xd2: {  	[spmem:s2] =	stream.indirect.scatter.add.f32 [tilespmem:s21], [sflag:$0x4], $0x80, s28, s20, $0xb8;
	[tilespmem:$0x1EC00] =	vst v63  }
0xd3: {  	_ =	swait.ge [sflag:s16], $0x4000  }
0xd4: {  	[sflag:s16] =	ssyncset.done $0x0  }
0xd5: {  	[sflag:s16] =	ssyncadd.s32 $0xFFFFC000  }
0xd6: {  	_ =	swait.ge [sflag:s25], $0x4000  }
0xd7: {  	[sflag:s25] =	ssyncset.done $0x0  }
0xd8: {  	s26 =	simm.s32 $0x1580;
	[sflag:s25] =	ssyncadd.s32 $0xFFFFC000  }
0xd9: {  	[spmem:s2] =	stream.indirect.scatter.add.f32 [tilespmem:s22], [sflag:$0x4], $0x80, s26, s20, $0xb8;
	[tilespmem:$0x1EC00] =	vst v63  }
0xda: {  	_ =	swait.ge [sflag:s16], $0x4000  }
0xdb: {  	[sflag:s16] =	ssyncset.done $0x0  }
0xdc: {  	[sflag:s16] =	ssyncadd.s32 $0xFFFFC000  }
0xdd: {  	_ =	swait.ge [sflag:s0], $0xA00  }
0xde: {  	[sflag:s0] =	ssyncset.done $0x0  }
0xdf: {  	[sflag:s0] =	ssyncadd.s32 $0xFFFFF600  }
0xe0: {  	_ =	swait.ge [sflag:s0], $0xA00  }
0xe1: {  	p0 =	seq.s32 s15, $0x900;
	[sflag:s0] =	ssyncset.done $0x0  }
0xe2: {  	s24 =	sadd.s32 @!p0 s15, s12;
	s26 =	simm.s32 @!p0 $0x0;
	[sflag:s0] =	ssyncadd.s32 $0xFFFFF600  }
0xe3: {  	[tilespmem:s26], [sflag:$0x3] =	stream.linear.gather @!p0 [hbm4b:s24+s26], $0xA00, $0x38;
	[tilespmem:$0x1EC00] =	vst v63  }
0xe4: {  	s28 =	simm.s32 @!p0 $0xC00;
	s24 =	sadd.s32 @!p0 s15, s11  }
0xe5: {  	[tilespmem:s28], [sflag:$0x3] =	stream.linear.gather @!p0 [hbm4b:s24+s26], $0xA00, $0x38;
	[tilespmem:$0x1EC00] =	vst v63  }
0xe6: {  	_ = 	snop  }
0xe7: {  	[tilespmem:s21], [sflag:$0x1] =	stream.indirect.gather [hbm4b:s4+s20], $0x80, s18, s20, $0xb8;
	[tilespmem:$0x1EC00] =	vst v63  }
0xe8: {  	s28 =	simm.s32 $0x1880  }
0xe9: {  	[tilespmem:s22], [sflag:$0x2] =	stream.indirect.gather [hbm4b:s4+s20], $0x80, s28, s20, $0xb8;
	[tilespmem:$0x1EC00] =	vst v63  }
0xea: {  	_ =	swait.ge [sflag:s23], $0x4000  }
0xeb: {  	[sflag:s23] =	ssyncset.done $0x0  }
0xec: {  	[sflag:s23] =	ssyncadd.s32 $0xFFFFC000  }
0xed: {  	[spmem:s2] =	stream.indirect.scatter.add.f32 [tilespmem:s21], [sflag:$0x4], $0x80, s19, s20, $0xb8;
	[tilespmem:$0x1EC00] =	vst v63  }
0xee: {  	_ =	swait.ge [sflag:s16], $0x4000  }
0xef: {  	[sflag:s16] =	ssyncset.done $0x0  }
0xf0: {  	s26 =	simm.s32 $0x1900;
	[sflag:s16] =	ssyncadd.s32 $0xFFFFC000  }
0xf1: {  	[tilespmem:s21], [sflag:$0x1] =	stream.indirect.gather [hbm4b:s4+s20], $0x80, s26, s20, $0xb8;
	[tilespmem:$0x1EC00] =	vst v63  }
0xf2: {  	_ =	swait.ge [sflag:s25], $0x4000  }
0xf3: {  	[sflag:s25] =	ssyncset.done $0x0  }
0xf4: {  	s28 =	simm.s32 $0x2480;
	[sflag:s25] =	ssyncadd.s32 $0xFFFFC000  }
0xf5: {  	[spmem:s2] =	stream.indirect.scatter.add.f32 [tilespmem:s22], [sflag:$0x4], $0x80, s28, s20, $0xb8;
	[tilespmem:$0x1EC00] =	vst v63  }
0xf6: {  	_ =	swait.ge [sflag:s16], $0x4000  }
0xf7: {  	[sflag:s16] =	ssyncset.done $0x0  }
0xf8: {  	s26 =	simm.s32 $0x1980;
	[sflag:s16] =	ssyncadd.s32 $0xFFFFC000  }
0xf9: {  	[tilespmem:s22], [sflag:$0x2] =	stream.indirect.gather [hbm4b:s4+s20], $0x80, s26, s20, $0xb8;
	[tilespmem:$0x1EC00] =	vst v63  }
0xfa: {  	_ =	swait.ge [sflag:s23], $0x4000  }
0xfb: {  	[sflag:s23] =	ssyncset.done $0x0  }
0xfc: {  	s28 =	simm.s32 $0x2500;
	[sflag:s23] =	ssyncadd.s32 $0xFFFFC000  }
0xfd: {  	[spmem:s2] =	stream.indirect.scatter.add.f32 [tilespmem:s21], [sflag:$0x4], $0x80, s28, s20, $0xb8;
	[tilespmem:$0x1EC00] =	vst v63  }
0xfe: {  	_ =	swait.ge [sflag:s16], $0x4000  }
0xff: {  	[sflag:s16] =	ssyncset.done $0x0  }
0x100: {  	s26 =	simm.s32 $0x1A00;
	[sflag:s16] =	ssyncadd.s32 $0xFFFFC000  }
0x101: {  	[tilespmem:s21], [sflag:$0x1] =	stream.indirect.gather [hbm4b:s4+s20], $0x80, s26, s20, $0xb8;
	[tilespmem:$0x1EC00] =	vst v63  }
0x102: {  	_ =	swait.ge [sflag:s25], $0x4000  }
0x103: {  	[sflag:s25] =	ssyncset.done $0x0  }
0x104: {  	s28 =	simm.s32 $0x2580;
	[sflag:s25] =	ssyncadd.s32 $0xFFFFC000  }
0x105: {  	[spmem:s2] =	stream.indirect.scatter.add.f32 [tilespmem:s22], [sflag:$0x4], $0x80, s28, s20, $0xb8;
	[tilespmem:$0x1EC00] =	vst v63  }
0x106: {  	_ =	swait.ge [sflag:s16], $0x4000  }
0x107: {  	[sflag:s16] =	ssyncset.done $0x0  }
0x108: {  	s26 =	simm.s32 $0x1A80;
	[sflag:s16] =	ssyncadd.s32 $0xFFFFC000  }
0x109: {  	[tilespmem:s22], [sflag:$0x2] =	stream.indirect.gather [hbm4b:s4+s20], $0x80, s26, s20, $0xb8;
	[tilespmem:$0x1EC00] =	vst v63  }
0x10a: {  	_ =	swait.ge [sflag:s23], $0x4000  }
0x10b: {  	[sflag:s23] =	ssyncset.done $0x0  }
0x10c: {  	s28 =	simm.s32 $0x2600;
	[sflag:s23] =	ssyncadd.s32 $0xFFFFC000  }
0x10d: {  	[spmem:s2] =	stream.indirect.scatter.add.f32 [tilespmem:s21], [sflag:$0x4], $0x80, s28, s20, $0xb8;
	[tilespmem:$0x1EC00] =	vst v63  }
0x10e: {  	_ =	swait.ge [sflag:s16], $0x4000  }
0x10f: {  	[sflag:s16] =	ssyncset.done $0x0  }
0x110: {  	s26 =	simm.s32 $0x1B00;
	[sflag:s16] =	ssyncadd.s32 $0xFFFFC000  }
0x111: {  	[tilespmem:s21], [sflag:$0x1] =	stream.indirect.gather [hbm4b:s4+s20], $0x80, s26, s20, $0xb8;
	[tilespmem:$0x1EC00] =	vst v63  }
0x112: {  	_ =	swait.ge [sflag:s25], $0x4000  }
0x113: {  	[sflag:s25] =	ssyncset.done $0x0  }
0x114: {  	s28 =	simm.s32 $0x2680;
	[sflag:s25] =	ssyncadd.s32 $0xFFFFC000  }
0x115: {  	[spmem:s2] =	stream.indirect.scatter.add.f32 [tilespmem:s22], [sflag:$0x4], $0x80, s28, s20, $0xb8;
	[tilespmem:$0x1EC00] =	vst v63  }
0x116: {  	_ =	swait.ge [sflag:s16], $0x4000  }
0x117: {  	[sflag:s16] =	ssyncset.done $0x0  }
0x118: {  	s26 =	simm.s32 $0x1B80;
	[sflag:s16] =	ssyncadd.s32 $0xFFFFC000  }
0x119: {  	[tilespmem:s22], [sflag:$0x2] =	stream.indirect.gather [hbm4b:s4+s20], $0x80, s26, s20, $0xb8;
	[tilespmem:$0x1EC00] =	vst v63  }
0x11a: {  	_ =	swait.ge [sflag:s23], $0x4000  }
0x11b: {  	[sflag:s23] =	ssyncset.done $0x0  }
0x11c: {  	s28 =	simm.s32 $0x2700;
	[sflag:s23] =	ssyncadd.s32 $0xFFFFC000  }
0x11d: {  	[spmem:s2] =	stream.indirect.scatter.add.f32 [tilespmem:s21], [sflag:$0x4], $0x80, s28, s20, $0xb8;
	[tilespmem:$0x1EC00] =	vst v63  }
0x11e: {  	_ =	swait.ge [sflag:s16], $0x4000  }
0x11f: {  	[sflag:s16] =	ssyncset.done $0x0  }
0x120: {  	s26 =	simm.s32 $0x1C00;
	[sflag:s16] =	ssyncadd.s32 $0xFFFFC000  }
0x121: {  	[tilespmem:s21], [sflag:$0x1] =	stream.indirect.gather [hbm4b:s4+s20], $0x80, s26, s20, $0xb8;
	[tilespmem:$0x1EC00] =	vst v63  }
0x122: {  	_ =	swait.ge [sflag:s25], $0x4000  }
0x123: {  	[sflag:s25] =	ssyncset.done $0x0  }
0x124: {  	s28 =	simm.s32 $0x2780;
	[sflag:s25] =	ssyncadd.s32 $0xFFFFC000  }
0x125: {  	[spmem:s2] =	stream.indirect.scatter.add.f32 [tilespmem:s22], [sflag:$0x4], $0x80, s28, s20, $0xb8;
	[tilespmem:$0x1EC00] =	vst v63  }
0x126: {  	_ =	swait.ge [sflag:s16], $0x4000  }
0x127: {  	[sflag:s16] =	ssyncset.done $0x0  }
0x128: {  	s26 =	simm.s32 $0x1C80;
	[sflag:s16] =	ssyncadd.s32 $0xFFFFC000  }
0x129: {  	[tilespmem:s22], [sflag:$0x2] =	stream.indirect.gather [hbm4b:s4+s20], $0x80, s26, s20, $0xb8;
	[tilespmem:$0x1EC00] =	vst v63  }
0x12a: {  	_ =	swait.ge [sflag:s23], $0x4000  }
0x12b: {  	[sflag:s23] =	ssyncset.done $0x0  }
0x12c: {  	s28 =	simm.s32 $0x2800;
	[sflag:s23] =	ssyncadd.s32 $0xFFFFC000  }
0x12d: {  	[spmem:s2] =	stream.indirect.scatter.add.f32 [tilespmem:s21], [sflag:$0x4], $0x80, s28, s20, $0xb8;
	[tilespmem:$0x1EC00] =	vst v63  }
0x12e: {  	_ =	swait.ge [sflag:s16], $0x4000  }
0x12f: {  	[sflag:s16] =	ssyncset.done $0x0  }
0x130: {  	s26 =	simm.s32 $0x1D00;
	[sflag:s16] =	ssyncadd.s32 $0xFFFFC000  }
0x131: {  	[tilespmem:s21], [sflag:$0x1] =	stream.indirect.gather [hbm4b:s4+s20], $0x80, s26, s20, $0xb8;
	[tilespmem:$0x1EC00] =	vst v63  }
0x132: {  	_ =	swait.ge [sflag:s25], $0x4000  }
0x133: {  	[sflag:s25] =	ssyncset.done $0x0  }
0x134: {  	s28 =	simm.s32 $0x2880;
	[sflag:s25] =	ssyncadd.s32 $0xFFFFC000  }
0x135: {  	[spmem:s2] =	stream.indirect.scatter.add.f32 [tilespmem:s22], [sflag:$0x4], $0x80, s28, s20, $0xb8;
	[tilespmem:$0x1EC00] =	vst v63  }
0x136: {  	_ =	swait.ge [sflag:s16], $0x4000  }
0x137: {  	[sflag:s16] =	ssyncset.done $0x0  }
0x138: {  	s26 =	simm.s32 $0x1D80;
	[sflag:s16] =	ssyncadd.s32 $0xFFFFC000  }
0x139: {  	[tilespmem:s22], [sflag:$0x2] =	stream.indirect.gather [hbm4b:s4+s20], $0x80, s26, s20, $0xb8;
	[tilespmem:$0x1EC00] =	vst v63  }
0x13a: {  	_ =	swait.ge [sflag:s23], $0x4000  }
0x13b: {  	[sflag:s23] =	ssyncset.done $0x0  }
0x13c: {  	s28 =	simm.s32 $0x2900;
	[sflag:s23] =	ssyncadd.s32 $0xFFFFC000  }
0x13d: {  	[spmem:s2] =	stream.indirect.scatter.add.f32 [tilespmem:s21], [sflag:$0x4], $0x80, s28, s20, $0xb8;
	[tilespmem:$0x1EC00] =	vst v63  }
0x13e: {  	_ =	swait.ge [sflag:s16], $0x4000  }
0x13f: {  	[sflag:s16] =	ssyncset.done $0x0  }
0x140: {  	s26 =	simm.s32 $0x1E00;
	[sflag:s16] =	ssyncadd.s32 $0xFFFFC000  }
0x141: {  	[tilespmem:s21], [sflag:$0x1] =	stream.indirect.gather [hbm4b:s4+s20], $0x80, s26, s20, $0xb8;
	[tilespmem:$0x1EC00] =	vst v63  }
0x142: {  	_ =	swait.ge [sflag:s25], $0x4000  }
0x143: {  	[sflag:s25] =	ssyncset.done $0x0  }
0x144: {  	s28 =	simm.s32 $0x2980;
	[sflag:s25] =	ssyncadd.s32 $0xFFFFC000  }
0x145: {  	[spmem:s2] =	stream.indirect.scatter.add.f32 [tilespmem:s22], [sflag:$0x4], $0x80, s28, s20, $0xb8;
	[tilespmem:$0x1EC00] =	vst v63  }
0x146: {  	_ =	swait.ge [sflag:s16], $0x4000  }
0x147: {  	[sflag:s16] =	ssyncset.done $0x0  }
0x148: {  	s26 =	simm.s32 $0x1E80;
	[sflag:s16] =	ssyncadd.s32 $0xFFFFC000  }
0x149: {  	[tilespmem:s22], [sflag:$0x2] =	stream.indirect.gather [hbm4b:s4+s20], $0x80, s26, s20, $0xb8;
	[tilespmem:$0x1EC00] =	vst v63  }
0x14a: {  	_ =	swait.ge [sflag:s23], $0x4000  }
0x14b: {  	[sflag:s23] =	ssyncset.done $0x0  }
0x14c: {  	s28 =	simm.s32 $0x2A00;
	[sflag:s23] =	ssyncadd.s32 $0xFFFFC000  }
0x14d: {  	[spmem:s2] =	stream.indirect.scatter.add.f32 [tilespmem:s21], [sflag:$0x4], $0x80, s28, s20, $0xb8;
	[tilespmem:$0x1EC00] =	vst v63  }
0x14e: {  	_ =	swait.ge [sflag:s16], $0x4000  }
0x14f: {  	[sflag:s16] =	ssyncset.done $0x0  }
0x150: {  	s26 =	simm.s32 $0x1F00;
	[sflag:s16] =	ssyncadd.s32 $0xFFFFC000  }
0x151: {  	[tilespmem:s21], [sflag:$0x1] =	stream.indirect.gather [hbm4b:s4+s20], $0x80, s26, s20, $0xb8;
	[tilespmem:$0x1EC00] =	vst v63  }
0x152: {  	_ =	swait.ge [sflag:s25], $0x4000  }
0x153: {  	[sflag:s25] =	ssyncset.done $0x0  }
0x154: {  	s28 =	simm.s32 $0x2A80;
	[sflag:s25] =	ssyncadd.s32 $0xFFFFC000  }
0x155: {  	[spmem:s2] =	stream.indirect.scatter.add.f32 [tilespmem:s22], [sflag:$0x4], $0x80, s28, s20, $0xb8;
	[tilespmem:$0x1EC00] =	vst v63  }
0x156: {  	_ =	swait.ge [sflag:s16], $0x4000  }
0x157: {  	[sflag:s16] =	ssyncset.done $0x0  }
0x158: {  	[sflag:s16] =	ssyncadd.s32 $0xFFFFC000  }
0x159: {  	[tilespmem:s22], [sflag:$0x2] =	stream.indirect.gather [hbm4b:s4+s20], $0x80, s29, s20, $0xb8;
	[tilespmem:$0x1EC00] =	vst v63  }
0x15a: {  	_ =	swait.ge [sflag:s23], $0x4000  }
0x15b: {  	[sflag:s23] =	ssyncset.done $0x0  }
0x15c: {  	[sflag:s23] =	ssyncadd.s32 $0xFFFFC000  }
0x15d: {  	[spmem:s2] =	stream.indirect.scatter.add.f32 [tilespmem:s21], [sflag:$0x4], $0x80, s30, s20, $0xb8;
	[tilespmem:$0x1EC00] =	vst v63  }
0x15e: {  	_ =	swait.ge [sflag:s16], $0x4000  }
0x15f: {  	[sflag:s16] =	ssyncset.done $0x0  }
0x160: {  	[sflag:s16] =	ssyncadd.s32 $0xFFFFC000  }
0x161: {  	[tilespmem:s21], [sflag:$0x1] =	stream.indirect.gather [hbm4b:s4+s20], $0x80, s31, s20, $0xb8;
	[tilespmem:$0x1EC00] =	vst v63  }
0x162: {  	_ =	swait.ge [sflag:s25], $0x4000  }
0x163: {  	[sflag:s25] =	ssyncset.done $0x0  }
0x164: {  	[sflag:s25] =	ssyncadd.s32 $0xFFFFC000  }
0x165: {  	[spmem:s2] =	stream.indirect.scatter.add.f32 [tilespmem:s22], [sflag:$0x4], $0x80, s17, s20, $0xb8;
	[tilespmem:$0x1EC00] =	vst v63  }
0x166: {  	_ =	swait.ge [sflag:s16], $0x4000  }
0x167: {  	[sflag:s16] =	ssyncset.done $0x0  }
0x168: {  	[sflag:s16] =	ssyncadd.s32 $0xFFFFC000  }
0x169: {  	[tilespmem:s22], [sflag:$0x2] =	stream.indirect.gather [hbm4b:s4+s20], $0x80, s1, s20, $0xb8;
	[tilespmem:$0x1EC00] =	vst v63  }
0x16a: {  	_ =	swait.ge [sflag:s23], $0x4000  }
0x16b: {  	[sflag:s23] =	ssyncset.done $0x0  }
0x16c: {  	[sflag:s23] =	ssyncadd.s32 $0xFFFFC000  }
0x16d: {  	[spmem:s2] =	stream.indirect.scatter.add.f32 [tilespmem:s21], [sflag:$0x4], $0x80, s5, s20, $0xb8;
	[tilespmem:$0x1EC00] =	vst v63  }
0x16e: {  	_ =	swait.ge [sflag:s16], $0x4000  }
0x16f: {  	[sflag:s16] =	ssyncset.done $0x0  }
0x170: {  	[sflag:s16] =	ssyncadd.s32 $0xFFFFC000  }
0x171: {  	[tilespmem:s21], [sflag:$0x1] =	stream.indirect.gather [hbm4b:s4+s20], $0x80, s7, s20, $0xb8;
	[tilespmem:$0x1EC00] =	vst v63  }
0x172: {  	_ =	swait.ge [sflag:s25], $0x4000  }
0x173: {  	[sflag:s25] =	ssyncset.done $0x0  }
0x174: {  	[sflag:s25] =	ssyncadd.s32 $0xFFFFC000  }
0x175: {  	[spmem:s2] =	stream.indirect.scatter.add.f32 [tilespmem:s22], [sflag:$0x4], $0x80, s8, s20, $0xb8;
	[tilespmem:$0x1EC00] =	vst v63  }
0x176: {  	_ =	swait.ge [sflag:s16], $0x4000  }
0x177: {  	[sflag:s16] =	ssyncset.done $0x0  }
0x178: {  	[sflag:s16] =	ssyncadd.s32 $0xFFFFC000  }
0x179: {  	[tilespmem:s22], [sflag:$0x2] =	stream.indirect.gather [hbm4b:s4+s20], $0x80, s9, s20, $0xb8;
	[tilespmem:$0x1EC00] =	vst v63  }
0x17a: {  	_ =	swait.ge [sflag:s23], $0x4000  }
0x17b: {  	[sflag:s23] =	ssyncset.done $0x0  }
0x17c: {  	[sflag:s23] =	ssyncadd.s32 $0xFFFFC000  }
0x17d: {  	[spmem:s2] =	stream.indirect.scatter.add.f32 [tilespmem:s21], [sflag:$0x4], $0x80, s10, s20, $0xb8;
	[tilespmem:$0x1EC00] =	vst v63  }
0x17e: {  	_ =	swait.ge [sflag:s16], $0x4000  }
0x17f: {  	[sflag:s16] =	ssyncset.done $0x0  }
0x180: {  	[sflag:s16] =	ssyncadd.s32 $0xFFFFC000  }
0x181: {  	_ =	swait.ge [sflag:s25], $0x4000  }
0x182: {  	[sflag:s25] =	ssyncset.done $0x0  }
.Ltmp2:
0x183: {  	[sflag:s25] =	ssyncadd.s32 $0xFFFFC000;
	(pc) =	sbr.rel @p0 .LBB2_4-.Ltmp2, $4  }
0x184: {  	[spmem:s2] =	stream.indirect.scatter.add.f32 [tilespmem:s22], [sflag:$0x4], $0x80, s6, s20, $0xb8;
	[tilespmem:$0x1EC00] =	vst v63  }
0x185: {  	_ =	swait.ge [sflag:s16], $0x4000  }
0x186: {  	[sflag:s16] =	ssyncset.done $0x0  }
0x187: {  	[sflag:s16] =	ssyncadd.s32 $0xFFFFC000  }
0x188: {  	_ =	swait.ge [sflag:s0], $0xA00  }
.Ltmp3:
0x189: {  	[sflag:s0] =	ssyncset.done $0x0;
	(pc) =	sbr.rel .LBB2_2-.Ltmp3, $4  }
0x18a: {  	[sflag:s0] =	ssyncadd.s32 $0xFFFFF600  }
0x18b: {  	_ =	swait.ge [sflag:s0], $0xA00  }
0x18c: {  	[sflag:s0] =	ssyncset.done $0x0  }
0x18d: {  	s15 =	sadd.s32 $0x300, s15;
	[sflag:s0] =	ssyncadd.s32 $0xFFFFF600  }
.LBB2_5:
0x18e: {  	_ =	sfence.sel $0x180000  }
0x18f: {  	[bflag:$0x0] =	sbarrier.arrive $0xFFFF  }
0x190: {  	_ =	strace $0x9000004A  }
0x191: {  	s0 =	stileid.u32;
	[bflag:$0x2] =	sbarrier.arrive $0xFFFF  }
0x192: {  	p0 =	sne.s32 s0, $0x0;
	s0 =	rddreg [dreg:$0x2]  }
0x193: {  	s0 =	sadd.s32 @!p0 $0x100000, s0  }
0x194: {  	[sflag:s0] =	ssyncadd.tile.s32 @!p0 $0x1;
	_ =	shalt  }
.Lfunc_end2:
_tile_overlayer_lowered:
.L_overlay_start_2:
0x195: {  	(tag) =	ssettag $0x2  }
0x196: {  	s0 =	rddreg [dreg:$0x0];
	s2 =	stileid.u32  }
0x197: {  	s1 =	rddreg [dreg:$0x1];
	p0 =	sne.s32 s2, $0x0  }
0x198: {  	s3 =	rddreg [dreg:$0x2];
	[bflag:$0x3] =	sbarrier.arrive $0xFFFF;
	s2 =	simm.s32 @!p0 $0x1C04  }
0x199: {  	[timem:s3], [sflag:s2] =	dma.local @!p0 [hbm:s0], s1  }
0x19a: {  	s0 =	simm.s32 @!p0 $0x4  }
0x19b: {  	_ =	swait.ge @!p0 [sflag:s0], s1  }
0x19c: {  	s1 =	ssub.s32 @!p0 $0x0, s1;
	[sflag:s0] =	ssyncset.done @!p0 $0x0  }
0x19d: {  	[sflag:s0] =	ssyncadd.s32 @!p0 s1  }
0x19e: {  	[bflag:$0x3] =	sbarrier.arrive $0xFFFF  }
0x19f: {  	_ =	shalt  }

</sc_bundles>
